<compile_context>
chip_gen: v7x
topology: tpu7x:2x2x1
jax: 0.10.2.dev20260603
libtpu: 0.0.44.dev20260713+nightly
codegen_flags: <defaults>
</compile_context>

<pallas_src>
import functools
import jax
import jax.numpy as jnp
from jax import lax
from jax.experimental import pallas as pl
from jax.experimental.pallas import tpu as pltpu
from jax.experimental.pallas import tpu_sc as plsc


def kernel(x, pe_table):
    B, S, D = x.shape
    NC, NS = 2, 16
    NW = NC * NS
    rows_w = S // NW
    C = 8
    n_chunks = rows_w // C
    CW = C * D
    U = 8
    n_groups = CW // (16 * U)

    mesh = plsc.VectorSubcoreMesh(core_axis_name="c", subcore_axis_name="s",
                                  num_cores=NC, num_subcores=NS)

    x_flat = x.reshape(B, S * D)
    pe_flat = pe_table.reshape(pe_table.shape[0] * D)

    @functools.partial(
        pl.kernel,
        out_type=jax.ShapeDtypeStruct((B, S * D), jnp.float32),
        mesh=mesh,
        scratch_types=[
            pltpu.VMEM((2, CW), jnp.float32),
            pltpu.VMEM((2, B, CW), jnp.float32),
            pltpu.SemaphoreType.DMA((2,)),
            pltpu.SemaphoreType.DMA((2,)),
        ],
    )
    def sc_add(x_hbm, pe_hbm, out_hbm, pe_v, x_v, in_sems, out_sems):
        wid = lax.axis_index("s") * NC + lax.axis_index("c")
        base = wid * rows_w * D

        def start_in(ci, t):
            o0 = base + ci * CW
            pltpu.async_copy(pe_hbm.at[pl.ds(o0, CW)], pe_v.at[t],
                             in_sems.at[t])
            for b in range(B):
                pltpu.async_copy(x_hbm.at[b, pl.ds(o0, CW)], x_v.at[t, b],
                                 in_sems.at[t])

        def wait_in(s):
            pltpu.make_async_copy(pe_hbm.at[pl.ds(0, CW)], pe_v.at[s],
                                  in_sems.at[s]).wait()
            for b in range(B):
                pltpu.make_async_copy(x_hbm.at[b, pl.ds(0, CW)], x_v.at[s, b],
                                      in_sems.at[s]).wait()

        def start_out(ci, s):
            o0 = base + ci * CW
            for b in range(B):
                pltpu.async_copy(x_v.at[s, b], out_hbm.at[b, pl.ds(o0, CW)],
                                 out_sems.at[s])

        def wait_out(s):
            for b in range(B):
                pltpu.make_async_copy(x_v.at[s, b], out_hbm.at[b, pl.ds(0, CW)],
                                      out_sems.at[s]).wait()

        start_in(0, 0)

        def chunk_body(ci, carry):
            s = ci & 1
            t = 1 - s

            @pl.when(ci + 1 < n_chunks)
            def _():
                @pl.when(ci >= 1)
                def _():
                    wait_out(t)
                start_in(ci + 1, t)

            wait_in(s)

            def vec_body(g, c3):
                o = g * (16 * U)
                for u in range(U):
                    pe_vec = pe_v[s, pl.ds(o + u * 16, 16)]
                    for b in range(B):
                        x_v[s, b, pl.ds(o + u * 16, 16)] = (
                            x_v[s, b, pl.ds(o + u * 16, 16)] + pe_vec)
                return c3
            lax.fori_loop(0, n_groups, vec_body, 0)

            start_out(ci, s)
            return carry

        lax.fori_loop(0, n_chunks, chunk_body, 0)
        wait_out(0)
        wait_out(1)

    return sc_add(x_flat, pe_flat).reshape(B, S, D)

# --- scband reference (transcript-rebuilt; emitter-appended) ---
"""Pipeline reference for scband-learnable-positional-encoding-58248346468745 (READ-ONLY COPY).

The authoritative reference and input builder live on the scoring server;
editing this copy changes nothing except your own understanding.
"""

import jax, jax.numpy as jnp
import numpy as np

D_MODEL = 1024
MAX_LEN = 8192

def setup_inputs(seed: int = 0) -> dict:
    key = jax.random.key(seed)
    k1, k2 = jax.random.split(key)
    x = jax.random.normal(k1, (4, 4096, D_MODEL), dtype=jnp.float32)
    # nn.Embedding default init: N(0, 1)
    pe_table = jax.random.normal(k2, (MAX_LEN, D_MODEL), dtype=jnp.float32)
    return {"x": x, "pe_table": pe_table}

def reference(x, pe_table):
    seq_len = x.shape[1]
    pos = jnp.arange(seq_len)  # int positions
    pe = jnp.take(pe_table, pos, axis=0)  # [S, d_model] embedding gather
    return x + pe[None, :, :]

if __name__ == "__main__":
    import jax
    _d = setup_inputs()
    print(jax.jit(kernel)(*tuple(_d.values())))

</pallas_src>

<mosaic_0001>
#map = affine_map<(d0, d1) -> (0, 0)>
#map1 = affine_map<(d0, d1) -> (0)>
module attributes {stable_mosaic.version = 14 : i64} {
  func.func @sc_add(%arg0: i32, %arg1: i32, %arg2: memref<4x4194304xf32, #tpu.memory_space<hbm>>, %arg3: memref<8388608xf32, #tpu.memory_space<hbm>>, %arg4: memref<4x4194304xf32, #tpu.memory_space<hbm>>, %arg5: memref<2x8192xf32, #tpu.memory_space<vmem>>, %arg6: memref<2x4x8192xf32, #tpu.memory_space<vmem>>, %arg7: memref<2x!tpu.dma_semaphore, #tpu.memory_space<semaphore_mem>>, %arg8: memref<2x!tpu.dma_semaphore, #tpu.memory_space<semaphore_mem>>) attributes {dimension_semantics = [#tpu.dimension_semantics<core_parallel>, #tpu.dimension_semantics<subcore_parallel>], iteration_bounds = array<i64: 2, 16>, scalar_prefetch = 0 : i64, scratch_operands = 4 : i64, tpu.core_type = #tpu.core_type<sc_vector_subcore>, window_params = [{transform_indices = #map}, {transform_indices = #map1}, {transform_indices = #map}]} {
    %mul3A = arith.constant 2 : i32
    %mul3A_0 = arith.muli %arg1, %mul3A : i32
    %add3A = arith.addi %mul3A_0, %arg0 : i32
    %mul3A_1 = arith.constant 128 : i32
    %mul3A_2 = arith.muli %add3A, %mul3A_1 : i32
    %mul3A_3 = arith.constant 1024 : i32
    %mul3A_4 = arith.muli %mul3A_2, %mul3A_3 : i32
    %add3A_5 = arith.constant 0 : i32
    %add3A_6 = arith.addi %mul3A_4, %add3A_5 : i32
    %dma_start3A = arith.constant 0 : i32
    %dma_start3A_7 = arith.constant 0 : i32
    %dma_start3A_8 = arith.constant 0 : i32
    %dma_start3A_9 = tpu.memref_slice %arg5[%dma_start3A, %dma_start3A_8] : memref<2x8192xf32, #tpu.memory_space<vmem>> -> memref<1x8192xf32, #tpu.memory_space<vmem>>
    %dma_start3A_10 = tpu.memref_squeeze %dma_start3A_9 : memref<1x8192xf32, #tpu.memory_space<vmem>> -> memref<8192xf32, #tpu.memory_space<vmem>>
    %dma_start3A_11 = tpu.memref_slice %arg3[%add3A_6] : memref<8388608xf32, #tpu.memory_space<hbm>> -> memref<8192xf32, #tpu.memory_space<hbm>>
    %dma_start3A_12 = tpu.memref_slice %arg7[%dma_start3A_7] : memref<2x!tpu.dma_semaphore, #tpu.memory_space<semaphore_mem>> -> memref<1x!tpu.dma_semaphore, #tpu.memory_space<semaphore_mem>>
    %dma_start3A_13 = tpu.memref_squeeze %dma_start3A_12 : memref<1x!tpu.dma_semaphore, #tpu.memory_space<semaphore_mem>> -> memref<!tpu.dma_semaphore, #tpu.memory_space<semaphore_mem>>
    %dma_start3A_14 = arith.constant 0 : i32
    %dma_start3A_15 = tpu.memref_slice %arg5[%dma_start3A, %dma_start3A_14] : memref<2x8192xf32, #tpu.memory_space<vmem>> -> memref<1x8192xf32, #tpu.memory_space<vmem>>
    %dma_start3A_16 = tpu.memref_squeeze %dma_start3A_15 : memref<1x8192xf32, #tpu.memory_space<vmem>> -> memref<8192xf32, #tpu.memory_space<vmem>>
    %dma_start3A_17 = tpu.memref_slice %arg3[%add3A_6] : memref<8388608xf32, #tpu.memory_space<hbm>> -> memref<8192xf32, #tpu.memory_space<hbm>>
    tpu.enqueue_dma source(%dma_start3A_17 : memref<8192xf32, #tpu.memory_space<hbm>>) target(%dma_start3A_16 : memref<8192xf32, #tpu.memory_space<vmem>>) target_semaphore(%dma_start3A_13 : memref<!tpu.dma_semaphore, #tpu.memory_space<semaphore_mem>>)
    %dma_start3A_18 = arith.constant 0 : i32
    %dma_start3A_19 = arith.constant 0 : i32
    %dma_start3A_20 = arith.constant 0 : i32
    %dma_start3A_21 = arith.constant 0 : i32
    %dma_start3A_22 = arith.constant 0 : i32
    %dma_start3A_23 = tpu.memref_slice %arg6[%dma_start3A_19, %dma_start3A_20, %dma_start3A_22] : memref<2x4x8192xf32, #tpu.memory_space<vmem>> -> memref<1x1x8192xf32, #tpu.memory_space<vmem>>
    %dma_start3A_24 = tpu.memref_squeeze %dma_start3A_23 : memref<1x1x8192xf32, #tpu.memory_space<vmem>> -> memref<8192xf32, #tpu.memory_space<vmem>>
    %dma_start3A_25 = tpu.memref_slice %arg2[%dma_start3A_18, %add3A_6] : memref<4x4194304xf32, #tpu.memory_space<hbm>> -> memref<1x8192xf32, #tpu.memory_space<hbm>>
    %dma_start3A_26 = tpu.memref_squeeze %dma_start3A_25 : memref<1x8192xf32, #tpu.memory_space<hbm>> -> memref<8192xf32, #tpu.memory_space<hbm>>
    %dma_start3A_27 = tpu.memref_slice %arg7[%dma_start3A_21] : memref<2x!tpu.dma_semaphore, #tpu.memory_space<semaphore_mem>> -> memref<1x!tpu.dma_semaphore, #tpu.memory_space<semaphore_mem>>
    %dma_start3A_28 = tpu.memref_squeeze %dma_start3A_27 : memref<1x!tpu.dma_semaphore, #tpu.memory_space<semaphore_mem>> -> memref<!tpu.dma_semaphore, #tpu.memory_space<semaphore_mem>>
    %dma_start3A_29 = arith.constant 0 : i32
    %dma_start3A_30 = tpu.memref_slice %arg6[%dma_start3A_19, %dma_start3A_20, %dma_start3A_29] : memref<2x4x8192xf32, #tpu.memory_space<vmem>> -> memref<1x1x8192xf32, #tpu.memory_space<vmem>>
    %dma_start3A_31 = tpu.memref_squeeze %dma_start3A_30 : memref<1x1x8192xf32, #tpu.memory_space<vmem>> -> memref<8192xf32, #tpu.memory_space<vmem>>
    %dma_start3A_32 = tpu.memref_slice %arg2[%dma_start3A_18, %add3A_6] : memref<4x4194304xf32, #tpu.memory_space<hbm>> -> memref<1x8192xf32, #tpu.memory_space<hbm>>
    %dma_start3A_33 = tpu.memref_squeeze %dma_start3A_32 : memref<1x8192xf32, #tpu.memory_space<hbm>> -> memref<8192xf32, #tpu.memory_space<hbm>>
    tpu.enqueue_dma source(%dma_start3A_33 : memref<8192xf32, #tpu.memory_space<hbm>>) target(%dma_start3A_31 : memref<8192xf32, #tpu.memory_space<vmem>>) target_semaphore(%dma_start3A_28 : memref<!tpu.dma_semaphore, #tpu.memory_space<semaphore_mem>>)
    %dma_start3A_34 = arith.constant 1 : i32
    %dma_start3A_35 = arith.constant 0 : i32
    %dma_start3A_36 = arith.constant 1 : i32
    %dma_start3A_37 = arith.constant 0 : i32
    %dma_start3A_38 = arith.constant 0 : i32
    %dma_start3A_39 = tpu.memref_slice %arg6[%dma_start3A_35, %dma_start3A_36, %dma_start3A_38] : memref<2x4x8192xf32, #tpu.memory_space<vmem>> -> memref<1x1x8192xf32, #tpu.memory_space<vmem>>
    %dma_start3A_40 = tpu.memref_squeeze %dma_start3A_39 : memref<1x1x8192xf32, #tpu.memory_space<vmem>> -> memref<8192xf32, #tpu.memory_space<vmem>>
    %dma_start3A_41 = tpu.memref_slice %arg2[%dma_start3A_34, %add3A_6] : memref<4x4194304xf32, #tpu.memory_space<hbm>> -> memref<1x8192xf32, #tpu.memory_space<hbm>>
    %dma_start3A_42 = tpu.memref_squeeze %dma_start3A_41 : memref<1x8192xf32, #tpu.memory_space<hbm>> -> memref<8192xf32, #tpu.memory_space<hbm>>
    %dma_start3A_43 = tpu.memref_slice %arg7[%dma_start3A_37] : memref<2x!tpu.dma_semaphore, #tpu.memory_space<semaphore_mem>> -> memref<1x!tpu.dma_semaphore, #tpu.memory_space<semaphore_mem>>
    %dma_start3A_44 = tpu.memref_squeeze %dma_start3A_43 : memref<1x!tpu.dma_semaphore, #tpu.memory_space<semaphore_mem>> -> memref<!tpu.dma_semaphore, #tpu.memory_space<semaphore_mem>>
    %dma_start3A_45 = arith.constant 0 : i32
    %dma_start3A_46 = tpu.memref_slice %arg6[%dma_start3A_35, %dma_start3A_36, %dma_start3A_45] : memref<2x4x8192xf32, #tpu.memory_space<vmem>> -> memref<1x1x8192xf32, #tpu.memory_space<vmem>>
    %dma_start3A_47 = tpu.memref_squeeze %dma_start3A_46 : memref<1x1x8192xf32, #tpu.memory_space<vmem>> -> memref<8192xf32, #tpu.memory_space<vmem>>
    %dma_start3A_48 = tpu.memref_slice %arg2[%dma_start3A_34, %add3A_6] : memref<4x4194304xf32, #tpu.memory_space<hbm>> -> memref<1x8192xf32, #tpu.memory_space<hbm>>
    %dma_start3A_49 = tpu.memref_squeeze %dma_start3A_48 : memref<1x8192xf32, #tpu.memory_space<hbm>> -> memref<8192xf32, #tpu.memory_space<hbm>>
    tpu.enqueue_dma source(%dma_start3A_49 : memref<8192xf32, #tpu.memory_space<hbm>>) target(%dma_start3A_47 : memref<8192xf32, #tpu.memory_space<vmem>>) target_semaphore(%dma_start3A_44 : memref<!tpu.dma_semaphore, #tpu.memory_space<semaphore_mem>>)
    %dma_start3A_50 = arith.constant 2 : i32
    %dma_start3A_51 = arith.constant 0 : i32
    %dma_start3A_52 = arith.constant 2 : i32
    %dma_start3A_53 = arith.constant 0 : i32
    %dma_start3A_54 = arith.constant 0 : i32
    %dma_start3A_55 = tpu.memref_slice %arg6[%dma_start3A_51, %dma_start3A_52, %dma_start3A_54] : memref<2x4x8192xf32, #tpu.memory_space<vmem>> -> memref<1x1x8192xf32, #tpu.memory_space<vmem>>
    %dma_start3A_56 = tpu.memref_squeeze %dma_start3A_55 : memref<1x1x8192xf32, #tpu.memory_space<vmem>> -> memref<8192xf32, #tpu.memory_space<vmem>>
    %dma_start3A_57 = tpu.memref_slice %arg2[%dma_start3A_50, %add3A_6] : memref<4x4194304xf32, #tpu.memory_space<hbm>> -> memref<1x8192xf32, #tpu.memory_space<hbm>>
    %dma_start3A_58 = tpu.memref_squeeze %dma_start3A_57 : memref<1x8192xf32, #tpu.memory_space<hbm>> -> memref<8192xf32, #tpu.memory_space<hbm>>
    %dma_start3A_59 = tpu.memref_slice %arg7[%dma_start3A_53] : memref<2x!tpu.dma_semaphore, #tpu.memory_space<semaphore_mem>> -> memref<1x!tpu.dma_semaphore, #tpu.memory_space<semaphore_mem>>
    %dma_start3A_60 = tpu.memref_squeeze %dma_start3A_59 : memref<1x!tpu.dma_semaphore, #tpu.memory_space<semaphore_mem>> -> memref<!tpu.dma_semaphore, #tpu.memory_space<semaphore_mem>>
    %dma_start3A_61 = arith.constant 0 : i32
    %dma_start3A_62 = tpu.memref_slice %arg6[%dma_start3A_51, %dma_start3A_52, %dma_start3A_61] : memref<2x4x8192xf32, #tpu.memory_space<vmem>> -> memref<1x1x8192xf32, #tpu.memory_space<vmem>>
    %dma_start3A_63 = tpu.memref_squeeze %dma_start3A_62 : memref<1x1x8192xf32, #tpu.memory_space<vmem>> -> memref<8192xf32, #tpu.memory_space<vmem>>
    %dma_start3A_64 = tpu.memref_slice %arg2[%dma_start3A_50, %add3A_6] : memref<4x4194304xf32, #tpu.memory_space<hbm>> -> memref<1x8192xf32, #tpu.memory_space<hbm>>
    %dma_start3A_65 = tpu.memref_squeeze %dma_start3A_64 : memref<1x8192xf32, #tpu.memory_space<hbm>> -> memref<8192xf32, #tpu.memory_space<hbm>>
    tpu.enqueue_dma source(%dma_start3A_65 : memref<8192xf32, #tpu.memory_space<hbm>>) target(%dma_start3A_63 : memref<8192xf32, #tpu.memory_space<vmem>>) target_semaphore(%dma_start3A_60 : memref<!tpu.dma_semaphore, #tpu.memory_space<semaphore_mem>>)
    %dma_start3A_66 = arith.constant 3 : i32
    %dma_start3A_67 = arith.constant 0 : i32
    %dma_start3A_68 = arith.constant 3 : i32
    %dma_start3A_69 = arith.constant 0 : i32
    %dma_start3A_70 = arith.constant 0 : i32
    %dma_start3A_71 = tpu.memref_slice %arg6[%dma_start3A_67, %dma_start3A_68, %dma_start3A_70] : memref<2x4x8192xf32, #tpu.memory_space<vmem>> -> memref<1x1x8192xf32, #tpu.memory_space<vmem>>
    %dma_start3A_72 = tpu.memref_squeeze %dma_start3A_71 : memref<1x1x8192xf32, #tpu.memory_space<vmem>> -> memref<8192xf32, #tpu.memory_space<vmem>>
    %dma_start3A_73 = tpu.memref_slice %arg2[%dma_start3A_66, %add3A_6] : memref<4x4194304xf32, #tpu.memory_space<hbm>> -> memref<1x8192xf32, #tpu.memory_space<hbm>>
    %dma_start3A_74 = tpu.memref_squeeze %dma_start3A_73 : memref<1x8192xf32, #tpu.memory_space<hbm>> -> memref<8192xf32, #tpu.memory_space<hbm>>
    %dma_start3A_75 = tpu.memref_slice %arg7[%dma_start3A_69] : memref<2x!tpu.dma_semaphore, #tpu.memory_space<semaphore_mem>> -> memref<1x!tpu.dma_semaphore, #tpu.memory_space<semaphore_mem>>
    %dma_start3A_76 = tpu.memref_squeeze %dma_start3A_75 : memref<1x!tpu.dma_semaphore, #tpu.memory_space<semaphore_mem>> -> memref<!tpu.dma_semaphore, #tpu.memory_space<semaphore_mem>>
    %dma_start3A_77 = arith.constant 0 : i32
    %dma_start3A_78 = tpu.memref_slice %arg6[%dma_start3A_67, %dma_start3A_68, %dma_start3A_77] : memref<2x4x8192xf32, #tpu.memory_space<vmem>> -> memref<1x1x8192xf32, #tpu.memory_space<vmem>>
    %dma_start3A_79 = tpu.memref_squeeze %dma_start3A_78 : memref<1x1x8192xf32, #tpu.memory_space<vmem>> -> memref<8192xf32, #tpu.memory_space<vmem>>
    %dma_start3A_80 = tpu.memref_slice %arg2[%dma_start3A_66, %add3A_6] : memref<4x4194304xf32, #tpu.memory_space<hbm>> -> memref<1x8192xf32, #tpu.memory_space<hbm>>
    %dma_start3A_81 = tpu.memref_squeeze %dma_start3A_80 : memref<1x8192xf32, #tpu.memory_space<hbm>> -> memref<8192xf32, #tpu.memory_space<hbm>>
    tpu.enqueue_dma source(%dma_start3A_81 : memref<8192xf32, #tpu.memory_space<hbm>>) target(%dma_start3A_79 : memref<8192xf32, #tpu.memory_space<vmem>>) target_semaphore(%dma_start3A_76 : memref<!tpu.dma_semaphore, #tpu.memory_space<semaphore_mem>>)
    %scan3A = arith.constant 0 : i32
    %scan3A_82 = arith.constant 0 : i32
    %scan3A_83 = arith.constant 16 : i32
    %scan3A_84 = arith.addi %scan3A_82, %scan3A_83 : i32
    %scan3A_85 = arith.constant 1 : i32
    scf.for %scan3A_230 = %scan3A_82 to %scan3A_84 step %scan3A_85  : i32 {
      %and3A = arith.constant 1 : i32
      %and3A_231 = arith.andi %scan3A_230, %and3A : i32
      %sub3A = arith.constant 1 : i32
      %sub3A_232 = arith.subi %sub3A, %and3A_231 : i32
      %add3A_233 = arith.constant 1 : i32
      %add3A_234 = arith.addi %scan3A_230, %add3A_233 : i32
      %lt3A = arith.constant 16 : i32
      %lt3A_235 = arith.cmpi slt, %add3A_234, %lt3A : i32
      %convert_element_type3A = arith.extui %lt3A_235 : i1 to i32
      %cond3A = arith.constant 0 : i32
      %cond3A_236 = arith.cmpi ne, %convert_element_type3A, %cond3A : i32
      scf.if %cond3A_236 {
        %ge3A = arith.constant 1 : i32
        %ge3A_378 = arith.cmpi sge, %scan3A_230, %ge3A : i32
        %convert_element_type3A_379 = arith.extui %ge3A_378 : i1 to i32
        %cond3A_380 = arith.constant 0 : i32
        %cond3A_381 = arith.cmpi ne, %convert_element_type3A_379, %cond3A_380 : i32
        scf.if %cond3A_381 {
          %dma_wait3A_453 = arith.constant 0 : i32
          %dma_wait3A_454 = arith.constant 0 : i32
          %dma_wait3A_455 = arith.constant 0 : i32
          %dma_wait3A_456 = tpu.memref_slice %arg6[%sub3A_232, %dma_wait3A_453, %dma_wait3A_455] : memref<2x4x8192xf32, #tpu.memory_space<vmem>> -> memref<1x1x8192xf32, #tpu.memory_space<vmem>>
          %dma_wait3A_457 = tpu.memref_squeeze %dma_wait3A_456 : memref<1x1x8192xf32, #tpu.memory_space<vmem>> -> memref<8192xf32, #tpu.memory_space<vmem>>
          %dma_wait3A_458 = arith.constant 0 : i32
          %dma_wait3A_459 = tpu.memref_slice %arg4[%dma_wait3A_454, %dma_wait3A_458] : memref<4x4194304xf32, #tpu.memory_space<hbm>> -> memref<1x8192xf32, #tpu.memory_space<hbm>>
          %dma_wait3A_460 = tpu.memref_squeeze %dma_wait3A_459 : memref<1x8192xf32, #tpu.memory_space<hbm>> -> memref<8192xf32, #tpu.memory_space<hbm>>
          %dma_wait3A_461 = tpu.memref_slice %arg8[%sub3A_232] : memref<2x!tpu.dma_semaphore, #tpu.memory_space<semaphore_mem>> -> memref<1x!tpu.dma_semaphore, #tpu.memory_space<semaphore_mem>>
          %dma_wait3A_462 = tpu.memref_squeeze %dma_wait3A_461 : memref<1x!tpu.dma_semaphore, #tpu.memory_space<semaphore_mem>> -> memref<!tpu.dma_semaphore, #tpu.memory_space<semaphore_mem>>
          %dma_wait3A_463 = arith.constant 0 : i32
          %dma_wait3A_464 = tpu.memref_slice %arg4[%dma_wait3A_454, %dma_wait3A_463] : memref<4x4194304xf32, #tpu.memory_space<hbm>> -> memref<1x8192xf32, #tpu.memory_space<hbm>>
          %dma_wait3A_465 = tpu.memref_squeeze %dma_wait3A_464 : memref<1x8192xf32, #tpu.memory_space<hbm>> -> memref<8192xf32, #tpu.memory_space<hbm>>
          %dma_wait3A_466 = arith.constant 0 : i32
          %dma_wait3A_467 = tpu.memref_slice %arg6[%sub3A_232, %dma_wait3A_453, %dma_wait3A_466] : memref<2x4x8192xf32, #tpu.memory_space<vmem>> -> memref<1x1x8192xf32, #tpu.memory_space<vmem>>
          %dma_wait3A_468 = tpu.memref_squeeze %dma_wait3A_467 : memref<1x1x8192xf32, #tpu.memory_space<vmem>> -> memref<8192xf32, #tpu.memory_space<vmem>>
          tpu.wait_dma2 semaphore(%dma_wait3A_462 : memref<!tpu.dma_semaphore, #tpu.memory_space<semaphore_mem>>) src(%dma_wait3A_468 : memref<8192xf32, #tpu.memory_space<vmem>>) dst(%dma_wait3A_465 : memref<8192xf32, #tpu.memory_space<hbm>>)
          %dma_wait3A_469 = arith.constant 1 : i32
          %dma_wait3A_470 = arith.constant 1 : i32
          %dma_wait3A_471 = arith.constant 0 : i32
          %dma_wait3A_472 = tpu.memref_slice %arg6[%sub3A_232, %dma_wait3A_469, %dma_wait3A_471] : memref<2x4x8192xf32, #tpu.memory_space<vmem>> -> memref<1x1x8192xf32, #tpu.memory_space<vmem>>
          %dma_wait3A_473 = tpu.memref_squeeze %dma_wait3A_472 : memref<1x1x8192xf32, #tpu.memory_space<vmem>> -> memref<8192xf32, #tpu.memory_space<vmem>>
          %dma_wait3A_474 = arith.constant 0 : i32
          %dma_wait3A_475 = tpu.memref_slice %arg4[%dma_wait3A_470, %dma_wait3A_474] : memref<4x4194304xf32, #tpu.memory_space<hbm>> -> memref<1x8192xf32, #tpu.memory_space<hbm>>
          %dma_wait3A_476 = tpu.memref_squeeze %dma_wait3A_475 : memref<1x8192xf32, #tpu.memory_space<hbm>> -> memref<8192xf32, #tpu.memory_space<hbm>>
          %dma_wait3A_477 = tpu.memref_slice %arg8[%sub3A_232] : memref<2x!tpu.dma_semaphore, #tpu.memory_space<semaphore_mem>> -> memref<1x!tpu.dma_semaphore, #tpu.memory_space<semaphore_mem>>
          %dma_wait3A_478 = tpu.memref_squeeze %dma_wait3A_477 : memref<1x!tpu.dma_semaphore, #tpu.memory_space<semaphore_mem>> -> memref<!tpu.dma_semaphore, #tpu.memory_space<semaphore_mem>>
          %dma_wait3A_479 = arith.constant 0 : i32
          %dma_wait3A_480 = tpu.memref_slice %arg4[%dma_wait3A_470, %dma_wait3A_479] : memref<4x4194304xf32, #tpu.memory_space<hbm>> -> memref<1x8192xf32, #tpu.memory_space<hbm>>
          %dma_wait3A_481 = tpu.memref_squeeze %dma_wait3A_480 : memref<1x8192xf32, #tpu.memory_space<hbm>> -> memref<8192xf32, #tpu.memory_space<hbm>>
          %dma_wait3A_482 = arith.constant 0 : i32
          %dma_wait3A_483 = tpu.memref_slice %arg6[%sub3A_232, %dma_wait3A_469, %dma_wait3A_482] : memref<2x4x8192xf32, #tpu.memory_space<vmem>> -> memref<1x1x8192xf32, #tpu.memory_space<vmem>>
          %dma_wait3A_484 = tpu.memref_squeeze %dma_wait3A_483 : memref<1x1x8192xf32, #tpu.memory_space<vmem>> -> memref<8192xf32, #tpu.memory_space<vmem>>
          tpu.wait_dma2 semaphore(%dma_wait3A_478 : memref<!tpu.dma_semaphore, #tpu.memory_space<semaphore_mem>>) src(%dma_wait3A_484 : memref<8192xf32, #tpu.memory_space<vmem>>) dst(%dma_wait3A_481 : memref<8192xf32, #tpu.memory_space<hbm>>)
          %dma_wait3A_485 = arith.constant 2 : i32
          %dma_wait3A_486 = arith.constant 2 : i32
          %dma_wait3A_487 = arith.constant 0 : i32
          %dma_wait3A_488 = tpu.memref_slice %arg6[%sub3A_232, %dma_wait3A_485, %dma_wait3A_487] : memref<2x4x8192xf32, #tpu.memory_space<vmem>> -> memref<1x1x8192xf32, #tpu.memory_space<vmem>>
          %dma_wait3A_489 = tpu.memref_squeeze %dma_wait3A_488 : memref<1x1x8192xf32, #tpu.memory_space<vmem>> -> memref<8192xf32, #tpu.memory_space<vmem>>
          %dma_wait3A_490 = arith.constant 0 : i32
          %dma_wait3A_491 = tpu.memref_slice %arg4[%dma_wait3A_486, %dma_wait3A_490] : memref<4x4194304xf32, #tpu.memory_space<hbm>> -> memref<1x8192xf32, #tpu.memory_space<hbm>>
          %dma_wait3A_492 = tpu.memref_squeeze %dma_wait3A_491 : memref<1x8192xf32, #tpu.memory_space<hbm>> -> memref<8192xf32, #tpu.memory_space<hbm>>
          %dma_wait3A_493 = tpu.memref_slice %arg8[%sub3A_232] : memref<2x!tpu.dma_semaphore, #tpu.memory_space<semaphore_mem>> -> memref<1x!tpu.dma_semaphore, #tpu.memory_space<semaphore_mem>>
          %dma_wait3A_494 = tpu.memref_squeeze %dma_wait3A_493 : memref<1x!tpu.dma_semaphore, #tpu.memory_space<semaphore_mem>> -> memref<!tpu.dma_semaphore, #tpu.memory_space<semaphore_mem>>
          %dma_wait3A_495 = arith.constant 0 : i32
          %dma_wait3A_496 = tpu.memref_slice %arg4[%dma_wait3A_486, %dma_wait3A_495] : memref<4x4194304xf32, #tpu.memory_space<hbm>> -> memref<1x8192xf32, #tpu.memory_space<hbm>>
          %dma_wait3A_497 = tpu.memref_squeeze %dma_wait3A_496 : memref<1x8192xf32, #tpu.memory_space<hbm>> -> memref<8192xf32, #tpu.memory_space<hbm>>
          %dma_wait3A_498 = arith.constant 0 : i32
          %dma_wait3A_499 = tpu.memref_slice %arg6[%sub3A_232, %dma_wait3A_485, %dma_wait3A_498] : memref<2x4x8192xf32, #tpu.memory_space<vmem>> -> memref<1x1x8192xf32, #tpu.memory_space<vmem>>
          %dma_wait3A_500 = tpu.memref_squeeze %dma_wait3A_499 : memref<1x1x8192xf32, #tpu.memory_space<vmem>> -> memref<8192xf32, #tpu.memory_space<vmem>>
          tpu.wait_dma2 semaphore(%dma_wait3A_494 : memref<!tpu.dma_semaphore, #tpu.memory_space<semaphore_mem>>) src(%dma_wait3A_500 : memref<8192xf32, #tpu.memory_space<vmem>>) dst(%dma_wait3A_497 : memref<8192xf32, #tpu.memory_space<hbm>>)
          %dma_wait3A_501 = arith.constant 3 : i32
          %dma_wait3A_502 = arith.constant 3 : i32
          %dma_wait3A_503 = arith.constant 0 : i32
          %dma_wait3A_504 = tpu.memref_slice %arg6[%sub3A_232, %dma_wait3A_501, %dma_wait3A_503] : memref<2x4x8192xf32, #tpu.memory_space<vmem>> -> memref<1x1x8192xf32, #tpu.memory_space<vmem>>
          %dma_wait3A_505 = tpu.memref_squeeze %dma_wait3A_504 : memref<1x1x8192xf32, #tpu.memory_space<vmem>> -> memref<8192xf32, #tpu.memory_space<vmem>>
          %dma_wait3A_506 = arith.constant 0 : i32
          %dma_wait3A_507 = tpu.memref_slice %arg4[%dma_wait3A_502, %dma_wait3A_506] : memref<4x4194304xf32, #tpu.memory_space<hbm>> -> memref<1x8192xf32, #tpu.memory_space<hbm>>
          %dma_wait3A_508 = tpu.memref_squeeze %dma_wait3A_507 : memref<1x8192xf32, #tpu.memory_space<hbm>> -> memref<8192xf32, #tpu.memory_space<hbm>>
          %dma_wait3A_509 = tpu.memref_slice %arg8[%sub3A_232] : memref<2x!tpu.dma_semaphore, #tpu.memory_space<semaphore_mem>> -> memref<1x!tpu.dma_semaphore, #tpu.memory_space<semaphore_mem>>
          %dma_wait3A_510 = tpu.memref_squeeze %dma_wait3A_509 : memref<1x!tpu.dma_semaphore, #tpu.memory_space<semaphore_mem>> -> memref<!tpu.dma_semaphore, #tpu.memory_space<semaphore_mem>>
          %dma_wait3A_511 = arith.constant 0 : i32
          %dma_wait3A_512 = tpu.memref_slice %arg4[%dma_wait3A_502, %dma_wait3A_511] : memref<4x4194304xf32, #tpu.memory_space<hbm>> -> memref<1x8192xf32, #tpu.memory_space<hbm>>
          %dma_wait3A_513 = tpu.memref_squeeze %dma_wait3A_512 : memref<1x8192xf32, #tpu.memory_space<hbm>> -> memref<8192xf32, #tpu.memory_space<hbm>>
          %dma_wait3A_514 = arith.constant 0 : i32
          %dma_wait3A_515 = tpu.memref_slice %arg6[%sub3A_232, %dma_wait3A_501, %dma_wait3A_514] : memref<2x4x8192xf32, #tpu.memory_space<vmem>> -> memref<1x1x8192xf32, #tpu.memory_space<vmem>>
          %dma_wait3A_516 = tpu.memref_squeeze %dma_wait3A_515 : memref<1x1x8192xf32, #tpu.memory_space<vmem>> -> memref<8192xf32, #tpu.memory_space<vmem>>
          tpu.wait_dma2 semaphore(%dma_wait3A_510 : memref<!tpu.dma_semaphore, #tpu.memory_space<semaphore_mem>>) src(%dma_wait3A_516 : memref<8192xf32, #tpu.memory_space<vmem>>) dst(%dma_wait3A_513 : memref<8192xf32, #tpu.memory_space<hbm>>)
        } else {
        }
        %add3A_382 = arith.constant 1 : i32
        %add3A_383 = arith.addi %scan3A_230, %add3A_382 : i32
        %mul3A_384 = arith.constant 8192 : i32
        %mul3A_385 = arith.muli %add3A_383, %mul3A_384 : i32
        %add3A_386 = arith.addi %mul3A_4, %mul3A_385 : i32
        %dma_start3A_387 = arith.constant 0 : i32
        %dma_start3A_388 = tpu.memref_slice %arg5[%sub3A_232, %dma_start3A_387] : memref<2x8192xf32, #tpu.memory_space<vmem>> -> memref<1x8192xf32, #tpu.memory_space<vmem>>
        %dma_start3A_389 = tpu.memref_squeeze %dma_start3A_388 : memref<1x8192xf32, #tpu.memory_space<vmem>> -> memref<8192xf32, #tpu.memory_space<vmem>>
        %dma_start3A_390 = tpu.memref_slice %arg3[%add3A_386] : memref<8388608xf32, #tpu.memory_space<hbm>> -> memref<8192xf32, #tpu.memory_space<hbm>>
        %dma_start3A_391 = tpu.memref_slice %arg7[%sub3A_232] : memref<2x!tpu.dma_semaphore, #tpu.memory_space<semaphore_mem>> -> memref<1x!tpu.dma_semaphore, #tpu.memory_space<semaphore_mem>>
        %dma_start3A_392 = tpu.memref_squeeze %dma_start3A_391 : memref<1x!tpu.dma_semaphore, #tpu.memory_space<semaphore_mem>> -> memref<!tpu.dma_semaphore, #tpu.memory_space<semaphore_mem>>
        %dma_start3A_393 = arith.constant 0 : i32
        %dma_start3A_394 = tpu.memref_slice %arg5[%sub3A_232, %dma_start3A_393] : memref<2x8192xf32, #tpu.memory_space<vmem>> -> memref<1x8192xf32, #tpu.memory_space<vmem>>
        %dma_start3A_395 = tpu.memref_squeeze %dma_start3A_394 : memref<1x8192xf32, #tpu.memory_space<vmem>> -> memref<8192xf32, #tpu.memory_space<vmem>>
        %dma_start3A_396 = tpu.memref_slice %arg3[%add3A_386] : memref<8388608xf32, #tpu.memory_space<hbm>> -> memref<8192xf32, #tpu.memory_space<hbm>>
        tpu.enqueue_dma source(%dma_start3A_396 : memref<8192xf32, #tpu.memory_space<hbm>>) target(%dma_start3A_395 : memref<8192xf32, #tpu.memory_space<vmem>>) target_semaphore(%dma_start3A_392 : memref<!tpu.dma_semaphore, #tpu.memory_space<semaphore_mem>>)
        %dma_start3A_397 = arith.constant 0 : i32
        %dma_start3A_398 = arith.constant 0 : i32
        %dma_start3A_399 = arith.constant 0 : i32
        %dma_start3A_400 = tpu.memref_slice %arg6[%sub3A_232, %dma_start3A_398, %dma_start3A_399] : memref<2x4x8192xf32, #tpu.memory_space<vmem>> -> memref<1x1x8192xf32, #tpu.memory_space<vmem>>
        %dma_start3A_401 = tpu.memref_squeeze %dma_start3A_400 : memref<1x1x8192xf32, #tpu.memory_space<vmem>> -> memref<8192xf32, #tpu.memory_space<vmem>>
        %dma_start3A_402 = tpu.memref_slice %arg2[%dma_start3A_397, %add3A_386] : memref<4x4194304xf32, #tpu.memory_space<hbm>> -> memref<1x8192xf32, #tpu.memory_space<hbm>>
        %dma_start3A_403 = tpu.memref_squeeze %dma_start3A_402 : memref<1x8192xf32, #tpu.memory_space<hbm>> -> memref<8192xf32, #tpu.memory_space<hbm>>
        %dma_start3A_404 = tpu.memref_slice %arg7[%sub3A_232] : memref<2x!tpu.dma_semaphore, #tpu.memory_space<semaphore_mem>> -> memref<1x!tpu.dma_semaphore, #tpu.memory_space<semaphore_mem>>
        %dma_start3A_405 = tpu.memref_squeeze %dma_start3A_404 : memref<1x!tpu.dma_semaphore, #tpu.memory_space<semaphore_mem>> -> memref<!tpu.dma_semaphore, #tpu.memory_space<semaphore_mem>>
        %dma_start3A_406 = arith.constant 0 : i32
        %dma_start3A_407 = tpu.memref_slice %arg6[%sub3A_232, %dma_start3A_398, %dma_start3A_406] : memref<2x4x8192xf32, #tpu.memory_space<vmem>> -> memref<1x1x8192xf32, #tpu.memory_space<vmem>>
        %dma_start3A_408 = tpu.memref_squeeze %dma_start3A_407 : memref<1x1x8192xf32, #tpu.memory_space<vmem>> -> memref<8192xf32, #tpu.memory_space<vmem>>
        %dma_start3A_409 = tpu.memref_slice %arg2[%dma_start3A_397, %add3A_386] : memref<4x4194304xf32, #tpu.memory_space<hbm>> -> memref<1x8192xf32, #tpu.memory_space<hbm>>
        %dma_start3A_410 = tpu.memref_squeeze %dma_start3A_409 : memref<1x8192xf32, #tpu.memory_space<hbm>> -> memref<8192xf32, #tpu.memory_space<hbm>>
        tpu.enqueue_dma source(%dma_start3A_410 : memref<8192xf32, #tpu.memory_space<hbm>>) target(%dma_start3A_408 : memref<8192xf32, #tpu.memory_space<vmem>>) target_semaphore(%dma_start3A_405 : memref<!tpu.dma_semaphore, #tpu.memory_space<semaphore_mem>>)
        %dma_start3A_411 = arith.constant 1 : i32
        %dma_start3A_412 = arith.constant 1 : i32
        %dma_start3A_413 = arith.constant 0 : i32
        %dma_start3A_414 = tpu.memref_slice %arg6[%sub3A_232, %dma_start3A_412, %dma_start3A_413] : memref<2x4x8192xf32, #tpu.memory_space<vmem>> -> memref<1x1x8192xf32, #tpu.memory_space<vmem>>
        %dma_start3A_415 = tpu.memref_squeeze %dma_start3A_414 : memref<1x1x8192xf32, #tpu.memory_space<vmem>> -> memref<8192xf32, #tpu.memory_space<vmem>>
        %dma_start3A_416 = tpu.memref_slice %arg2[%dma_start3A_411, %add3A_386] : memref<4x4194304xf32, #tpu.memory_space<hbm>> -> memref<1x8192xf32, #tpu.memory_space<hbm>>
        %dma_start3A_417 = tpu.memref_squeeze %dma_start3A_416 : memref<1x8192xf32, #tpu.memory_space<hbm>> -> memref<8192xf32, #tpu.memory_space<hbm>>
        %dma_start3A_418 = tpu.memref_slice %arg7[%sub3A_232] : memref<2x!tpu.dma_semaphore, #tpu.memory_space<semaphore_mem>> -> memref<1x!tpu.dma_semaphore, #tpu.memory_space<semaphore_mem>>
        %dma_start3A_419 = tpu.memref_squeeze %dma_start3A_418 : memref<1x!tpu.dma_semaphore, #tpu.memory_space<semaphore_mem>> -> memref<!tpu.dma_semaphore, #tpu.memory_space<semaphore_mem>>
        %dma_start3A_420 = arith.constant 0 : i32
        %dma_start3A_421 = tpu.memref_slice %arg6[%sub3A_232, %dma_start3A_412, %dma_start3A_420] : memref<2x4x8192xf32, #tpu.memory_space<vmem>> -> memref<1x1x8192xf32, #tpu.memory_space<vmem>>
        %dma_start3A_422 = tpu.memref_squeeze %dma_start3A_421 : memref<1x1x8192xf32, #tpu.memory_space<vmem>> -> memref<8192xf32, #tpu.memory_space<vmem>>
        %dma_start3A_423 = tpu.memref_slice %arg2[%dma_start3A_411, %add3A_386] : memref<4x4194304xf32, #tpu.memory_space<hbm>> -> memref<1x8192xf32, #tpu.memory_space<hbm>>
        %dma_start3A_424 = tpu.memref_squeeze %dma_start3A_423 : memref<1x8192xf32, #tpu.memory_space<hbm>> -> memref<8192xf32, #tpu.memory_space<hbm>>
        tpu.enqueue_dma source(%dma_start3A_424 : memref<8192xf32, #tpu.memory_space<hbm>>) target(%dma_start3A_422 : memref<8192xf32, #tpu.memory_space<vmem>>) target_semaphore(%dma_start3A_419 : memref<!tpu.dma_semaphore, #tpu.memory_space<semaphore_mem>>)
        %dma_start3A_425 = arith.constant 2 : i32
        %dma_start3A_426 = arith.constant 2 : i32
        %dma_start3A_427 = arith.constant 0 : i32
        %dma_start3A_428 = tpu.memref_slice %arg6[%sub3A_232, %dma_start3A_426, %dma_start3A_427] : memref<2x4x8192xf32, #tpu.memory_space<vmem>> -> memref<1x1x8192xf32, #tpu.memory_space<vmem>>
        %dma_start3A_429 = tpu.memref_squeeze %dma_start3A_428 : memref<1x1x8192xf32, #tpu.memory_space<vmem>> -> memref<8192xf32, #tpu.memory_space<vmem>>
        %dma_start3A_430 = tpu.memref_slice %arg2[%dma_start3A_425, %add3A_386] : memref<4x4194304xf32, #tpu.memory_space<hbm>> -> memref<1x8192xf32, #tpu.memory_space<hbm>>
        %dma_start3A_431 = tpu.memref_squeeze %dma_start3A_430 : memref<1x8192xf32, #tpu.memory_space<hbm>> -> memref<8192xf32, #tpu.memory_space<hbm>>
        %dma_start3A_432 = tpu.memref_slice %arg7[%sub3A_232] : memref<2x!tpu.dma_semaphore, #tpu.memory_space<semaphore_mem>> -> memref<1x!tpu.dma_semaphore, #tpu.memory_space<semaphore_mem>>
        %dma_start3A_433 = tpu.memref_squeeze %dma_start3A_432 : memref<1x!tpu.dma_semaphore, #tpu.memory_space<semaphore_mem>> -> memref<!tpu.dma_semaphore, #tpu.memory_space<semaphore_mem>>
        %dma_start3A_434 = arith.constant 0 : i32
        %dma_start3A_435 = tpu.memref_slice %arg6[%sub3A_232, %dma_start3A_426, %dma_start3A_434] : memref<2x4x8192xf32, #tpu.memory_space<vmem>> -> memref<1x1x8192xf32, #tpu.memory_space<vmem>>
        %dma_start3A_436 = tpu.memref_squeeze %dma_start3A_435 : memref<1x1x8192xf32, #tpu.memory_space<vmem>> -> memref<8192xf32, #tpu.memory_space<vmem>>
        %dma_start3A_437 = tpu.memref_slice %arg2[%dma_start3A_425, %add3A_386] : memref<4x4194304xf32, #tpu.memory_space<hbm>> -> memref<1x8192xf32, #tpu.memory_space<hbm>>
        %dma_start3A_438 = tpu.memref_squeeze %dma_start3A_437 : memref<1x8192xf32, #tpu.memory_space<hbm>> -> memref<8192xf32, #tpu.memory_space<hbm>>
        tpu.enqueue_dma source(%dma_start3A_438 : memref<8192xf32, #tpu.memory_space<hbm>>) target(%dma_start3A_436 : memref<8192xf32, #tpu.memory_space<vmem>>) target_semaphore(%dma_start3A_433 : memref<!tpu.dma_semaphore, #tpu.memory_space<semaphore_mem>>)
        %dma_start3A_439 = arith.constant 3 : i32
        %dma_start3A_440 = arith.constant 3 : i32
        %dma_start3A_441 = arith.constant 0 : i32
        %dma_start3A_442 = tpu.memref_slice %arg6[%sub3A_232, %dma_start3A_440, %dma_start3A_441] : memref<2x4x8192xf32, #tpu.memory_space<vmem>> -> memref<1x1x8192xf32, #tpu.memory_space<vmem>>
        %dma_start3A_443 = tpu.memref_squeeze %dma_start3A_442 : memref<1x1x8192xf32, #tpu.memory_space<vmem>> -> memref<8192xf32, #tpu.memory_space<vmem>>
        %dma_start3A_444 = tpu.memref_slice %arg2[%dma_start3A_439, %add3A_386] : memref<4x4194304xf32, #tpu.memory_space<hbm>> -> memref<1x8192xf32, #tpu.memory_space<hbm>>
        %dma_start3A_445 = tpu.memref_squeeze %dma_start3A_444 : memref<1x8192xf32, #tpu.memory_space<hbm>> -> memref<8192xf32, #tpu.memory_space<hbm>>
        %dma_start3A_446 = tpu.memref_slice %arg7[%sub3A_232] : memref<2x!tpu.dma_semaphore, #tpu.memory_space<semaphore_mem>> -> memref<1x!tpu.dma_semaphore, #tpu.memory_space<semaphore_mem>>
        %dma_start3A_447 = tpu.memref_squeeze %dma_start3A_446 : memref<1x!tpu.dma_semaphore, #tpu.memory_space<semaphore_mem>> -> memref<!tpu.dma_semaphore, #tpu.memory_space<semaphore_mem>>
        %dma_start3A_448 = arith.constant 0 : i32
        %dma_start3A_449 = tpu.memref_slice %arg6[%sub3A_232, %dma_start3A_440, %dma_start3A_448] : memref<2x4x8192xf32, #tpu.memory_space<vmem>> -> memref<1x1x8192xf32, #tpu.memory_space<vmem>>
        %dma_start3A_450 = tpu.memref_squeeze %dma_start3A_449 : memref<1x1x8192xf32, #tpu.memory_space<vmem>> -> memref<8192xf32, #tpu.memory_space<vmem>>
        %dma_start3A_451 = tpu.memref_slice %arg2[%dma_start3A_439, %add3A_386] : memref<4x4194304xf32, #tpu.memory_space<hbm>> -> memref<1x8192xf32, #tpu.memory_space<hbm>>
        %dma_start3A_452 = tpu.memref_squeeze %dma_start3A_451 : memref<1x8192xf32, #tpu.memory_space<hbm>> -> memref<8192xf32, #tpu.memory_space<hbm>>
        tpu.enqueue_dma source(%dma_start3A_452 : memref<8192xf32, #tpu.memory_space<hbm>>) target(%dma_start3A_450 : memref<8192xf32, #tpu.memory_space<vmem>>) target_semaphore(%dma_start3A_447 : memref<!tpu.dma_semaphore, #tpu.memory_space<semaphore_mem>>)
      } else {
      }
      %dma_wait3A_237 = arith.constant 0 : i32
      %dma_wait3A_238 = tpu.memref_slice %arg5[%and3A_231, %dma_wait3A_237] : memref<2x8192xf32, #tpu.memory_space<vmem>> -> memref<1x8192xf32, #tpu.memory_space<vmem>>
      %dma_wait3A_239 = tpu.memref_squeeze %dma_wait3A_238 : memref<1x8192xf32, #tpu.memory_space<vmem>> -> memref<8192xf32, #tpu.memory_space<vmem>>
      %dma_wait3A_240 = arith.constant 0 : i32
      %dma_wait3A_241 = tpu.memref_slice %arg3[%dma_wait3A_240] : memref<8388608xf32, #tpu.memory_space<hbm>> -> memref<8192xf32, #tpu.memory_space<hbm>>
      %dma_wait3A_242 = tpu.memref_slice %arg7[%and3A_231] : memref<2x!tpu.dma_semaphore, #tpu.memory_space<semaphore_mem>> -> memref<1x!tpu.dma_semaphore, #tpu.memory_space<semaphore_mem>>
      %dma_wait3A_243 = tpu.memref_squeeze %dma_wait3A_242 : memref<1x!tpu.dma_semaphore, #tpu.memory_space<semaphore_mem>> -> memref<!tpu.dma_semaphore, #tpu.memory_space<semaphore_mem>>
      %dma_wait3A_244 = arith.constant 0 : i32
      %dma_wait3A_245 = tpu.memref_slice %arg5[%and3A_231, %dma_wait3A_244] : memref<2x8192xf32, #tpu.memory_space<vmem>> -> memref<1x8192xf32, #tpu.memory_space<vmem>>
      %dma_wait3A_246 = tpu.memref_squeeze %dma_wait3A_245 : memref<1x8192xf32, #tpu.memory_space<vmem>> -> memref<8192xf32, #tpu.memory_space<vmem>>
      %dma_wait3A_247 = arith.constant 0 : i32
      %dma_wait3A_248 = tpu.memref_slice %arg3[%dma_wait3A_247] : memref<8388608xf32, #tpu.memory_space<hbm>> -> memref<8192xf32, #tpu.memory_space<hbm>>
      tpu.wait_dma2 semaphore(%dma_wait3A_243 : memref<!tpu.dma_semaphore, #tpu.memory_space<semaphore_mem>>) src(%dma_wait3A_248 : memref<8192xf32, #tpu.memory_space<hbm>>) dst(%dma_wait3A_246 : memref<8192xf32, #tpu.memory_space<vmem>>)
      %dma_wait3A_249 = arith.constant 0 : i32
      %dma_wait3A_250 = arith.constant 0 : i32
      %dma_wait3A_251 = arith.constant 0 : i32
      %dma_wait3A_252 = tpu.memref_slice %arg6[%and3A_231, %dma_wait3A_250, %dma_wait3A_251] : memref<2x4x8192xf32, #tpu.memory_space<vmem>> -> memref<1x1x8192xf32, #tpu.memory_space<vmem>>
      %dma_wait3A_253 = tpu.memref_squeeze %dma_wait3A_252 : memref<1x1x8192xf32, #tpu.memory_space<vmem>> -> memref<8192xf32, #tpu.memory_space<vmem>>
      %dma_wait3A_254 = arith.constant 0 : i32
      %dma_wait3A_255 = tpu.memref_slice %arg2[%dma_wait3A_249, %dma_wait3A_254] : memref<4x4194304xf32, #tpu.memory_space<hbm>> -> memref<1x8192xf32, #tpu.memory_space<hbm>>
      %dma_wait3A_256 = tpu.memref_squeeze %dma_wait3A_255 : memref<1x8192xf32, #tpu.memory_space<hbm>> -> memref<8192xf32, #tpu.memory_space<hbm>>
      %dma_wait3A_257 = tpu.memref_slice %arg7[%and3A_231] : memref<2x!tpu.dma_semaphore, #tpu.memory_space<semaphore_mem>> -> memref<1x!tpu.dma_semaphore, #tpu.memory_space<semaphore_mem>>
      %dma_wait3A_258 = tpu.memref_squeeze %dma_wait3A_257 : memref<1x!tpu.dma_semaphore, #tpu.memory_space<semaphore_mem>> -> memref<!tpu.dma_semaphore, #tpu.memory_space<semaphore_mem>>
      %dma_wait3A_259 = arith.constant 0 : i32
      %dma_wait3A_260 = tpu.memref_slice %arg6[%and3A_231, %dma_wait3A_250, %dma_wait3A_259] : memref<2x4x8192xf32, #tpu.memory_space<vmem>> -> memref<1x1x8192xf32, #tpu.memory_space<vmem>>
      %dma_wait3A_261 = tpu.memref_squeeze %dma_wait3A_260 : memref<1x1x8192xf32, #tpu.memory_space<vmem>> -> memref<8192xf32, #tpu.memory_space<vmem>>
      %dma_wait3A_262 = arith.constant 0 : i32
      %dma_wait3A_263 = tpu.memref_slice %arg2[%dma_wait3A_249, %dma_wait3A_262] : memref<4x4194304xf32, #tpu.memory_space<hbm>> -> memref<1x8192xf32, #tpu.memory_space<hbm>>
      %dma_wait3A_264 = tpu.memref_squeeze %dma_wait3A_263 : memref<1x8192xf32, #tpu.memory_space<hbm>> -> memref<8192xf32, #tpu.memory_space<hbm>>
      tpu.wait_dma2 semaphore(%dma_wait3A_258 : memref<!tpu.dma_semaphore, #tpu.memory_space<semaphore_mem>>) src(%dma_wait3A_264 : memref<8192xf32, #tpu.memory_space<hbm>>) dst(%dma_wait3A_261 : memref<8192xf32, #tpu.memory_space<vmem>>)
      %dma_wait3A_265 = arith.constant 1 : i32
      %dma_wait3A_266 = arith.constant 1 : i32
      %dma_wait3A_267 = arith.constant 0 : i32
      %dma_wait3A_268 = tpu.memref_slice %arg6[%and3A_231, %dma_wait3A_266, %dma_wait3A_267] : memref<2x4x8192xf32, #tpu.memory_space<vmem>> -> memref<1x1x8192xf32, #tpu.memory_space<vmem>>
      %dma_wait3A_269 = tpu.memref_squeeze %dma_wait3A_268 : memref<1x1x8192xf32, #tpu.memory_space<vmem>> -> memref<8192xf32, #tpu.memory_space<vmem>>
      %dma_wait3A_270 = arith.constant 0 : i32
      %dma_wait3A_271 = tpu.memref_slice %arg2[%dma_wait3A_265, %dma_wait3A_270] : memref<4x4194304xf32, #tpu.memory_space<hbm>> -> memref<1x8192xf32, #tpu.memory_space<hbm>>
      %dma_wait3A_272 = tpu.memref_squeeze %dma_wait3A_271 : memref<1x8192xf32, #tpu.memory_space<hbm>> -> memref<8192xf32, #tpu.memory_space<hbm>>
      %dma_wait3A_273 = tpu.memref_slice %arg7[%and3A_231] : memref<2x!tpu.dma_semaphore, #tpu.memory_space<semaphore_mem>> -> memref<1x!tpu.dma_semaphore, #tpu.memory_space<semaphore_mem>>
      %dma_wait3A_274 = tpu.memref_squeeze %dma_wait3A_273 : memref<1x!tpu.dma_semaphore, #tpu.memory_space<semaphore_mem>> -> memref<!tpu.dma_semaphore, #tpu.memory_space<semaphore_mem>>
      %dma_wait3A_275 = arith.constant 0 : i32
      %dma_wait3A_276 = tpu.memref_slice %arg6[%and3A_231, %dma_wait3A_266, %dma_wait3A_275] : memref<2x4x8192xf32, #tpu.memory_space<vmem>> -> memref<1x1x8192xf32, #tpu.memory_space<vmem>>
      %dma_wait3A_277 = tpu.memref_squeeze %dma_wait3A_276 : memref<1x1x8192xf32, #tpu.memory_space<vmem>> -> memref<8192xf32, #tpu.memory_space<vmem>>
      %dma_wait3A_278 = arith.constant 0 : i32
      %dma_wait3A_279 = tpu.memref_slice %arg2[%dma_wait3A_265, %dma_wait3A_278] : memref<4x4194304xf32, #tpu.memory_space<hbm>> -> memref<1x8192xf32, #tpu.memory_space<hbm>>
      %dma_wait3A_280 = tpu.memref_squeeze %dma_wait3A_279 : memref<1x8192xf32, #tpu.memory_space<hbm>> -> memref<8192xf32, #tpu.memory_space<hbm>>
      tpu.wait_dma2 semaphore(%dma_wait3A_274 : memref<!tpu.dma_semaphore, #tpu.memory_space<semaphore_mem>>) src(%dma_wait3A_280 : memref<8192xf32, #tpu.memory_space<hbm>>) dst(%dma_wait3A_277 : memref<8192xf32, #tpu.memory_space<vmem>>)
      %dma_wait3A_281 = arith.constant 2 : i32
      %dma_wait3A_282 = arith.constant 2 : i32
      %dma_wait3A_283 = arith.constant 0 : i32
      %dma_wait3A_284 = tpu.memref_slice %arg6[%and3A_231, %dma_wait3A_282, %dma_wait3A_283] : memref<2x4x8192xf32, #tpu.memory_space<vmem>> -> memref<1x1x8192xf32, #tpu.memory_space<vmem>>
      %dma_wait3A_285 = tpu.memref_squeeze %dma_wait3A_284 : memref<1x1x8192xf32, #tpu.memory_space<vmem>> -> memref<8192xf32, #tpu.memory_space<vmem>>
      %dma_wait3A_286 = arith.constant 0 : i32
      %dma_wait3A_287 = tpu.memref_slice %arg2[%dma_wait3A_281, %dma_wait3A_286] : memref<4x4194304xf32, #tpu.memory_space<hbm>> -> memref<1x8192xf32, #tpu.memory_space<hbm>>
      %dma_wait3A_288 = tpu.memref_squeeze %dma_wait3A_287 : memref<1x8192xf32, #tpu.memory_space<hbm>> -> memref<8192xf32, #tpu.memory_space<hbm>>
      %dma_wait3A_289 = tpu.memref_slice %arg7[%and3A_231] : memref<2x!tpu.dma_semaphore, #tpu.memory_space<semaphore_mem>> -> memref<1x!tpu.dma_semaphore, #tpu.memory_space<semaphore_mem>>
      %dma_wait3A_290 = tpu.memref_squeeze %dma_wait3A_289 : memref<1x!tpu.dma_semaphore, #tpu.memory_space<semaphore_mem>> -> memref<!tpu.dma_semaphore, #tpu.memory_space<semaphore_mem>>
      %dma_wait3A_291 = arith.constant 0 : i32
      %dma_wait3A_292 = tpu.memref_slice %arg6[%and3A_231, %dma_wait3A_282, %dma_wait3A_291] : memref<2x4x8192xf32, #tpu.memory_space<vmem>> -> memref<1x1x8192xf32, #tpu.memory_space<vmem>>
      %dma_wait3A_293 = tpu.memref_squeeze %dma_wait3A_292 : memref<1x1x8192xf32, #tpu.memory_space<vmem>> -> memref<8192xf32, #tpu.memory_space<vmem>>
      %dma_wait3A_294 = arith.constant 0 : i32
      %dma_wait3A_295 = tpu.memref_slice %arg2[%dma_wait3A_281, %dma_wait3A_294] : memref<4x4194304xf32, #tpu.memory_space<hbm>> -> memref<1x8192xf32, #tpu.memory_space<hbm>>
      %dma_wait3A_296 = tpu.memref_squeeze %dma_wait3A_295 : memref<1x8192xf32, #tpu.memory_space<hbm>> -> memref<8192xf32, #tpu.memory_space<hbm>>
      tpu.wait_dma2 semaphore(%dma_wait3A_290 : memref<!tpu.dma_semaphore, #tpu.memory_space<semaphore_mem>>) src(%dma_wait3A_296 : memref<8192xf32, #tpu.memory_space<hbm>>) dst(%dma_wait3A_293 : memref<8192xf32, #tpu.memory_space<vmem>>)
      %dma_wait3A_297 = arith.constant 3 : i32
      %dma_wait3A_298 = arith.constant 3 : i32
      %dma_wait3A_299 = arith.constant 0 : i32
      %dma_wait3A_300 = tpu.memref_slice %arg6[%and3A_231, %dma_wait3A_298, %dma_wait3A_299] : memref<2x4x8192xf32, #tpu.memory_space<vmem>> -> memref<1x1x8192xf32, #tpu.memory_space<vmem>>
      %dma_wait3A_301 = tpu.memref_squeeze %dma_wait3A_300 : memref<1x1x8192xf32, #tpu.memory_space<vmem>> -> memref<8192xf32, #tpu.memory_space<vmem>>
      %dma_wait3A_302 = arith.constant 0 : i32
      %dma_wait3A_303 = tpu.memref_slice %arg2[%dma_wait3A_297, %dma_wait3A_302] : memref<4x4194304xf32, #tpu.memory_space<hbm>> -> memref<1x8192xf32, #tpu.memory_space<hbm>>
      %dma_wait3A_304 = tpu.memref_squeeze %dma_wait3A_303 : memref<1x8192xf32, #tpu.memory_space<hbm>> -> memref<8192xf32, #tpu.memory_space<hbm>>
      %dma_wait3A_305 = tpu.memref_slice %arg7[%and3A_231] : memref<2x!tpu.dma_semaphore, #tpu.memory_space<semaphore_mem>> -> memref<1x!tpu.dma_semaphore, #tpu.memory_space<semaphore_mem>>
      %dma_wait3A_306 = tpu.memref_squeeze %dma_wait3A_305 : memref<1x!tpu.dma_semaphore, #tpu.memory_space<semaphore_mem>> -> memref<!tpu.dma_semaphore, #tpu.memory_space<semaphore_mem>>
      %dma_wait3A_307 = arith.constant 0 : i32
      %dma_wait3A_308 = tpu.memref_slice %arg6[%and3A_231, %dma_wait3A_298, %dma_wait3A_307] : memref<2x4x8192xf32, #tpu.memory_space<vmem>> -> memref<1x1x8192xf32, #tpu.memory_space<vmem>>
      %dma_wait3A_309 = tpu.memref_squeeze %dma_wait3A_308 : memref<1x1x8192xf32, #tpu.memory_space<vmem>> -> memref<8192xf32, #tpu.memory_space<vmem>>
      %dma_wait3A_310 = arith.constant 0 : i32
      %dma_wait3A_311 = tpu.memref_slice %arg2[%dma_wait3A_297, %dma_wait3A_310] : memref<4x4194304xf32, #tpu.memory_space<hbm>> -> memref<1x8192xf32, #tpu.memory_space<hbm>>
      %dma_wait3A_312 = tpu.memref_squeeze %dma_wait3A_311 : memref<1x8192xf32, #tpu.memory_space<hbm>> -> memref<8192xf32, #tpu.memory_space<hbm>>
      tpu.wait_dma2 semaphore(%dma_wait3A_306 : memref<!tpu.dma_semaphore, #tpu.memory_space<semaphore_mem>>) src(%dma_wait3A_312 : memref<8192xf32, #tpu.memory_space<hbm>>) dst(%dma_wait3A_309 : memref<8192xf32, #tpu.memory_space<vmem>>)
      %scan3A_313 = arith.constant 0 : i32
      %scan3A_314 = arith.constant 0 : i32
      %scan3A_315 = arith.constant 64 : i32
      %scan3A_316 = arith.addi %scan3A_314, %scan3A_315 : i32
      %scan3A_317 = arith.constant 1 : i32
      scf.for %scan3A_378 = %scan3A_314 to %scan3A_316 step %scan3A_317  : i32 {
        %mul3A_379 = arith.constant 128 : i32
        %mul3A_380 = arith.muli %scan3A_378, %mul3A_379 : i32
        %add3A_381 = arith.constant 0 : i32
        %add3A_382 = arith.addi %mul3A_380, %add3A_381 : i32
        %get3A = arith.index_cast %and3A_231 : i32 to index
        %get3A_383 = arith.index_cast %add3A_382 : i32 to index
        %get3A_384 = tpu.vector_load %arg5[%get3A, %get3A_383] {strides = array<i32>} : memref<2x8192xf32, #tpu.memory_space<vmem>>, vector<1x16xf32>,
        %get3A_385 = vector.shape_cast %get3A_384 : vector<1x16xf32> to vector<16xf32>
        %add3A_386 = arith.constant 0 : i32
        %add3A_387 = arith.addi %mul3A_380, %add3A_386 : i32
        %get3A_388 = arith.constant 0 : i32
        %get3A_389 = arith.index_cast %and3A_231 : i32 to index
        %get3A_390 = arith.index_cast %get3A_388 : i32 to index
        %get3A_391 = arith.index_cast %add3A_387 : i32 to index
        %get3A_392 = tpu.vector_load %arg6[%get3A_389, %get3A_390, %get3A_391] {strides = array<i32>} : memref<2x4x8192xf32, #tpu.memory_space<vmem>>, vector<1x1x16xf32>,
        %get3A_393 = vector.shape_cast %get3A_392 : vector<1x1x16xf32> to vector<16xf32>
        %add3A_394 = arith.addf %get3A_393, %get3A_385 : vector<16xf32>
        %add3A_395 = arith.constant 0 : i32
        %add3A_396 = arith.addi %mul3A_380, %add3A_395 : i32
        %swap3A = arith.constant 0 : i32
        %swap3A_397 = arith.index_cast %and3A_231 : i32 to index
        %swap3A_398 = arith.index_cast %swap3A : i32 to index
        %swap3A_399 = arith.index_cast %add3A_396 : i32 to index
        %swap3A_400 = tpu.vector_load %arg6[%swap3A_397, %swap3A_398, %swap3A_399] {strides = array<i32>} : memref<2x4x8192xf32, #tpu.memory_space<vmem>>, vector<1x1x16xf32>,
        %swap3A_401 = vector.shape_cast %swap3A_400 : vector<1x1x16xf32> to vector<16xf32>
        %swap3A_402 = vector.shape_cast %add3A_394 : vector<16xf32> to vector<1x1x16xf32>
        tpu.vector_store %arg6[%swap3A_397, %swap3A_398, %swap3A_399], %swap3A_402 {strides = array<i32>} : memref<2x4x8192xf32, #tpu.memory_space<vmem>>, vector<1x1x16xf32>,
        %add3A_403 = arith.constant 0 : i32
        %add3A_404 = arith.addi %mul3A_380, %add3A_403 : i32
        %get3A_405 = arith.constant 1 : i32
        %get3A_406 = arith.index_cast %and3A_231 : i32 to index
        %get3A_407 = arith.index_cast %get3A_405 : i32 to index
        %get3A_408 = arith.index_cast %add3A_404 : i32 to index
        %get3A_409 = tpu.vector_load %arg6[%get3A_406, %get3A_407, %get3A_408] {strides = array<i32>} : memref<2x4x8192xf32, #tpu.memory_space<vmem>>, vector<1x1x16xf32>,
        %get3A_410 = vector.shape_cast %get3A_409 : vector<1x1x16xf32> to vector<16xf32>
        %add3A_411 = arith.addf %get3A_410, %get3A_385 : vector<16xf32>
        %add3A_412 = arith.constant 0 : i32
        %add3A_413 = arith.addi %mul3A_380, %add3A_412 : i32
        %swap3A_414 = arith.constant 1 : i32
        %swap3A_415 = arith.index_cast %and3A_231 : i32 to index
        %swap3A_416 = arith.index_cast %swap3A_414 : i32 to index
        %swap3A_417 = arith.index_cast %add3A_413 : i32 to index
        %swap3A_418 = tpu.vector_load %arg6[%swap3A_415, %swap3A_416, %swap3A_417] {strides = array<i32>} : memref<2x4x8192xf32, #tpu.memory_space<vmem>>, vector<1x1x16xf32>,
        %swap3A_419 = vector.shape_cast %swap3A_418 : vector<1x1x16xf32> to vector<16xf32>
        %swap3A_420 = vector.shape_cast %add3A_411 : vector<16xf32> to vector<1x1x16xf32>
        tpu.vector_store %arg6[%swap3A_415, %swap3A_416, %swap3A_417], %swap3A_420 {strides = array<i32>} : memref<2x4x8192xf32, #tpu.memory_space<vmem>>, vector<1x1x16xf32>,
        %add3A_421 = arith.constant 0 : i32
        %add3A_422 = arith.addi %mul3A_380, %add3A_421 : i32
        %get3A_423 = arith.constant 2 : i32
        %get3A_424 = arith.index_cast %and3A_231 : i32 to index
        %get3A_425 = arith.index_cast %get3A_423 : i32 to index
        %get3A_426 = arith.index_cast %add3A_422 : i32 to index
        %get3A_427 = tpu.vector_load %arg6[%get3A_424, %get3A_425, %get3A_426] {strides = array<i32>} : memref<2x4x8192xf32, #tpu.memory_space<vmem>>, vector<1x1x16xf32>,
        %get3A_428 = vector.shape_cast %get3A_427 : vector<1x1x16xf32> to vector<16xf32>
        %add3A_429 = arith.addf %get3A_428, %get3A_385 : vector<16xf32>
        %add3A_430 = arith.constant 0 : i32
        %add3A_431 = arith.addi %mul3A_380, %add3A_430 : i32
        %swap3A_432 = arith.constant 2 : i32
        %swap3A_433 = arith.index_cast %and3A_231 : i32 to index
        %swap3A_434 = arith.index_cast %swap3A_432 : i32 to index
        %swap3A_435 = arith.index_cast %add3A_431 : i32 to index
        %swap3A_436 = tpu.vector_load %arg6[%swap3A_433, %swap3A_434, %swap3A_435] {strides = array<i32>} : memref<2x4x8192xf32, #tpu.memory_space<vmem>>, vector<1x1x16xf32>,
        %swap3A_437 = vector.shape_cast %swap3A_436 : vector<1x1x16xf32> to vector<16xf32>
        %swap3A_438 = vector.shape_cast %add3A_429 : vector<16xf32> to vector<1x1x16xf32>
        tpu.vector_store %arg6[%swap3A_433, %swap3A_434, %swap3A_435], %swap3A_438 {strides = array<i32>} : memref<2x4x8192xf32, #tpu.memory_space<vmem>>, vector<1x1x16xf32>,
        %add3A_439 = arith.constant 0 : i32
        %add3A_440 = arith.addi %mul3A_380, %add3A_439 : i32
        %get3A_441 = arith.constant 3 : i32
        %get3A_442 = arith.index_cast %and3A_231 : i32 to index
        %get3A_443 = arith.index_cast %get3A_441 : i32 to index
        %get3A_444 = arith.index_cast %add3A_440 : i32 to index
        %get3A_445 = tpu.vector_load %arg6[%get3A_442, %get3A_443, %get3A_444] {strides = array<i32>} : memref<2x4x8192xf32, #tpu.memory_space<vmem>>, vector<1x1x16xf32>,
        %get3A_446 = vector.shape_cast %get3A_445 : vector<1x1x16xf32> to vector<16xf32>
        %add3A_447 = arith.addf %get3A_446, %get3A_385 : vector<16xf32>
        %add3A_448 = arith.constant 0 : i32
        %add3A_449 = arith.addi %mul3A_380, %add3A_448 : i32
        %swap3A_450 = arith.constant 3 : i32
        %swap3A_451 = arith.index_cast %and3A_231 : i32 to index
        %swap3A_452 = arith.index_cast %swap3A_450 : i32 to index
        %swap3A_453 = arith.index_cast %add3A_449 : i32 to index
        %swap3A_454 = tpu.vector_load %arg6[%swap3A_451, %swap3A_452, %swap3A_453] {strides = array<i32>} : memref<2x4x8192xf32, #tpu.memory_space<vmem>>, vector<1x1x16xf32>,
        %swap3A_455 = vector.shape_cast %swap3A_454 : vector<1x1x16xf32> to vector<16xf32>
        %swap3A_456 = vector.shape_cast %add3A_447 : vector<16xf32> to vector<1x1x16xf32>
        tpu.vector_store %arg6[%swap3A_451, %swap3A_452, %swap3A_453], %swap3A_456 {strides = array<i32>} : memref<2x4x8192xf32, #tpu.memory_space<vmem>>, vector<1x1x16xf32>,
        %add3A_457 = arith.constant 16 : i32
        %add3A_458 = arith.addi %mul3A_380, %add3A_457 : i32
        %get3A_459 = arith.index_cast %and3A_231 : i32 to index
        %get3A_460 = arith.index_cast %add3A_458 : i32 to index
        %get3A_461 = tpu.vector_load %arg5[%get3A_459, %get3A_460] {strides = array<i32>} : memref<2x8192xf32, #tpu.memory_space<vmem>>, vector<1x16xf32>,
        %get3A_462 = vector.shape_cast %get3A_461 : vector<1x16xf32> to vector<16xf32>
        %add3A_463 = arith.constant 16 : i32
        %add3A_464 = arith.addi %mul3A_380, %add3A_463 : i32
        %get3A_465 = arith.constant 0 : i32
        %get3A_466 = arith.index_cast %and3A_231 : i32 to index
        %get3A_467 = arith.index_cast %get3A_465 : i32 to index
        %get3A_468 = arith.index_cast %add3A_464 : i32 to index
        %get3A_469 = tpu.vector_load %arg6[%get3A_466, %get3A_467, %get3A_468] {strides = array<i32>} : memref<2x4x8192xf32, #tpu.memory_space<vmem>>, vector<1x1x16xf32>,
        %get3A_470 = vector.shape_cast %get3A_469 : vector<1x1x16xf32> to vector<16xf32>
        %add3A_471 = arith.addf %get3A_470, %get3A_462 : vector<16xf32>
        %add3A_472 = arith.constant 16 : i32
        %add3A_473 = arith.addi %mul3A_380, %add3A_472 : i32
        %swap3A_474 = arith.constant 0 : i32
        %swap3A_475 = arith.index_cast %and3A_231 : i32 to index
        %swap3A_476 = arith.index_cast %swap3A_474 : i32 to index
        %swap3A_477 = arith.index_cast %add3A_473 : i32 to index
        %swap3A_478 = tpu.vector_load %arg6[%swap3A_475, %swap3A_476, %swap3A_477] {strides = array<i32>} : memref<2x4x8192xf32, #tpu.memory_space<vmem>>, vector<1x1x16xf32>,
        %swap3A_479 = vector.shape_cast %swap3A_478 : vector<1x1x16xf32> to vector<16xf32>
        %swap3A_480 = vector.shape_cast %add3A_471 : vector<16xf32> to vector<1x1x16xf32>
        tpu.vector_store %arg6[%swap3A_475, %swap3A_476, %swap3A_477], %swap3A_480 {strides = array<i32>} : memref<2x4x8192xf32, #tpu.memory_space<vmem>>, vector<1x1x16xf32>,
        %add3A_481 = arith.constant 16 : i32
        %add3A_482 = arith.addi %mul3A_380, %add3A_481 : i32
        %get3A_483 = arith.constant 1 : i32
        %get3A_484 = arith.index_cast %and3A_231 : i32 to index
        %get3A_485 = arith.index_cast %get3A_483 : i32 to index
        %get3A_486 = arith.index_cast %add3A_482 : i32 to index
        %get3A_487 = tpu.vector_load %arg6[%get3A_484, %get3A_485, %get3A_486] {strides = array<i32>} : memref<2x4x8192xf32, #tpu.memory_space<vmem>>, vector<1x1x16xf32>,
        %get3A_488 = vector.shape_cast %get3A_487 : vector<1x1x16xf32> to vector<16xf32>
        %add3A_489 = arith.addf %get3A_488, %get3A_462 : vector<16xf32>
        %add3A_490 = arith.constant 16 : i32
        %add3A_491 = arith.addi %mul3A_380, %add3A_490 : i32
        %swap3A_492 = arith.constant 1 : i32
        %swap3A_493 = arith.index_cast %and3A_231 : i32 to index
        %swap3A_494 = arith.index_cast %swap3A_492 : i32 to index
        %swap3A_495 = arith.index_cast %add3A_491 : i32 to index
        %swap3A_496 = tpu.vector_load %arg6[%swap3A_493, %swap3A_494, %swap3A_495] {strides = array<i32>} : memref<2x4x8192xf32, #tpu.memory_space<vmem>>, vector<1x1x16xf32>,
        %swap3A_497 = vector.shape_cast %swap3A_496 : vector<1x1x16xf32> to vector<16xf32>
        %swap3A_498 = vector.shape_cast %add3A_489 : vector<16xf32> to vector<1x1x16xf32>
        tpu.vector_store %arg6[%swap3A_493, %swap3A_494, %swap3A_495], %swap3A_498 {strides = array<i32>} : memref<2x4x8192xf32, #tpu.memory_space<vmem>>, vector<1x1x16xf32>,
        %add3A_499 = arith.constant 16 : i32
        %add3A_500 = arith.addi %mul3A_380, %add3A_499 : i32
        %get3A_501 = arith.constant 2 : i32
        %get3A_502 = arith.index_cast %and3A_231 : i32 to index
        %get3A_503 = arith.index_cast %get3A_501 : i32 to index
        %get3A_504 = arith.index_cast %add3A_500 : i32 to index
        %get3A_505 = tpu.vector_load %arg6[%get3A_502, %get3A_503, %get3A_504] {strides = array<i32>} : memref<2x4x8192xf32, #tpu.memory_space<vmem>>, vector<1x1x16xf32>,
        %get3A_506 = vector.shape_cast %get3A_505 : vector<1x1x16xf32> to vector<16xf32>
        %add3A_507 = arith.addf %get3A_506, %get3A_462 : vector<16xf32>
        %add3A_508 = arith.constant 16 : i32
        %add3A_509 = arith.addi %mul3A_380, %add3A_508 : i32
        %swap3A_510 = arith.constant 2 : i32
        %swap3A_511 = arith.index_cast %and3A_231 : i32 to index
        %swap3A_512 = arith.index_cast %swap3A_510 : i32 to index
        %swap3A_513 = arith.index_cast %add3A_509 : i32 to index
        %swap3A_514 = tpu.vector_load %arg6[%swap3A_511, %swap3A_512, %swap3A_513] {strides = array<i32>} : memref<2x4x8192xf32, #tpu.memory_space<vmem>>, vector<1x1x16xf32>,
        %swap3A_515 = vector.shape_cast %swap3A_514 : vector<1x1x16xf32> to vector<16xf32>
        %swap3A_516 = vector.shape_cast %add3A_507 : vector<16xf32> to vector<1x1x16xf32>
        tpu.vector_store %arg6[%swap3A_511, %swap3A_512, %swap3A_513], %swap3A_516 {strides = array<i32>} : memref<2x4x8192xf32, #tpu.memory_space<vmem>>, vector<1x1x16xf32>,
        %add3A_517 = arith.constant 16 : i32
        %add3A_518 = arith.addi %mul3A_380, %add3A_517 : i32
        %get3A_519 = arith.constant 3 : i32
        %get3A_520 = arith.index_cast %and3A_231 : i32 to index
        %get3A_521 = arith.index_cast %get3A_519 : i32 to index
        %get3A_522 = arith.index_cast %add3A_518 : i32 to index
        %get3A_523 = tpu.vector_load %arg6[%get3A_520, %get3A_521, %get3A_522] {strides = array<i32>} : memref<2x4x8192xf32, #tpu.memory_space<vmem>>, vector<1x1x16xf32>,
        %get3A_524 = vector.shape_cast %get3A_523 : vector<1x1x16xf32> to vector<16xf32>
        %add3A_525 = arith.addf %get3A_524, %get3A_462 : vector<16xf32>
        %add3A_526 = arith.constant 16 : i32
        %add3A_527 = arith.addi %mul3A_380, %add3A_526 : i32
        %swap3A_528 = arith.constant 3 : i32
        %swap3A_529 = arith.index_cast %and3A_231 : i32 to index
        %swap3A_530 = arith.index_cast %swap3A_528 : i32 to index
        %swap3A_531 = arith.index_cast %add3A_527 : i32 to index
        %swap3A_532 = tpu.vector_load %arg6[%swap3A_529, %swap3A_530, %swap3A_531] {strides = array<i32>} : memref<2x4x8192xf32, #tpu.memory_space<vmem>>, vector<1x1x16xf32>,
        %swap3A_533 = vector.shape_cast %swap3A_532 : vector<1x1x16xf32> to vector<16xf32>
        %swap3A_534 = vector.shape_cast %add3A_525 : vector<16xf32> to vector<1x1x16xf32>
        tpu.vector_store %arg6[%swap3A_529, %swap3A_530, %swap3A_531], %swap3A_534 {strides = array<i32>} : memref<2x4x8192xf32, #tpu.memory_space<vmem>>, vector<1x1x16xf32>,
        %add3A_535 = arith.constant 32 : i32
        %add3A_536 = arith.addi %mul3A_380, %add3A_535 : i32
        %get3A_537 = arith.index_cast %and3A_231 : i32 to index
        %get3A_538 = arith.index_cast %add3A_536 : i32 to index
        %get3A_539 = tpu.vector_load %arg5[%get3A_537, %get3A_538] {strides = array<i32>} : memref<2x8192xf32, #tpu.memory_space<vmem>>, vector<1x16xf32>,
        %get3A_540 = vector.shape_cast %get3A_539 : vector<1x16xf32> to vector<16xf32>
        %add3A_541 = arith.constant 32 : i32
        %add3A_542 = arith.addi %mul3A_380, %add3A_541 : i32
        %get3A_543 = arith.constant 0 : i32
        %get3A_544 = arith.index_cast %and3A_231 : i32 to index
        %get3A_545 = arith.index_cast %get3A_543 : i32 to index
        %get3A_546 = arith.index_cast %add3A_542 : i32 to index
        %get3A_547 = tpu.vector_load %arg6[%get3A_544, %get3A_545, %get3A_546] {strides = array<i32>} : memref<2x4x8192xf32, #tpu.memory_space<vmem>>, vector<1x1x16xf32>,
        %get3A_548 = vector.shape_cast %get3A_547 : vector<1x1x16xf32> to vector<16xf32>
        %add3A_549 = arith.addf %get3A_548, %get3A_540 : vector<16xf32>
        %add3A_550 = arith.constant 32 : i32
        %add3A_551 = arith.addi %mul3A_380, %add3A_550 : i32
        %swap3A_552 = arith.constant 0 : i32
        %swap3A_553 = arith.index_cast %and3A_231 : i32 to index
        %swap3A_554 = arith.index_cast %swap3A_552 : i32 to index
        %swap3A_555 = arith.index_cast %add3A_551 : i32 to index
        %swap3A_556 = tpu.vector_load %arg6[%swap3A_553, %swap3A_554, %swap3A_555] {strides = array<i32>} : memref<2x4x8192xf32, #tpu.memory_space<vmem>>, vector<1x1x16xf32>,
        %swap3A_557 = vector.shape_cast %swap3A_556 : vector<1x1x16xf32> to vector<16xf32>
        %swap3A_558 = vector.shape_cast %add3A_549 : vector<16xf32> to vector<1x1x16xf32>
        tpu.vector_store %arg6[%swap3A_553, %swap3A_554, %swap3A_555], %swap3A_558 {strides = array<i32>} : memref<2x4x8192xf32, #tpu.memory_space<vmem>>, vector<1x1x16xf32>,
        %add3A_559 = arith.constant 32 : i32
        %add3A_560 = arith.addi %mul3A_380, %add3A_559 : i32
        %get3A_561 = arith.constant 1 : i32
        %get3A_562 = arith.index_cast %and3A_231 : i32 to index
        %get3A_563 = arith.index_cast %get3A_561 : i32 to index
        %get3A_564 = arith.index_cast %add3A_560 : i32 to index
        %get3A_565 = tpu.vector_load %arg6[%get3A_562, %get3A_563, %get3A_564] {strides = array<i32>} : memref<2x4x8192xf32, #tpu.memory_space<vmem>>, vector<1x1x16xf32>,
        %get3A_566 = vector.shape_cast %get3A_565 : vector<1x1x16xf32> to vector<16xf32>
        %add3A_567 = arith.addf %get3A_566, %get3A_540 : vector<16xf32>
        %add3A_568 = arith.constant 32 : i32
        %add3A_569 = arith.addi %mul3A_380, %add3A_568 : i32
        %swap3A_570 = arith.constant 1 : i32
        %swap3A_571 = arith.index_cast %and3A_231 : i32 to index
        %swap3A_572 = arith.index_cast %swap3A_570 : i32 to index
        %swap3A_573 = arith.index_cast %add3A_569 : i32 to index
        %swap3A_574 = tpu.vector_load %arg6[%swap3A_571, %swap3A_572, %swap3A_573] {strides = array<i32>} : memref<2x4x8192xf32, #tpu.memory_space<vmem>>, vector<1x1x16xf32>,
        %swap3A_575 = vector.shape_cast %swap3A_574 : vector<1x1x16xf32> to vector<16xf32>
        %swap3A_576 = vector.shape_cast %add3A_567 : vector<16xf32> to vector<1x1x16xf32>
        tpu.vector_store %arg6[%swap3A_571, %swap3A_572, %swap3A_573], %swap3A_576 {strides = array<i32>} : memref<2x4x8192xf32, #tpu.memory_space<vmem>>, vector<1x1x16xf32>,
        %add3A_577 = arith.constant 32 : i32
        %add3A_578 = arith.addi %mul3A_380, %add3A_577 : i32
        %get3A_579 = arith.constant 2 : i32
        %get3A_580 = arith.index_cast %and3A_231 : i32 to index
        %get3A_581 = arith.index_cast %get3A_579 : i32 to index
        %get3A_582 = arith.index_cast %add3A_578 : i32 to index
        %get3A_583 = tpu.vector_load %arg6[%get3A_580, %get3A_581, %get3A_582] {strides = array<i32>} : memref<2x4x8192xf32, #tpu.memory_space<vmem>>, vector<1x1x16xf32>,
        %get3A_584 = vector.shape_cast %get3A_583 : vector<1x1x16xf32> to vector<16xf32>
        %add3A_585 = arith.addf %get3A_584, %get3A_540 : vector<16xf32>
        %add3A_586 = arith.constant 32 : i32
        %add3A_587 = arith.addi %mul3A_380, %add3A_586 : i32
        %swap3A_588 = arith.constant 2 : i32
        %swap3A_589 = arith.index_cast %and3A_231 : i32 to index
        %swap3A_590 = arith.index_cast %swap3A_588 : i32 to index
        %swap3A_591 = arith.index_cast %add3A_587 : i32 to index
        %swap3A_592 = tpu.vector_load %arg6[%swap3A_589, %swap3A_590, %swap3A_591] {strides = array<i32>} : memref<2x4x8192xf32, #tpu.memory_space<vmem>>, vector<1x1x16xf32>,
        %swap3A_593 = vector.shape_cast %swap3A_592 : vector<1x1x16xf32> to vector<16xf32>
        %swap3A_594 = vector.shape_cast %add3A_585 : vector<16xf32> to vector<1x1x16xf32>
        tpu.vector_store %arg6[%swap3A_589, %swap3A_590, %swap3A_591], %swap3A_594 {strides = array<i32>} : memref<2x4x8192xf32, #tpu.memory_space<vmem>>, vector<1x1x16xf32>,
        %add3A_595 = arith.constant 32 : i32
        %add3A_596 = arith.addi %mul3A_380, %add3A_595 : i32
        %get3A_597 = arith.constant 3 : i32
        %get3A_598 = arith.index_cast %and3A_231 : i32 to index
        %get3A_599 = arith.index_cast %get3A_597 : i32 to index
        %get3A_600 = arith.index_cast %add3A_596 : i32 to index
        %get3A_601 = tpu.vector_load %arg6[%get3A_598, %get3A_599, %get3A_600] {strides = array<i32>} : memref<2x4x8192xf32, #tpu.memory_space<vmem>>, vector<1x1x16xf32>,
        %get3A_602 = vector.shape_cast %get3A_601 : vector<1x1x16xf32> to vector<16xf32>
        %add3A_603 = arith.addf %get3A_602, %get3A_540 : vector<16xf32>
        %add3A_604 = arith.constant 32 : i32
        %add3A_605 = arith.addi %mul3A_380, %add3A_604 : i32
        %swap3A_606 = arith.constant 3 : i32
        %swap3A_607 = arith.index_cast %and3A_231 : i32 to index
        %swap3A_608 = arith.index_cast %swap3A_606 : i32 to index
        %swap3A_609 = arith.index_cast %add3A_605 : i32 to index
        %swap3A_610 = tpu.vector_load %arg6[%swap3A_607, %swap3A_608, %swap3A_609] {strides = array<i32>} : memref<2x4x8192xf32, #tpu.memory_space<vmem>>, vector<1x1x16xf32>,
        %swap3A_611 = vector.shape_cast %swap3A_610 : vector<1x1x16xf32> to vector<16xf32>
        %swap3A_612 = vector.shape_cast %add3A_603 : vector<16xf32> to vector<1x1x16xf32>
        tpu.vector_store %arg6[%swap3A_607, %swap3A_608, %swap3A_609], %swap3A_612 {strides = array<i32>} : memref<2x4x8192xf32, #tpu.memory_space<vmem>>, vector<1x1x16xf32>,
        %add3A_613 = arith.constant 48 : i32
        %add3A_614 = arith.addi %mul3A_380, %add3A_613 : i32
        %get3A_615 = arith.index_cast %and3A_231 : i32 to index
        %get3A_616 = arith.index_cast %add3A_614 : i32 to index
        %get3A_617 = tpu.vector_load %arg5[%get3A_615, %get3A_616] {strides = array<i32>} : memref<2x8192xf32, #tpu.memory_space<vmem>>, vector<1x16xf32>,
        %get3A_618 = vector.shape_cast %get3A_617 : vector<1x16xf32> to vector<16xf32>
        %add3A_619 = arith.constant 48 : i32
        %add3A_620 = arith.addi %mul3A_380, %add3A_619 : i32
        %get3A_621 = arith.constant 0 : i32
        %get3A_622 = arith.index_cast %and3A_231 : i32 to index
        %get3A_623 = arith.index_cast %get3A_621 : i32 to index
        %get3A_624 = arith.index_cast %add3A_620 : i32 to index
        %get3A_625 = tpu.vector_load %arg6[%get3A_622, %get3A_623, %get3A_624] {strides = array<i32>} : memref<2x4x8192xf32, #tpu.memory_space<vmem>>, vector<1x1x16xf32>,
        %get3A_626 = vector.shape_cast %get3A_625 : vector<1x1x16xf32> to vector<16xf32>
        %add3A_627 = arith.addf %get3A_626, %get3A_618 : vector<16xf32>
        %add3A_628 = arith.constant 48 : i32
        %add3A_629 = arith.addi %mul3A_380, %add3A_628 : i32
        %swap3A_630 = arith.constant 0 : i32
        %swap3A_631 = arith.index_cast %and3A_231 : i32 to index
        %swap3A_632 = arith.index_cast %swap3A_630 : i32 to index
        %swap3A_633 = arith.index_cast %add3A_629 : i32 to index
        %swap3A_634 = tpu.vector_load %arg6[%swap3A_631, %swap3A_632, %swap3A_633] {strides = array<i32>} : memref<2x4x8192xf32, #tpu.memory_space<vmem>>, vector<1x1x16xf32>,
        %swap3A_635 = vector.shape_cast %swap3A_634 : vector<1x1x16xf32> to vector<16xf32>
        %swap3A_636 = vector.shape_cast %add3A_627 : vector<16xf32> to vector<1x1x16xf32>
        tpu.vector_store %arg6[%swap3A_631, %swap3A_632, %swap3A_633], %swap3A_636 {strides = array<i32>} : memref<2x4x8192xf32, #tpu.memory_space<vmem>>, vector<1x1x16xf32>,
        %add3A_637 = arith.constant 48 : i32
        %add3A_638 = arith.addi %mul3A_380, %add3A_637 : i32
        %get3A_639 = arith.constant 1 : i32
        %get3A_640 = arith.index_cast %and3A_231 : i32 to index
        %get3A_641 = arith.index_cast %get3A_639 : i32 to index
        %get3A_642 = arith.index_cast %add3A_638 : i32 to index
        %get3A_643 = tpu.vector_load %arg6[%get3A_640, %get3A_641, %get3A_642] {strides = array<i32>} : memref<2x4x8192xf32, #tpu.memory_space<vmem>>, vector<1x1x16xf32>,
        %get3A_644 = vector.shape_cast %get3A_643 : vector<1x1x16xf32> to vector<16xf32>
        %add3A_645 = arith.addf %get3A_644, %get3A_618 : vector<16xf32>
        %add3A_646 = arith.constant 48 : i32
        %add3A_647 = arith.addi %mul3A_380, %add3A_646 : i32
        %swap3A_648 = arith.constant 1 : i32
        %swap3A_649 = arith.index_cast %and3A_231 : i32 to index
        %swap3A_650 = arith.index_cast %swap3A_648 : i32 to index
        %swap3A_651 = arith.index_cast %add3A_647 : i32 to index
        %swap3A_652 = tpu.vector_load %arg6[%swap3A_649, %swap3A_650, %swap3A_651] {strides = array<i32>} : memref<2x4x8192xf32, #tpu.memory_space<vmem>>, vector<1x1x16xf32>,
        %swap3A_653 = vector.shape_cast %swap3A_652 : vector<1x1x16xf32> to vector<16xf32>
        %swap3A_654 = vector.shape_cast %add3A_645 : vector<16xf32> to vector<1x1x16xf32>
        tpu.vector_store %arg6[%swap3A_649, %swap3A_650, %swap3A_651], %swap3A_654 {strides = array<i32>} : memref<2x4x8192xf32, #tpu.memory_space<vmem>>, vector<1x1x16xf32>,
        %add3A_655 = arith.constant 48 : i32
        %add3A_656 = arith.addi %mul3A_380, %add3A_655 : i32
        %get3A_657 = arith.constant 2 : i32
        %get3A_658 = arith.index_cast %and3A_231 : i32 to index
        %get3A_659 = arith.index_cast %get3A_657 : i32 to index
        %get3A_660 = arith.index_cast %add3A_656 : i32 to index
        %get3A_661 = tpu.vector_load %arg6[%get3A_658, %get3A_659, %get3A_660] {strides = array<i32>} : memref<2x4x8192xf32, #tpu.memory_space<vmem>>, vector<1x1x16xf32>,
        %get3A_662 = vector.shape_cast %get3A_661 : vector<1x1x16xf32> to vector<16xf32>
        %add3A_663 = arith.addf %get3A_662, %get3A_618 : vector<16xf32>
        %add3A_664 = arith.constant 48 : i32
        %add3A_665 = arith.addi %mul3A_380, %add3A_664 : i32
        %swap3A_666 = arith.constant 2 : i32
        %swap3A_667 = arith.index_cast %and3A_231 : i32 to index
        %swap3A_668 = arith.index_cast %swap3A_666 : i32 to index
        %swap3A_669 = arith.index_cast %add3A_665 : i32 to index
        %swap3A_670 = tpu.vector_load %arg6[%swap3A_667, %swap3A_668, %swap3A_669] {strides = array<i32>} : memref<2x4x8192xf32, #tpu.memory_space<vmem>>, vector<1x1x16xf32>,
        %swap3A_671 = vector.shape_cast %swap3A_670 : vector<1x1x16xf32> to vector<16xf32>
        %swap3A_672 = vector.shape_cast %add3A_663 : vector<16xf32> to vector<1x1x16xf32>
        tpu.vector_store %arg6[%swap3A_667, %swap3A_668, %swap3A_669], %swap3A_672 {strides = array<i32>} : memref<2x4x8192xf32, #tpu.memory_space<vmem>>, vector<1x1x16xf32>,
        %add3A_673 = arith.constant 48 : i32
        %add3A_674 = arith.addi %mul3A_380, %add3A_673 : i32
        %get3A_675 = arith.constant 3 : i32
        %get3A_676 = arith.index_cast %and3A_231 : i32 to index
        %get3A_677 = arith.index_cast %get3A_675 : i32 to index
        %get3A_678 = arith.index_cast %add3A_674 : i32 to index
        %get3A_679 = tpu.vector_load %arg6[%get3A_676, %get3A_677, %get3A_678] {strides = array<i32>} : memref<2x4x8192xf32, #tpu.memory_space<vmem>>, vector<1x1x16xf32>,
        %get3A_680 = vector.shape_cast %get3A_679 : vector<1x1x16xf32> to vector<16xf32>
        %add3A_681 = arith.addf %get3A_680, %get3A_618 : vector<16xf32>
        %add3A_682 = arith.constant 48 : i32
        %add3A_683 = arith.addi %mul3A_380, %add3A_682 : i32
        %swap3A_684 = arith.constant 3 : i32
        %swap3A_685 = arith.index_cast %and3A_231 : i32 to index
        %swap3A_686 = arith.index_cast %swap3A_684 : i32 to index
        %swap3A_687 = arith.index_cast %add3A_683 : i32 to index
        %swap3A_688 = tpu.vector_load %arg6[%swap3A_685, %swap3A_686, %swap3A_687] {strides = array<i32>} : memref<2x4x8192xf32, #tpu.memory_space<vmem>>, vector<1x1x16xf32>,
        %swap3A_689 = vector.shape_cast %swap3A_688 : vector<1x1x16xf32> to vector<16xf32>
        %swap3A_690 = vector.shape_cast %add3A_681 : vector<16xf32> to vector<1x1x16xf32>
        tpu.vector_store %arg6[%swap3A_685, %swap3A_686, %swap3A_687], %swap3A_690 {strides = array<i32>} : memref<2x4x8192xf32, #tpu.memory_space<vmem>>, vector<1x1x16xf32>,
        %add3A_691 = arith.constant 64 : i32
        %add3A_692 = arith.addi %mul3A_380, %add3A_691 : i32
        %get3A_693 = arith.index_cast %and3A_231 : i32 to index
        %get3A_694 = arith.index_cast %add3A_692 : i32 to index
        %get3A_695 = tpu.vector_load %arg5[%get3A_693, %get3A_694] {strides = array<i32>} : memref<2x8192xf32, #tpu.memory_space<vmem>>, vector<1x16xf32>,
        %get3A_696 = vector.shape_cast %get3A_695 : vector<1x16xf32> to vector<16xf32>
        %add3A_697 = arith.constant 64 : i32
        %add3A_698 = arith.addi %mul3A_380, %add3A_697 : i32
        %get3A_699 = arith.constant 0 : i32
        %get3A_700 = arith.index_cast %and3A_231 : i32 to index
        %get3A_701 = arith.index_cast %get3A_699 : i32 to index
        %get3A_702 = arith.index_cast %add3A_698 : i32 to index
        %get3A_703 = tpu.vector_load %arg6[%get3A_700, %get3A_701, %get3A_702] {strides = array<i32>} : memref<2x4x8192xf32, #tpu.memory_space<vmem>>, vector<1x1x16xf32>,
        %get3A_704 = vector.shape_cast %get3A_703 : vector<1x1x16xf32> to vector<16xf32>
        %add3A_705 = arith.addf %get3A_704, %get3A_696 : vector<16xf32>
        %add3A_706 = arith.constant 64 : i32
        %add3A_707 = arith.addi %mul3A_380, %add3A_706 : i32
        %swap3A_708 = arith.constant 0 : i32
        %swap3A_709 = arith.index_cast %and3A_231 : i32 to index
        %swap3A_710 = arith.index_cast %swap3A_708 : i32 to index
        %swap3A_711 = arith.index_cast %add3A_707 : i32 to index
        %swap3A_712 = tpu.vector_load %arg6[%swap3A_709, %swap3A_710, %swap3A_711] {strides = array<i32>} : memref<2x4x8192xf32, #tpu.memory_space<vmem>>, vector<1x1x16xf32>,
        %swap3A_713 = vector.shape_cast %swap3A_712 : vector<1x1x16xf32> to vector<16xf32>
        %swap3A_714 = vector.shape_cast %add3A_705 : vector<16xf32> to vector<1x1x16xf32>
        tpu.vector_store %arg6[%swap3A_709, %swap3A_710, %swap3A_711], %swap3A_714 {strides = array<i32>} : memref<2x4x8192xf32, #tpu.memory_space<vmem>>, vector<1x1x16xf32>,
        %add3A_715 = arith.constant 64 : i32
        %add3A_716 = arith.addi %mul3A_380, %add3A_715 : i32
        %get3A_717 = arith.constant 1 : i32
        %get3A_718 = arith.index_cast %and3A_231 : i32 to index
        %get3A_719 = arith.index_cast %get3A_717 : i32 to index
        %get3A_720 = arith.index_cast %add3A_716 : i32 to index
        %get3A_721 = tpu.vector_load %arg6[%get3A_718, %get3A_719, %get3A_720] {strides = array<i32>} : memref<2x4x8192xf32, #tpu.memory_space<vmem>>, vector<1x1x16xf32>,
        %get3A_722 = vector.shape_cast %get3A_721 : vector<1x1x16xf32> to vector<16xf32>
        %add3A_723 = arith.addf %get3A_722, %get3A_696 : vector<16xf32>
        %add3A_724 = arith.constant 64 : i32
        %add3A_725 = arith.addi %mul3A_380, %add3A_724 : i32
        %swap3A_726 = arith.constant 1 : i32
        %swap3A_727 = arith.index_cast %and3A_231 : i32 to index
        %swap3A_728 = arith.index_cast %swap3A_726 : i32 to index
        %swap3A_729 = arith.index_cast %add3A_725 : i32 to index
        %swap3A_730 = tpu.vector_load %arg6[%swap3A_727, %swap3A_728, %swap3A_729] {strides = array<i32>} : memref<2x4x8192xf32, #tpu.memory_space<vmem>>, vector<1x1x16xf32>,
        %swap3A_731 = vector.shape_cast %swap3A_730 : vector<1x1x16xf32> to vector<16xf32>
        %swap3A_732 = vector.shape_cast %add3A_723 : vector<16xf32> to vector<1x1x16xf32>
        tpu.vector_store %arg6[%swap3A_727, %swap3A_728, %swap3A_729], %swap3A_732 {strides = array<i32>} : memref<2x4x8192xf32, #tpu.memory_space<vmem>>, vector<1x1x16xf32>,
        %add3A_733 = arith.constant 64 : i32
        %add3A_734 = arith.addi %mul3A_380, %add3A_733 : i32
        %get3A_735 = arith.constant 2 : i32
        %get3A_736 = arith.index_cast %and3A_231 : i32 to index
        %get3A_737 = arith.index_cast %get3A_735 : i32 to index
        %get3A_738 = arith.index_cast %add3A_734 : i32 to index
        %get3A_739 = tpu.vector_load %arg6[%get3A_736, %get3A_737, %get3A_738] {strides = array<i32>} : memref<2x4x8192xf32, #tpu.memory_space<vmem>>, vector<1x1x16xf32>,
        %get3A_740 = vector.shape_cast %get3A_739 : vector<1x1x16xf32> to vector<16xf32>
        %add3A_741 = arith.addf %get3A_740, %get3A_696 : vector<16xf32>
        %add3A_742 = arith.constant 64 : i32
        %add3A_743 = arith.addi %mul3A_380, %add3A_742 : i32
        %swap3A_744 = arith.constant 2 : i32
        %swap3A_745 = arith.index_cast %and3A_231 : i32 to index
        %swap3A_746 = arith.index_cast %swap3A_744 : i32 to index
        %swap3A_747 = arith.index_cast %add3A_743 : i32 to index
        %swap3A_748 = tpu.vector_load %arg6[%swap3A_745, %swap3A_746, %swap3A_747] {strides = array<i32>} : memref<2x4x8192xf32, #tpu.memory_space<vmem>>, vector<1x1x16xf32>,
        %swap3A_749 = vector.shape_cast %swap3A_748 : vector<1x1x16xf32> to vector<16xf32>
        %swap3A_750 = vector.shape_cast %add3A_741 : vector<16xf32> to vector<1x1x16xf32>
        tpu.vector_store %arg6[%swap3A_745, %swap3A_746, %swap3A_747], %swap3A_750 {strides = array<i32>} : memref<2x4x8192xf32, #tpu.memory_space<vmem>>, vector<1x1x16xf32>,
        %add3A_751 = arith.constant 64 : i32
        %add3A_752 = arith.addi %mul3A_380, %add3A_751 : i32
        %get3A_753 = arith.constant 3 : i32
        %get3A_754 = arith.index_cast %and3A_231 : i32 to index
        %get3A_755 = arith.index_cast %get3A_753 : i32 to index
        %get3A_756 = arith.index_cast %add3A_752 : i32 to index
        %get3A_757 = tpu.vector_load %arg6[%get3A_754, %get3A_755, %get3A_756] {strides = array<i32>} : memref<2x4x8192xf32, #tpu.memory_space<vmem>>, vector<1x1x16xf32>,
        %get3A_758 = vector.shape_cast %get3A_757 : vector<1x1x16xf32> to vector<16xf32>
        %add3A_759 = arith.addf %get3A_758, %get3A_696 : vector<16xf32>
        %add3A_760 = arith.constant 64 : i32
        %add3A_761 = arith.addi %mul3A_380, %add3A_760 : i32
        %swap3A_762 = arith.constant 3 : i32
        %swap3A_763 = arith.index_cast %and3A_231 : i32 to index
        %swap3A_764 = arith.index_cast %swap3A_762 : i32 to index
        %swap3A_765 = arith.index_cast %add3A_761 : i32 to index
        %swap3A_766 = tpu.vector_load %arg6[%swap3A_763, %swap3A_764, %swap3A_765] {strides = array<i32>} : memref<2x4x8192xf32, #tpu.memory_space<vmem>>, vector<1x1x16xf32>,
        %swap3A_767 = vector.shape_cast %swap3A_766 : vector<1x1x16xf32> to vector<16xf32>
        %swap3A_768 = vector.shape_cast %add3A_759 : vector<16xf32> to vector<1x1x16xf32>
        tpu.vector_store %arg6[%swap3A_763, %swap3A_764, %swap3A_765], %swap3A_768 {strides = array<i32>} : memref<2x4x8192xf32, #tpu.memory_space<vmem>>, vector<1x1x16xf32>,
        %add3A_769 = arith.constant 80 : i32
        %add3A_770 = arith.addi %mul3A_380, %add3A_769 : i32
        %get3A_771 = arith.index_cast %and3A_231 : i32 to index
        %get3A_772 = arith.index_cast %add3A_770 : i32 to index
        %get3A_773 = tpu.vector_load %arg5[%get3A_771, %get3A_772] {strides = array<i32>} : memref<2x8192xf32, #tpu.memory_space<vmem>>, vector<1x16xf32>,
        %get3A_774 = vector.shape_cast %get3A_773 : vector<1x16xf32> to vector<16xf32>
        %add3A_775 = arith.constant 80 : i32
        %add3A_776 = arith.addi %mul3A_380, %add3A_775 : i32
        %get3A_777 = arith.constant 0 : i32
        %get3A_778 = arith.index_cast %and3A_231 : i32 to index
        %get3A_779 = arith.index_cast %get3A_777 : i32 to index
        %get3A_780 = arith.index_cast %add3A_776 : i32 to index
        %get3A_781 = tpu.vector_load %arg6[%get3A_778, %get3A_779, %get3A_780] {strides = array<i32>} : memref<2x4x8192xf32, #tpu.memory_space<vmem>>, vector<1x1x16xf32>,
        %get3A_782 = vector.shape_cast %get3A_781 : vector<1x1x16xf32> to vector<16xf32>
        %add3A_783 = arith.addf %get3A_782, %get3A_774 : vector<16xf32>
        %add3A_784 = arith.constant 80 : i32
        %add3A_785 = arith.addi %mul3A_380, %add3A_784 : i32
        %swap3A_786 = arith.constant 0 : i32
        %swap3A_787 = arith.index_cast %and3A_231 : i32 to index
        %swap3A_788 = arith.index_cast %swap3A_786 : i32 to index
        %swap3A_789 = arith.index_cast %add3A_785 : i32 to index
        %swap3A_790 = tpu.vector_load %arg6[%swap3A_787, %swap3A_788, %swap3A_789] {strides = array<i32>} : memref<2x4x8192xf32, #tpu.memory_space<vmem>>, vector<1x1x16xf32>,
        %swap3A_791 = vector.shape_cast %swap3A_790 : vector<1x1x16xf32> to vector<16xf32>
        %swap3A_792 = vector.shape_cast %add3A_783 : vector<16xf32> to vector<1x1x16xf32>
        tpu.vector_store %arg6[%swap3A_787, %swap3A_788, %swap3A_789], %swap3A_792 {strides = array<i32>} : memref<2x4x8192xf32, #tpu.memory_space<vmem>>, vector<1x1x16xf32>,
        %add3A_793 = arith.constant 80 : i32
        %add3A_794 = arith.addi %mul3A_380, %add3A_793 : i32
        %get3A_795 = arith.constant 1 : i32
        %get3A_796 = arith.index_cast %and3A_231 : i32 to index
        %get3A_797 = arith.index_cast %get3A_795 : i32 to index
        %get3A_798 = arith.index_cast %add3A_794 : i32 to index
        %get3A_799 = tpu.vector_load %arg6[%get3A_796, %get3A_797, %get3A_798] {strides = array<i32>} : memref<2x4x8192xf32, #tpu.memory_space<vmem>>, vector<1x1x16xf32>,
        %get3A_800 = vector.shape_cast %get3A_799 : vector<1x1x16xf32> to vector<16xf32>
        %add3A_801 = arith.addf %get3A_800, %get3A_774 : vector<16xf32>
        %add3A_802 = arith.constant 80 : i32
        %add3A_803 = arith.addi %mul3A_380, %add3A_802 : i32
        %swap3A_804 = arith.constant 1 : i32
        %swap3A_805 = arith.index_cast %and3A_231 : i32 to index
        %swap3A_806 = arith.index_cast %swap3A_804 : i32 to index
        %swap3A_807 = arith.index_cast %add3A_803 : i32 to index
        %swap3A_808 = tpu.vector_load %arg6[%swap3A_805, %swap3A_806, %swap3A_807] {strides = array<i32>} : memref<2x4x8192xf32, #tpu.memory_space<vmem>>, vector<1x1x16xf32>,
        %swap3A_809 = vector.shape_cast %swap3A_808 : vector<1x1x16xf32> to vector<16xf32>
        %swap3A_810 = vector.shape_cast %add3A_801 : vector<16xf32> to vector<1x1x16xf32>
        tpu.vector_store %arg6[%swap3A_805, %swap3A_806, %swap3A_807], %swap3A_810 {strides = array<i32>} : memref<2x4x8192xf32, #tpu.memory_space<vmem>>, vector<1x1x16xf32>,
        %add3A_811 = arith.constant 80 : i32
        %add3A_812 = arith.addi %mul3A_380, %add3A_811 : i32
        %get3A_813 = arith.constant 2 : i32
        %get3A_814 = arith.index_cast %and3A_231 : i32 to index
        %get3A_815 = arith.index_cast %get3A_813 : i32 to index
        %get3A_816 = arith.index_cast %add3A_812 : i32 to index
        %get3A_817 = tpu.vector_load %arg6[%get3A_814, %get3A_815, %get3A_816] {strides = array<i32>} : memref<2x4x8192xf32, #tpu.memory_space<vmem>>, vector<1x1x16xf32>,
        %get3A_818 = vector.shape_cast %get3A_817 : vector<1x1x16xf32> to vector<16xf32>
        %add3A_819 = arith.addf %get3A_818, %get3A_774 : vector<16xf32>
        %add3A_820 = arith.constant 80 : i32
        %add3A_821 = arith.addi %mul3A_380, %add3A_820 : i32
        %swap3A_822 = arith.constant 2 : i32
        %swap3A_823 = arith.index_cast %and3A_231 : i32 to index
        %swap3A_824 = arith.index_cast %swap3A_822 : i32 to index
        %swap3A_825 = arith.index_cast %add3A_821 : i32 to index
        %swap3A_826 = tpu.vector_load %arg6[%swap3A_823, %swap3A_824, %swap3A_825] {strides = array<i32>} : memref<2x4x8192xf32, #tpu.memory_space<vmem>>, vector<1x1x16xf32>,
        %swap3A_827 = vector.shape_cast %swap3A_826 : vector<1x1x16xf32> to vector<16xf32>
        %swap3A_828 = vector.shape_cast %add3A_819 : vector<16xf32> to vector<1x1x16xf32>
        tpu.vector_store %arg6[%swap3A_823, %swap3A_824, %swap3A_825], %swap3A_828 {strides = array<i32>} : memref<2x4x8192xf32, #tpu.memory_space<vmem>>, vector<1x1x16xf32>,
        %add3A_829 = arith.constant 80 : i32
        %add3A_830 = arith.addi %mul3A_380, %add3A_829 : i32
        %get3A_831 = arith.constant 3 : i32
        %get3A_832 = arith.index_cast %and3A_231 : i32 to index
        %get3A_833 = arith.index_cast %get3A_831 : i32 to index
        %get3A_834 = arith.index_cast %add3A_830 : i32 to index
        %get3A_835 = tpu.vector_load %arg6[%get3A_832, %get3A_833, %get3A_834] {strides = array<i32>} : memref<2x4x8192xf32, #tpu.memory_space<vmem>>, vector<1x1x16xf32>,
        %get3A_836 = vector.shape_cast %get3A_835 : vector<1x1x16xf32> to vector<16xf32>
        %add3A_837 = arith.addf %get3A_836, %get3A_774 : vector<16xf32>
        %add3A_838 = arith.constant 80 : i32
        %add3A_839 = arith.addi %mul3A_380, %add3A_838 : i32
        %swap3A_840 = arith.constant 3 : i32
        %swap3A_841 = arith.index_cast %and3A_231 : i32 to index
        %swap3A_842 = arith.index_cast %swap3A_840 : i32 to index
        %swap3A_843 = arith.index_cast %add3A_839 : i32 to index
        %swap3A_844 = tpu.vector_load %arg6[%swap3A_841, %swap3A_842, %swap3A_843] {strides = array<i32>} : memref<2x4x8192xf32, #tpu.memory_space<vmem>>, vector<1x1x16xf32>,
        %swap3A_845 = vector.shape_cast %swap3A_844 : vector<1x1x16xf32> to vector<16xf32>
        %swap3A_846 = vector.shape_cast %add3A_837 : vector<16xf32> to vector<1x1x16xf32>
        tpu.vector_store %arg6[%swap3A_841, %swap3A_842, %swap3A_843], %swap3A_846 {strides = array<i32>} : memref<2x4x8192xf32, #tpu.memory_space<vmem>>, vector<1x1x16xf32>,
        %add3A_847 = arith.constant 96 : i32
        %add3A_848 = arith.addi %mul3A_380, %add3A_847 : i32
        %get3A_849 = arith.index_cast %and3A_231 : i32 to index
        %get3A_850 = arith.index_cast %add3A_848 : i32 to index
        %get3A_851 = tpu.vector_load %arg5[%get3A_849, %get3A_850] {strides = array<i32>} : memref<2x8192xf32, #tpu.memory_space<vmem>>, vector<1x16xf32>,
        %get3A_852 = vector.shape_cast %get3A_851 : vector<1x16xf32> to vector<16xf32>
        %add3A_853 = arith.constant 96 : i32
        %add3A_854 = arith.addi %mul3A_380, %add3A_853 : i32
        %get3A_855 = arith.constant 0 : i32
        %get3A_856 = arith.index_cast %and3A_231 : i32 to index
        %get3A_857 = arith.index_cast %get3A_855 : i32 to index
        %get3A_858 = arith.index_cast %add3A_854 : i32 to index
        %get3A_859 = tpu.vector_load %arg6[%get3A_856, %get3A_857, %get3A_858] {strides = array<i32>} : memref<2x4x8192xf32, #tpu.memory_space<vmem>>, vector<1x1x16xf32>,
        %get3A_860 = vector.shape_cast %get3A_859 : vector<1x1x16xf32> to vector<16xf32>
        %add3A_861 = arith.addf %get3A_860, %get3A_852 : vector<16xf32>
        %add3A_862 = arith.constant 96 : i32
        %add3A_863 = arith.addi %mul3A_380, %add3A_862 : i32
        %swap3A_864 = arith.constant 0 : i32
        %swap3A_865 = arith.index_cast %and3A_231 : i32 to index
        %swap3A_866 = arith.index_cast %swap3A_864 : i32 to index
        %swap3A_867 = arith.index_cast %add3A_863 : i32 to index
        %swap3A_868 = tpu.vector_load %arg6[%swap3A_865, %swap3A_866, %swap3A_867] {strides = array<i32>} : memref<2x4x8192xf32, #tpu.memory_space<vmem>>, vector<1x1x16xf32>,
        %swap3A_869 = vector.shape_cast %swap3A_868 : vector<1x1x16xf32> to vector<16xf32>
        %swap3A_870 = vector.shape_cast %add3A_861 : vector<16xf32> to vector<1x1x16xf32>
        tpu.vector_store %arg6[%swap3A_865, %swap3A_866, %swap3A_867], %swap3A_870 {strides = array<i32>} : memref<2x4x8192xf32, #tpu.memory_space<vmem>>, vector<1x1x16xf32>,
        %add3A_871 = arith.constant 96 : i32
        %add3A_872 = arith.addi %mul3A_380, %add3A_871 : i32
        %get3A_873 = arith.constant 1 : i32
        %get3A_874 = arith.index_cast %and3A_231 : i32 to index
        %get3A_875 = arith.index_cast %get3A_873 : i32 to index
        %get3A_876 = arith.index_cast %add3A_872 : i32 to index
        %get3A_877 = tpu.vector_load %arg6[%get3A_874, %get3A_875, %get3A_876] {strides = array<i32>} : memref<2x4x8192xf32, #tpu.memory_space<vmem>>, vector<1x1x16xf32>,
        %get3A_878 = vector.shape_cast %get3A_877 : vector<1x1x16xf32> to vector<16xf32>
        %add3A_879 = arith.addf %get3A_878, %get3A_852 : vector<16xf32>
        %add3A_880 = arith.constant 96 : i32
        %add3A_881 = arith.addi %mul3A_380, %add3A_880 : i32
        %swap3A_882 = arith.constant 1 : i32
        %swap3A_883 = arith.index_cast %and3A_231 : i32 to index
        %swap3A_884 = arith.index_cast %swap3A_882 : i32 to index
        %swap3A_885 = arith.index_cast %add3A_881 : i32 to index
        %swap3A_886 = tpu.vector_load %arg6[%swap3A_883, %swap3A_884, %swap3A_885] {strides = array<i32>} : memref<2x4x8192xf32, #tpu.memory_space<vmem>>, vector<1x1x16xf32>,
        %swap3A_887 = vector.shape_cast %swap3A_886 : vector<1x1x16xf32> to vector<16xf32>
        %swap3A_888 = vector.shape_cast %add3A_879 : vector<16xf32> to vector<1x1x16xf32>
        tpu.vector_store %arg6[%swap3A_883, %swap3A_884, %swap3A_885], %swap3A_888 {strides = array<i32>} : memref<2x4x8192xf32, #tpu.memory_space<vmem>>, vector<1x1x16xf32>,
        %add3A_889 = arith.constant 96 : i32
        %add3A_890 = arith.addi %mul3A_380, %add3A_889 : i32
        %get3A_891 = arith.constant 2 : i32
        %get3A_892 = arith.index_cast %and3A_231 : i32 to index
        %get3A_893 = arith.index_cast %get3A_891 : i32 to index
        %get3A_894 = arith.index_cast %add3A_890 : i32 to index
        %get3A_895 = tpu.vector_load %arg6[%get3A_892, %get3A_893, %get3A_894] {strides = array<i32>} : memref<2x4x8192xf32, #tpu.memory_space<vmem>>, vector<1x1x16xf32>,
        %get3A_896 = vector.shape_cast %get3A_895 : vector<1x1x16xf32> to vector<16xf32>
        %add3A_897 = arith.addf %get3A_896, %get3A_852 : vector<16xf32>
        %add3A_898 = arith.constant 96 : i32
        %add3A_899 = arith.addi %mul3A_380, %add3A_898 : i32
        %swap3A_900 = arith.constant 2 : i32
        %swap3A_901 = arith.index_cast %and3A_231 : i32 to index
        %swap3A_902 = arith.index_cast %swap3A_900 : i32 to index
        %swap3A_903 = arith.index_cast %add3A_899 : i32 to index
        %swap3A_904 = tpu.vector_load %arg6[%swap3A_901, %swap3A_902, %swap3A_903] {strides = array<i32>} : memref<2x4x8192xf32, #tpu.memory_space<vmem>>, vector<1x1x16xf32>,
        %swap3A_905 = vector.shape_cast %swap3A_904 : vector<1x1x16xf32> to vector<16xf32>
        %swap3A_906 = vector.shape_cast %add3A_897 : vector<16xf32> to vector<1x1x16xf32>
        tpu.vector_store %arg6[%swap3A_901, %swap3A_902, %swap3A_903], %swap3A_906 {strides = array<i32>} : memref<2x4x8192xf32, #tpu.memory_space<vmem>>, vector<1x1x16xf32>,
        %add3A_907 = arith.constant 96 : i32
        %add3A_908 = arith.addi %mul3A_380, %add3A_907 : i32
        %get3A_909 = arith.constant 3 : i32
        %get3A_910 = arith.index_cast %and3A_231 : i32 to index
        %get3A_911 = arith.index_cast %get3A_909 : i32 to index
        %get3A_912 = arith.index_cast %add3A_908 : i32 to index
        %get3A_913 = tpu.vector_load %arg6[%get3A_910, %get3A_911, %get3A_912] {strides = array<i32>} : memref<2x4x8192xf32, #tpu.memory_space<vmem>>, vector<1x1x16xf32>,
        %get3A_914 = vector.shape_cast %get3A_913 : vector<1x1x16xf32> to vector<16xf32>
        %add3A_915 = arith.addf %get3A_914, %get3A_852 : vector<16xf32>
        %add3A_916 = arith.constant 96 : i32
        %add3A_917 = arith.addi %mul3A_380, %add3A_916 : i32
        %swap3A_918 = arith.constant 3 : i32
        %swap3A_919 = arith.index_cast %and3A_231 : i32 to index
        %swap3A_920 = arith.index_cast %swap3A_918 : i32 to index
        %swap3A_921 = arith.index_cast %add3A_917 : i32 to index
        %swap3A_922 = tpu.vector_load %arg6[%swap3A_919, %swap3A_920, %swap3A_921] {strides = array<i32>} : memref<2x4x8192xf32, #tpu.memory_space<vmem>>, vector<1x1x16xf32>,
        %swap3A_923 = vector.shape_cast %swap3A_922 : vector<1x1x16xf32> to vector<16xf32>
        %swap3A_924 = vector.shape_cast %add3A_915 : vector<16xf32> to vector<1x1x16xf32>
        tpu.vector_store %arg6[%swap3A_919, %swap3A_920, %swap3A_921], %swap3A_924 {strides = array<i32>} : memref<2x4x8192xf32, #tpu.memory_space<vmem>>, vector<1x1x16xf32>,
        %add3A_925 = arith.constant 112 : i32
        %add3A_926 = arith.addi %mul3A_380, %add3A_925 : i32
        %get3A_927 = arith.index_cast %and3A_231 : i32 to index
        %get3A_928 = arith.index_cast %add3A_926 : i32 to index
        %get3A_929 = tpu.vector_load %arg5[%get3A_927, %get3A_928] {strides = array<i32>} : memref<2x8192xf32, #tpu.memory_space<vmem>>, vector<1x16xf32>,
        %get3A_930 = vector.shape_cast %get3A_929 : vector<1x16xf32> to vector<16xf32>
        %add3A_931 = arith.constant 112 : i32
        %add3A_932 = arith.addi %mul3A_380, %add3A_931 : i32
        %get3A_933 = arith.constant 0 : i32
        %get3A_934 = arith.index_cast %and3A_231 : i32 to index
        %get3A_935 = arith.index_cast %get3A_933 : i32 to index
        %get3A_936 = arith.index_cast %add3A_932 : i32 to index
        %get3A_937 = tpu.vector_load %arg6[%get3A_934, %get3A_935, %get3A_936] {strides = array<i32>} : memref<2x4x8192xf32, #tpu.memory_space<vmem>>, vector<1x1x16xf32>,
        %get3A_938 = vector.shape_cast %get3A_937 : vector<1x1x16xf32> to vector<16xf32>
        %add3A_939 = arith.addf %get3A_938, %get3A_930 : vector<16xf32>
        %add3A_940 = arith.constant 112 : i32
        %add3A_941 = arith.addi %mul3A_380, %add3A_940 : i32
        %swap3A_942 = arith.constant 0 : i32
        %swap3A_943 = arith.index_cast %and3A_231 : i32 to index
        %swap3A_944 = arith.index_cast %swap3A_942 : i32 to index
        %swap3A_945 = arith.index_cast %add3A_941 : i32 to index
        %swap3A_946 = tpu.vector_load %arg6[%swap3A_943, %swap3A_944, %swap3A_945] {strides = array<i32>} : memref<2x4x8192xf32, #tpu.memory_space<vmem>>, vector<1x1x16xf32>,
        %swap3A_947 = vector.shape_cast %swap3A_946 : vector<1x1x16xf32> to vector<16xf32>
        %swap3A_948 = vector.shape_cast %add3A_939 : vector<16xf32> to vector<1x1x16xf32>
        tpu.vector_store %arg6[%swap3A_943, %swap3A_944, %swap3A_945], %swap3A_948 {strides = array<i32>} : memref<2x4x8192xf32, #tpu.memory_space<vmem>>, vector<1x1x16xf32>,
        %add3A_949 = arith.constant 112 : i32
        %add3A_950 = arith.addi %mul3A_380, %add3A_949 : i32
        %get3A_951 = arith.constant 1 : i32
        %get3A_952 = arith.index_cast %and3A_231 : i32 to index
        %get3A_953 = arith.index_cast %get3A_951 : i32 to index
        %get3A_954 = arith.index_cast %add3A_950 : i32 to index
        %get3A_955 = tpu.vector_load %arg6[%get3A_952, %get3A_953, %get3A_954] {strides = array<i32>} : memref<2x4x8192xf32, #tpu.memory_space<vmem>>, vector<1x1x16xf32>,
        %get3A_956 = vector.shape_cast %get3A_955 : vector<1x1x16xf32> to vector<16xf32>
        %add3A_957 = arith.addf %get3A_956, %get3A_930 : vector<16xf32>
        %add3A_958 = arith.constant 112 : i32
        %add3A_959 = arith.addi %mul3A_380, %add3A_958 : i32
        %swap3A_960 = arith.constant 1 : i32
        %swap3A_961 = arith.index_cast %and3A_231 : i32 to index
        %swap3A_962 = arith.index_cast %swap3A_960 : i32 to index
        %swap3A_963 = arith.index_cast %add3A_959 : i32 to index
        %swap3A_964 = tpu.vector_load %arg6[%swap3A_961, %swap3A_962, %swap3A_963] {strides = array<i32>} : memref<2x4x8192xf32, #tpu.memory_space<vmem>>, vector<1x1x16xf32>,
        %swap3A_965 = vector.shape_cast %swap3A_964 : vector<1x1x16xf32> to vector<16xf32>
        %swap3A_966 = vector.shape_cast %add3A_957 : vector<16xf32> to vector<1x1x16xf32>
        tpu.vector_store %arg6[%swap3A_961, %swap3A_962, %swap3A_963], %swap3A_966 {strides = array<i32>} : memref<2x4x8192xf32, #tpu.memory_space<vmem>>, vector<1x1x16xf32>,
        %add3A_967 = arith.constant 112 : i32
        %add3A_968 = arith.addi %mul3A_380, %add3A_967 : i32
        %get3A_969 = arith.constant 2 : i32
        %get3A_970 = arith.index_cast %and3A_231 : i32 to index
        %get3A_971 = arith.index_cast %get3A_969 : i32 to index
        %get3A_972 = arith.index_cast %add3A_968 : i32 to index
        %get3A_973 = tpu.vector_load %arg6[%get3A_970, %get3A_971, %get3A_972] {strides = array<i32>} : memref<2x4x8192xf32, #tpu.memory_space<vmem>>, vector<1x1x16xf32>,
        %get3A_974 = vector.shape_cast %get3A_973 : vector<1x1x16xf32> to vector<16xf32>
        %add3A_975 = arith.addf %get3A_974, %get3A_930 : vector<16xf32>
        %add3A_976 = arith.constant 112 : i32
        %add3A_977 = arith.addi %mul3A_380, %add3A_976 : i32
        %swap3A_978 = arith.constant 2 : i32
        %swap3A_979 = arith.index_cast %and3A_231 : i32 to index
        %swap3A_980 = arith.index_cast %swap3A_978 : i32 to index
        %swap3A_981 = arith.index_cast %add3A_977 : i32 to index
        %swap3A_982 = tpu.vector_load %arg6[%swap3A_979, %swap3A_980, %swap3A_981] {strides = array<i32>} : memref<2x4x8192xf32, #tpu.memory_space<vmem>>, vector<1x1x16xf32>,
        %swap3A_983 = vector.shape_cast %swap3A_982 : vector<1x1x16xf32> to vector<16xf32>
        %swap3A_984 = vector.shape_cast %add3A_975 : vector<16xf32> to vector<1x1x16xf32>
        tpu.vector_store %arg6[%swap3A_979, %swap3A_980, %swap3A_981], %swap3A_984 {strides = array<i32>} : memref<2x4x8192xf32, #tpu.memory_space<vmem>>, vector<1x1x16xf32>,
        %add3A_985 = arith.constant 112 : i32
        %add3A_986 = arith.addi %mul3A_380, %add3A_985 : i32
        %get3A_987 = arith.constant 3 : i32
        %get3A_988 = arith.index_cast %and3A_231 : i32 to index
        %get3A_989 = arith.index_cast %get3A_987 : i32 to index
        %get3A_990 = arith.index_cast %add3A_986 : i32 to index
        %get3A_991 = tpu.vector_load %arg6[%get3A_988, %get3A_989, %get3A_990] {strides = array<i32>} : memref<2x4x8192xf32, #tpu.memory_space<vmem>>, vector<1x1x16xf32>,
        %get3A_992 = vector.shape_cast %get3A_991 : vector<1x1x16xf32> to vector<16xf32>
        %add3A_993 = arith.addf %get3A_992, %get3A_930 : vector<16xf32>
        %add3A_994 = arith.constant 112 : i32
        %add3A_995 = arith.addi %mul3A_380, %add3A_994 : i32
        %swap3A_996 = arith.constant 3 : i32
        %swap3A_997 = arith.index_cast %and3A_231 : i32 to index
        %swap3A_998 = arith.index_cast %swap3A_996 : i32 to index
        %swap3A_999 = arith.index_cast %add3A_995 : i32 to index
        %swap3A_1000 = tpu.vector_load %arg6[%swap3A_997, %swap3A_998, %swap3A_999] {strides = array<i32>} : memref<2x4x8192xf32, #tpu.memory_space<vmem>>, vector<1x1x16xf32>,
        %swap3A_1001 = vector.shape_cast %swap3A_1000 : vector<1x1x16xf32> to vector<16xf32>
        %swap3A_1002 = vector.shape_cast %add3A_993 : vector<16xf32> to vector<1x1x16xf32>
        tpu.vector_store %arg6[%swap3A_997, %swap3A_998, %swap3A_999], %swap3A_1002 {strides = array<i32>} : memref<2x4x8192xf32, #tpu.memory_space<vmem>>, vector<1x1x16xf32>,
      }
      %scan3A_318 = arith.constant 64 : i32
      %mul3A_319 = arith.constant 8192 : i32
      %mul3A_320 = arith.muli %scan3A_230, %mul3A_319 : i32
      %add3A_321 = arith.addi %mul3A_4, %mul3A_320 : i32
      %dma_start3A_322 = arith.constant 0 : i32
      %dma_start3A_323 = arith.constant 0 : i32
      %dma_start3A_324 = arith.constant 0 : i32
      %dma_start3A_325 = tpu.memref_slice %arg6[%and3A_231, %dma_start3A_322, %dma_start3A_324] : memref<2x4x8192xf32, #tpu.memory_space<vmem>> -> memref<1x1x8192xf32, #tpu.memory_space<vmem>>
      %dma_start3A_326 = tpu.memref_squeeze %dma_start3A_325 : memref<1x1x8192xf32, #tpu.memory_space<vmem>> -> memref<8192xf32, #tpu.memory_space<vmem>>
      %dma_start3A_327 = tpu.memref_slice %arg4[%dma_start3A_323, %add3A_321] : memref<4x4194304xf32, #tpu.memory_space<hbm>> -> memref<1x8192xf32, #tpu.memory_space<hbm>>
      %dma_start3A_328 = tpu.memref_squeeze %dma_start3A_327 : memref<1x8192xf32, #tpu.memory_space<hbm>> -> memref<8192xf32, #tpu.memory_space<hbm>>
      %dma_start3A_329 = tpu.memref_slice %arg8[%and3A_231] : memref<2x!tpu.dma_semaphore, #tpu.memory_space<semaphore_mem>> -> memref<1x!tpu.dma_semaphore, #tpu.memory_space<semaphore_mem>>
      %dma_start3A_330 = tpu.memref_squeeze %dma_start3A_329 : memref<1x!tpu.dma_semaphore, #tpu.memory_space<semaphore_mem>> -> memref<!tpu.dma_semaphore, #tpu.memory_space<semaphore_mem>>
      %dma_start3A_331 = tpu.memref_slice %arg4[%dma_start3A_323, %add3A_321] : memref<4x4194304xf32, #tpu.memory_space<hbm>> -> memref<1x8192xf32, #tpu.memory_space<hbm>>
      %dma_start3A_332 = tpu.memref_squeeze %dma_start3A_331 : memref<1x8192xf32, #tpu.memory_space<hbm>> -> memref<8192xf32, #tpu.memory_space<hbm>>
      %dma_start3A_333 = arith.constant 0 : i32
      %dma_start3A_334 = tpu.memref_slice %arg6[%and3A_231, %dma_start3A_322, %dma_start3A_333] : memref<2x4x8192xf32, #tpu.memory_space<vmem>> -> memref<1x1x8192xf32, #tpu.memory_space<vmem>>
      %dma_start3A_335 = tpu.memref_squeeze %dma_start3A_334 : memref<1x1x8192xf32, #tpu.memory_space<vmem>> -> memref<8192xf32, #tpu.memory_space<vmem>>
      tpu.enqueue_dma source(%dma_start3A_335 : memref<8192xf32, #tpu.memory_space<vmem>>) target(%dma_start3A_332 : memref<8192xf32, #tpu.memory_space<hbm>>) target_semaphore(%dma_start3A_330 : memref<!tpu.dma_semaphore, #tpu.memory_space<semaphore_mem>>)
      %dma_start3A_336 = arith.constant 1 : i32
      %dma_start3A_337 = arith.constant 1 : i32
      %dma_start3A_338 = arith.constant 0 : i32
      %dma_start3A_339 = tpu.memref_slice %arg6[%and3A_231, %dma_start3A_336, %dma_start3A_338] : memref<2x4x8192xf32, #tpu.memory_space<vmem>> -> memref<1x1x8192xf32, #tpu.memory_space<vmem>>
      %dma_start3A_340 = tpu.memref_squeeze %dma_start3A_339 : memref<1x1x8192xf32, #tpu.memory_space<vmem>> -> memref<8192xf32, #tpu.memory_space<vmem>>
      %dma_start3A_341 = tpu.memref_slice %arg4[%dma_start3A_337, %add3A_321] : memref<4x4194304xf32, #tpu.memory_space<hbm>> -> memref<1x8192xf32, #tpu.memory_space<hbm>>
      %dma_start3A_342 = tpu.memref_squeeze %dma_start3A_341 : memref<1x8192xf32, #tpu.memory_space<hbm>> -> memref<8192xf32, #tpu.memory_space<hbm>>
      %dma_start3A_343 = tpu.memref_slice %arg8[%and3A_231] : memref<2x!tpu.dma_semaphore, #tpu.memory_space<semaphore_mem>> -> memref<1x!tpu.dma_semaphore, #tpu.memory_space<semaphore_mem>>
      %dma_start3A_344 = tpu.memref_squeeze %dma_start3A_343 : memref<1x!tpu.dma_semaphore, #tpu.memory_space<semaphore_mem>> -> memref<!tpu.dma_semaphore, #tpu.memory_space<semaphore_mem>>
      %dma_start3A_345 = tpu.memref_slice %arg4[%dma_start3A_337, %add3A_321] : memref<4x4194304xf32, #tpu.memory_space<hbm>> -> memref<1x8192xf32, #tpu.memory_space<hbm>>
      %dma_start3A_346 = tpu.memref_squeeze %dma_start3A_345 : memref<1x8192xf32, #tpu.memory_space<hbm>> -> memref<8192xf32, #tpu.memory_space<hbm>>
      %dma_start3A_347 = arith.constant 0 : i32
      %dma_start3A_348 = tpu.memref_slice %arg6[%and3A_231, %dma_start3A_336, %dma_start3A_347] : memref<2x4x8192xf32, #tpu.memory_space<vmem>> -> memref<1x1x8192xf32, #tpu.memory_space<vmem>>
      %dma_start3A_349 = tpu.memref_squeeze %dma_start3A_348 : memref<1x1x8192xf32, #tpu.memory_space<vmem>> -> memref<8192xf32, #tpu.memory_space<vmem>>
      tpu.enqueue_dma source(%dma_start3A_349 : memref<8192xf32, #tpu.memory_space<vmem>>) target(%dma_start3A_346 : memref<8192xf32, #tpu.memory_space<hbm>>) target_semaphore(%dma_start3A_344 : memref<!tpu.dma_semaphore, #tpu.memory_space<semaphore_mem>>)
      %dma_start3A_350 = arith.constant 2 : i32
      %dma_start3A_351 = arith.constant 2 : i32
      %dma_start3A_352 = arith.constant 0 : i32
      %dma_start3A_353 = tpu.memref_slice %arg6[%and3A_231, %dma_start3A_350, %dma_start3A_352] : memref<2x4x8192xf32, #tpu.memory_space<vmem>> -> memref<1x1x8192xf32, #tpu.memory_space<vmem>>
      %dma_start3A_354 = tpu.memref_squeeze %dma_start3A_353 : memref<1x1x8192xf32, #tpu.memory_space<vmem>> -> memref<8192xf32, #tpu.memory_space<vmem>>
      %dma_start3A_355 = tpu.memref_slice %arg4[%dma_start3A_351, %add3A_321] : memref<4x4194304xf32, #tpu.memory_space<hbm>> -> memref<1x8192xf32, #tpu.memory_space<hbm>>
      %dma_start3A_356 = tpu.memref_squeeze %dma_start3A_355 : memref<1x8192xf32, #tpu.memory_space<hbm>> -> memref<8192xf32, #tpu.memory_space<hbm>>
      %dma_start3A_357 = tpu.memref_slice %arg8[%and3A_231] : memref<2x!tpu.dma_semaphore, #tpu.memory_space<semaphore_mem>> -> memref<1x!tpu.dma_semaphore, #tpu.memory_space<semaphore_mem>>
      %dma_start3A_358 = tpu.memref_squeeze %dma_start3A_357 : memref<1x!tpu.dma_semaphore, #tpu.memory_space<semaphore_mem>> -> memref<!tpu.dma_semaphore, #tpu.memory_space<semaphore_mem>>
      %dma_start3A_359 = tpu.memref_slice %arg4[%dma_start3A_351, %add3A_321] : memref<4x4194304xf32, #tpu.memory_space<hbm>> -> memref<1x8192xf32, #tpu.memory_space<hbm>>
      %dma_start3A_360 = tpu.memref_squeeze %dma_start3A_359 : memref<1x8192xf32, #tpu.memory_space<hbm>> -> memref<8192xf32, #tpu.memory_space<hbm>>
      %dma_start3A_361 = arith.constant 0 : i32
      %dma_start3A_362 = tpu.memref_slice %arg6[%and3A_231, %dma_start3A_350, %dma_start3A_361] : memref<2x4x8192xf32, #tpu.memory_space<vmem>> -> memref<1x1x8192xf32, #tpu.memory_space<vmem>>
      %dma_start3A_363 = tpu.memref_squeeze %dma_start3A_362 : memref<1x1x8192xf32, #tpu.memory_space<vmem>> -> memref<8192xf32, #tpu.memory_space<vmem>>
      tpu.enqueue_dma source(%dma_start3A_363 : memref<8192xf32, #tpu.memory_space<vmem>>) target(%dma_start3A_360 : memref<8192xf32, #tpu.memory_space<hbm>>) target_semaphore(%dma_start3A_358 : memref<!tpu.dma_semaphore, #tpu.memory_space<semaphore_mem>>)
      %dma_start3A_364 = arith.constant 3 : i32
      %dma_start3A_365 = arith.constant 3 : i32
      %dma_start3A_366 = arith.constant 0 : i32
      %dma_start3A_367 = tpu.memref_slice %arg6[%and3A_231, %dma_start3A_364, %dma_start3A_366] : memref<2x4x8192xf32, #tpu.memory_space<vmem>> -> memref<1x1x8192xf32, #tpu.memory_space<vmem>>
      %dma_start3A_368 = tpu.memref_squeeze %dma_start3A_367 : memref<1x1x8192xf32, #tpu.memory_space<vmem>> -> memref<8192xf32, #tpu.memory_space<vmem>>
      %dma_start3A_369 = tpu.memref_slice %arg4[%dma_start3A_365, %add3A_321] : memref<4x4194304xf32, #tpu.memory_space<hbm>> -> memref<1x8192xf32, #tpu.memory_space<hbm>>
      %dma_start3A_370 = tpu.memref_squeeze %dma_start3A_369 : memref<1x8192xf32, #tpu.memory_space<hbm>> -> memref<8192xf32, #tpu.memory_space<hbm>>
      %dma_start3A_371 = tpu.memref_slice %arg8[%and3A_231] : memref<2x!tpu.dma_semaphore, #tpu.memory_space<semaphore_mem>> -> memref<1x!tpu.dma_semaphore, #tpu.memory_space<semaphore_mem>>
      %dma_start3A_372 = tpu.memref_squeeze %dma_start3A_371 : memref<1x!tpu.dma_semaphore, #tpu.memory_space<semaphore_mem>> -> memref<!tpu.dma_semaphore, #tpu.memory_space<semaphore_mem>>
      %dma_start3A_373 = tpu.memref_slice %arg4[%dma_start3A_365, %add3A_321] : memref<4x4194304xf32, #tpu.memory_space<hbm>> -> memref<1x8192xf32, #tpu.memory_space<hbm>>
      %dma_start3A_374 = tpu.memref_squeeze %dma_start3A_373 : memref<1x8192xf32, #tpu.memory_space<hbm>> -> memref<8192xf32, #tpu.memory_space<hbm>>
      %dma_start3A_375 = arith.constant 0 : i32
      %dma_start3A_376 = tpu.memref_slice %arg6[%and3A_231, %dma_start3A_364, %dma_start3A_375] : memref<2x4x8192xf32, #tpu.memory_space<vmem>> -> memref<1x1x8192xf32, #tpu.memory_space<vmem>>
      %dma_start3A_377 = tpu.memref_squeeze %dma_start3A_376 : memref<1x1x8192xf32, #tpu.memory_space<vmem>> -> memref<8192xf32, #tpu.memory_space<vmem>>
      tpu.enqueue_dma source(%dma_start3A_377 : memref<8192xf32, #tpu.memory_space<vmem>>) target(%dma_start3A_374 : memref<8192xf32, #tpu.memory_space<hbm>>) target_semaphore(%dma_start3A_372 : memref<!tpu.dma_semaphore, #tpu.memory_space<semaphore_mem>>)
    }
    %scan3A_86 = arith.constant 16 : i32
    %dma_wait3A = arith.constant 0 : i32
    %dma_wait3A_87 = arith.constant 0 : i32
    %dma_wait3A_88 = arith.constant 0 : i32
    %dma_wait3A_89 = arith.constant 0 : i32
    %dma_wait3A_90 = arith.constant 0 : i32
    %dma_wait3A_91 = tpu.memref_slice %arg6[%dma_wait3A, %dma_wait3A_87, %dma_wait3A_90] : memref<2x4x8192xf32, #tpu.memory_space<vmem>> -> memref<1x1x8192xf32, #tpu.memory_space<vmem>>
    %dma_wait3A_92 = tpu.memref_squeeze %dma_wait3A_91 : memref<1x1x8192xf32, #tpu.memory_space<vmem>> -> memref<8192xf32, #tpu.memory_space<vmem>>
    %dma_wait3A_93 = arith.constant 0 : i32
    %dma_wait3A_94 = tpu.memref_slice %arg4[%dma_wait3A_88, %dma_wait3A_93] : memref<4x4194304xf32, #tpu.memory_space<hbm>> -> memref<1x8192xf32, #tpu.memory_space<hbm>>
    %dma_wait3A_95 = tpu.memref_squeeze %dma_wait3A_94 : memref<1x8192xf32, #tpu.memory_space<hbm>> -> memref<8192xf32, #tpu.memory_space<hbm>>
    %dma_wait3A_96 = tpu.memref_slice %arg8[%dma_wait3A_89] : memref<2x!tpu.dma_semaphore, #tpu.memory_space<semaphore_mem>> -> memref<1x!tpu.dma_semaphore, #tpu.memory_space<semaphore_mem>>
    %dma_wait3A_97 = tpu.memref_squeeze %dma_wait3A_96 : memref<1x!tpu.dma_semaphore, #tpu.memory_space<semaphore_mem>> -> memref<!tpu.dma_semaphore, #tpu.memory_space<semaphore_mem>>
    %dma_wait3A_98 = arith.constant 0 : i32
    %dma_wait3A_99 = tpu.memref_slice %arg4[%dma_wait3A_88, %dma_wait3A_98] : memref<4x4194304xf32, #tpu.memory_space<hbm>> -> memref<1x8192xf32, #tpu.memory_space<hbm>>
    %dma_wait3A_100 = tpu.memref_squeeze %dma_wait3A_99 : memref<1x8192xf32, #tpu.memory_space<hbm>> -> memref<8192xf32, #tpu.memory_space<hbm>>
    %dma_wait3A_101 = arith.constant 0 : i32
    %dma_wait3A_102 = tpu.memref_slice %arg6[%dma_wait3A, %dma_wait3A_87, %dma_wait3A_101] : memref<2x4x8192xf32, #tpu.memory_space<vmem>> -> memref<1x1x8192xf32, #tpu.memory_space<vmem>>
    %dma_wait3A_103 = tpu.memref_squeeze %dma_wait3A_102 : memref<1x1x8192xf32, #tpu.memory_space<vmem>> -> memref<8192xf32, #tpu.memory_space<vmem>>
    tpu.wait_dma2 semaphore(%dma_wait3A_97 : memref<!tpu.dma_semaphore, #tpu.memory_space<semaphore_mem>>) src(%dma_wait3A_103 : memref<8192xf32, #tpu.memory_space<vmem>>) dst(%dma_wait3A_100 : memref<8192xf32, #tpu.memory_space<hbm>>)
    %dma_wait3A_104 = arith.constant 0 : i32
    %dma_wait3A_105 = arith.constant 1 : i32
    %dma_wait3A_106 = arith.constant 1 : i32
    %dma_wait3A_107 = arith.constant 0 : i32
    %dma_wait3A_108 = arith.constant 0 : i32
    %dma_wait3A_109 = tpu.memref_slice %arg6[%dma_wait3A_104, %dma_wait3A_105, %dma_wait3A_108] : memref<2x4x8192xf32, #tpu.memory_space<vmem>> -> memref<1x1x8192xf32, #tpu.memory_space<vmem>>
    %dma_wait3A_110 = tpu.memref_squeeze %dma_wait3A_109 : memref<1x1x8192xf32, #tpu.memory_space<vmem>> -> memref<8192xf32, #tpu.memory_space<vmem>>
    %dma_wait3A_111 = arith.constant 0 : i32
    %dma_wait3A_112 = tpu.memref_slice %arg4[%dma_wait3A_106, %dma_wait3A_111] : memref<4x4194304xf32, #tpu.memory_space<hbm>> -> memref<1x8192xf32, #tpu.memory_space<hbm>>
    %dma_wait3A_113 = tpu.memref_squeeze %dma_wait3A_112 : memref<1x8192xf32, #tpu.memory_space<hbm>> -> memref<8192xf32, #tpu.memory_space<hbm>>
    %dma_wait3A_114 = tpu.memref_slice %arg8[%dma_wait3A_107] : memref<2x!tpu.dma_semaphore, #tpu.memory_space<semaphore_mem>> -> memref<1x!tpu.dma_semaphore, #tpu.memory_space<semaphore_mem>>
    %dma_wait3A_115 = tpu.memref_squeeze %dma_wait3A_114 : memref<1x!tpu.dma_semaphore, #tpu.memory_space<semaphore_mem>> -> memref<!tpu.dma_semaphore, #tpu.memory_space<semaphore_mem>>
    %dma_wait3A_116 = arith.constant 0 : i32
    %dma_wait3A_117 = tpu.memref_slice %arg4[%dma_wait3A_106, %dma_wait3A_116] : memref<4x4194304xf32, #tpu.memory_space<hbm>> -> memref<1x8192xf32, #tpu.memory_space<hbm>>
    %dma_wait3A_118 = tpu.memref_squeeze %dma_wait3A_117 : memref<1x8192xf32, #tpu.memory_space<hbm>> -> memref<8192xf32, #tpu.memory_space<hbm>>
    %dma_wait3A_119 = arith.constant 0 : i32
    %dma_wait3A_120 = tpu.memref_slice %arg6[%dma_wait3A_104, %dma_wait3A_105, %dma_wait3A_119] : memref<2x4x8192xf32, #tpu.memory_space<vmem>> -> memref<1x1x8192xf32, #tpu.memory_space<vmem>>
    %dma_wait3A_121 = tpu.memref_squeeze %dma_wait3A_120 : memref<1x1x8192xf32, #tpu.memory_space<vmem>> -> memref<8192xf32, #tpu.memory_space<vmem>>
    tpu.wait_dma2 semaphore(%dma_wait3A_115 : memref<!tpu.dma_semaphore, #tpu.memory_space<semaphore_mem>>) src(%dma_wait3A_121 : memref<8192xf32, #tpu.memory_space<vmem>>) dst(%dma_wait3A_118 : memref<8192xf32, #tpu.memory_space<hbm>>)
    %dma_wait3A_122 = arith.constant 0 : i32
    %dma_wait3A_123 = arith.constant 2 : i32
    %dma_wait3A_124 = arith.constant 2 : i32
    %dma_wait3A_125 = arith.constant 0 : i32
    %dma_wait3A_126 = arith.constant 0 : i32
    %dma_wait3A_127 = tpu.memref_slice %arg6[%dma_wait3A_122, %dma_wait3A_123, %dma_wait3A_126] : memref<2x4x8192xf32, #tpu.memory_space<vmem>> -> memref<1x1x8192xf32, #tpu.memory_space<vmem>>
    %dma_wait3A_128 = tpu.memref_squeeze %dma_wait3A_127 : memref<1x1x8192xf32, #tpu.memory_space<vmem>> -> memref<8192xf32, #tpu.memory_space<vmem>>
    %dma_wait3A_129 = arith.constant 0 : i32
    %dma_wait3A_130 = tpu.memref_slice %arg4[%dma_wait3A_124, %dma_wait3A_129] : memref<4x4194304xf32, #tpu.memory_space<hbm>> -> memref<1x8192xf32, #tpu.memory_space<hbm>>
    %dma_wait3A_131 = tpu.memref_squeeze %dma_wait3A_130 : memref<1x8192xf32, #tpu.memory_space<hbm>> -> memref<8192xf32, #tpu.memory_space<hbm>>
    %dma_wait3A_132 = tpu.memref_slice %arg8[%dma_wait3A_125] : memref<2x!tpu.dma_semaphore, #tpu.memory_space<semaphore_mem>> -> memref<1x!tpu.dma_semaphore, #tpu.memory_space<semaphore_mem>>
    %dma_wait3A_133 = tpu.memref_squeeze %dma_wait3A_132 : memref<1x!tpu.dma_semaphore, #tpu.memory_space<semaphore_mem>> -> memref<!tpu.dma_semaphore, #tpu.memory_space<semaphore_mem>>
    %dma_wait3A_134 = arith.constant 0 : i32
    %dma_wait3A_135 = tpu.memref_slice %arg4[%dma_wait3A_124, %dma_wait3A_134] : memref<4x4194304xf32, #tpu.memory_space<hbm>> -> memref<1x8192xf32, #tpu.memory_space<hbm>>
    %dma_wait3A_136 = tpu.memref_squeeze %dma_wait3A_135 : memref<1x8192xf32, #tpu.memory_space<hbm>> -> memref<8192xf32, #tpu.memory_space<hbm>>
    %dma_wait3A_137 = arith.constant 0 : i32
    %dma_wait3A_138 = tpu.memref_slice %arg6[%dma_wait3A_122, %dma_wait3A_123, %dma_wait3A_137] : memref<2x4x8192xf32, #tpu.memory_space<vmem>> -> memref<1x1x8192xf32, #tpu.memory_space<vmem>>
    %dma_wait3A_139 = tpu.memref_squeeze %dma_wait3A_138 : memref<1x1x8192xf32, #tpu.memory_space<vmem>> -> memref<8192xf32, #tpu.memory_space<vmem>>
    tpu.wait_dma2 semaphore(%dma_wait3A_133 : memref<!tpu.dma_semaphore, #tpu.memory_space<semaphore_mem>>) src(%dma_wait3A_139 : memref<8192xf32, #tpu.memory_space<vmem>>) dst(%dma_wait3A_136 : memref<8192xf32, #tpu.memory_space<hbm>>)
    %dma_wait3A_140 = arith.constant 0 : i32
    %dma_wait3A_141 = arith.constant 3 : i32
    %dma_wait3A_142 = arith.constant 3 : i32
    %dma_wait3A_143 = arith.constant 0 : i32
    %dma_wait3A_144 = arith.constant 0 : i32
    %dma_wait3A_145 = tpu.memref_slice %arg6[%dma_wait3A_140, %dma_wait3A_141, %dma_wait3A_144] : memref<2x4x8192xf32, #tpu.memory_space<vmem>> -> memref<1x1x8192xf32, #tpu.memory_space<vmem>>
    %dma_wait3A_146 = tpu.memref_squeeze %dma_wait3A_145 : memref<1x1x8192xf32, #tpu.memory_space<vmem>> -> memref<8192xf32, #tpu.memory_space<vmem>>
    %dma_wait3A_147 = arith.constant 0 : i32
    %dma_wait3A_148 = tpu.memref_slice %arg4[%dma_wait3A_142, %dma_wait3A_147] : memref<4x4194304xf32, #tpu.memory_space<hbm>> -> memref<1x8192xf32, #tpu.memory_space<hbm>>
    %dma_wait3A_149 = tpu.memref_squeeze %dma_wait3A_148 : memref<1x8192xf32, #tpu.memory_space<hbm>> -> memref<8192xf32, #tpu.memory_space<hbm>>
    %dma_wait3A_150 = tpu.memref_slice %arg8[%dma_wait3A_143] : memref<2x!tpu.dma_semaphore, #tpu.memory_space<semaphore_mem>> -> memref<1x!tpu.dma_semaphore, #tpu.memory_space<semaphore_mem>>
    %dma_wait3A_151 = tpu.memref_squeeze %dma_wait3A_150 : memref<1x!tpu.dma_semaphore, #tpu.memory_space<semaphore_mem>> -> memref<!tpu.dma_semaphore, #tpu.memory_space<semaphore_mem>>
    %dma_wait3A_152 = arith.constant 0 : i32
    %dma_wait3A_153 = tpu.memref_slice %arg4[%dma_wait3A_142, %dma_wait3A_152] : memref<4x4194304xf32, #tpu.memory_space<hbm>> -> memref<1x8192xf32, #tpu.memory_space<hbm>>
    %dma_wait3A_154 = tpu.memref_squeeze %dma_wait3A_153 : memref<1x8192xf32, #tpu.memory_space<hbm>> -> memref<8192xf32, #tpu.memory_space<hbm>>
    %dma_wait3A_155 = arith.constant 0 : i32
    %dma_wait3A_156 = tpu.memref_slice %arg6[%dma_wait3A_140, %dma_wait3A_141, %dma_wait3A_155] : memref<2x4x8192xf32, #tpu.memory_space<vmem>> -> memref<1x1x8192xf32, #tpu.memory_space<vmem>>
    %dma_wait3A_157 = tpu.memref_squeeze %dma_wait3A_156 : memref<1x1x8192xf32, #tpu.memory_space<vmem>> -> memref<8192xf32, #tpu.memory_space<vmem>>
    tpu.wait_dma2 semaphore(%dma_wait3A_151 : memref<!tpu.dma_semaphore, #tpu.memory_space<semaphore_mem>>) src(%dma_wait3A_157 : memref<8192xf32, #tpu.memory_space<vmem>>) dst(%dma_wait3A_154 : memref<8192xf32, #tpu.memory_space<hbm>>)
    %dma_wait3A_158 = arith.constant 1 : i32
    %dma_wait3A_159 = arith.constant 0 : i32
    %dma_wait3A_160 = arith.constant 0 : i32
    %dma_wait3A_161 = arith.constant 1 : i32
    %dma_wait3A_162 = arith.constant 0 : i32
    %dma_wait3A_163 = tpu.memref_slice %arg6[%dma_wait3A_158, %dma_wait3A_159, %dma_wait3A_162] : memref<2x4x8192xf32, #tpu.memory_space<vmem>> -> memref<1x1x8192xf32, #tpu.memory_space<vmem>>
    %dma_wait3A_164 = tpu.memref_squeeze %dma_wait3A_163 : memref<1x1x8192xf32, #tpu.memory_space<vmem>> -> memref<8192xf32, #tpu.memory_space<vmem>>
    %dma_wait3A_165 = arith.constant 0 : i32
    %dma_wait3A_166 = tpu.memref_slice %arg4[%dma_wait3A_160, %dma_wait3A_165] : memref<4x4194304xf32, #tpu.memory_space<hbm>> -> memref<1x8192xf32, #tpu.memory_space<hbm>>
    %dma_wait3A_167 = tpu.memref_squeeze %dma_wait3A_166 : memref<1x8192xf32, #tpu.memory_space<hbm>> -> memref<8192xf32, #tpu.memory_space<hbm>>
    %dma_wait3A_168 = tpu.memref_slice %arg8[%dma_wait3A_161] : memref<2x!tpu.dma_semaphore, #tpu.memory_space<semaphore_mem>> -> memref<1x!tpu.dma_semaphore, #tpu.memory_space<semaphore_mem>>
    %dma_wait3A_169 = tpu.memref_squeeze %dma_wait3A_168 : memref<1x!tpu.dma_semaphore, #tpu.memory_space<semaphore_mem>> -> memref<!tpu.dma_semaphore, #tpu.memory_space<semaphore_mem>>
    %dma_wait3A_170 = arith.constant 0 : i32
    %dma_wait3A_171 = tpu.memref_slice %arg4[%dma_wait3A_160, %dma_wait3A_170] : memref<4x4194304xf32, #tpu.memory_space<hbm>> -> memref<1x8192xf32, #tpu.memory_space<hbm>>
    %dma_wait3A_172 = tpu.memref_squeeze %dma_wait3A_171 : memref<1x8192xf32, #tpu.memory_space<hbm>> -> memref<8192xf32, #tpu.memory_space<hbm>>
    %dma_wait3A_173 = arith.constant 0 : i32
    %dma_wait3A_174 = tpu.memref_slice %arg6[%dma_wait3A_158, %dma_wait3A_159, %dma_wait3A_173] : memref<2x4x8192xf32, #tpu.memory_space<vmem>> -> memref<1x1x8192xf32, #tpu.memory_space<vmem>>
    %dma_wait3A_175 = tpu.memref_squeeze %dma_wait3A_174 : memref<1x1x8192xf32, #tpu.memory_space<vmem>> -> memref<8192xf32, #tpu.memory_space<vmem>>
    tpu.wait_dma2 semaphore(%dma_wait3A_169 : memref<!tpu.dma_semaphore, #tpu.memory_space<semaphore_mem>>) src(%dma_wait3A_175 : memref<8192xf32, #tpu.memory_space<vmem>>) dst(%dma_wait3A_172 : memref<8192xf32, #tpu.memory_space<hbm>>)
    %dma_wait3A_176 = arith.constant 1 : i32
    %dma_wait3A_177 = arith.constant 1 : i32
    %dma_wait3A_178 = arith.constant 1 : i32
    %dma_wait3A_179 = arith.constant 1 : i32
    %dma_wait3A_180 = arith.constant 0 : i32
    %dma_wait3A_181 = tpu.memref_slice %arg6[%dma_wait3A_176, %dma_wait3A_177, %dma_wait3A_180] : memref<2x4x8192xf32, #tpu.memory_space<vmem>> -> memref<1x1x8192xf32, #tpu.memory_space<vmem>>
    %dma_wait3A_182 = tpu.memref_squeeze %dma_wait3A_181 : memref<1x1x8192xf32, #tpu.memory_space<vmem>> -> memref<8192xf32, #tpu.memory_space<vmem>>
    %dma_wait3A_183 = arith.constant 0 : i32
    %dma_wait3A_184 = tpu.memref_slice %arg4[%dma_wait3A_178, %dma_wait3A_183] : memref<4x4194304xf32, #tpu.memory_space<hbm>> -> memref<1x8192xf32, #tpu.memory_space<hbm>>
    %dma_wait3A_185 = tpu.memref_squeeze %dma_wait3A_184 : memref<1x8192xf32, #tpu.memory_space<hbm>> -> memref<8192xf32, #tpu.memory_space<hbm>>
    %dma_wait3A_186 = tpu.memref_slice %arg8[%dma_wait3A_179] : memref<2x!tpu.dma_semaphore, #tpu.memory_space<semaphore_mem>> -> memref<1x!tpu.dma_semaphore, #tpu.memory_space<semaphore_mem>>
    %dma_wait3A_187 = tpu.memref_squeeze %dma_wait3A_186 : memref<1x!tpu.dma_semaphore, #tpu.memory_space<semaphore_mem>> -> memref<!tpu.dma_semaphore, #tpu.memory_space<semaphore_mem>>
    %dma_wait3A_188 = arith.constant 0 : i32
    %dma_wait3A_189 = tpu.memref_slice %arg4[%dma_wait3A_178, %dma_wait3A_188] : memref<4x4194304xf32, #tpu.memory_space<hbm>> -> memref<1x8192xf32, #tpu.memory_space<hbm>>
    %dma_wait3A_190 = tpu.memref_squeeze %dma_wait3A_189 : memref<1x8192xf32, #tpu.memory_space<hbm>> -> memref<8192xf32, #tpu.memory_space<hbm>>
    %dma_wait3A_191 = arith.constant 0 : i32
    %dma_wait3A_192 = tpu.memref_slice %arg6[%dma_wait3A_176, %dma_wait3A_177, %dma_wait3A_191] : memref<2x4x8192xf32, #tpu.memory_space<vmem>> -> memref<1x1x8192xf32, #tpu.memory_space<vmem>>
    %dma_wait3A_193 = tpu.memref_squeeze %dma_wait3A_192 : memref<1x1x8192xf32, #tpu.memory_space<vmem>> -> memref<8192xf32, #tpu.memory_space<vmem>>
    tpu.wait_dma2 semaphore(%dma_wait3A_187 : memref<!tpu.dma_semaphore, #tpu.memory_space<semaphore_mem>>) src(%dma_wait3A_193 : memref<8192xf32, #tpu.memory_space<vmem>>) dst(%dma_wait3A_190 : memref<8192xf32, #tpu.memory_space<hbm>>)
    %dma_wait3A_194 = arith.constant 1 : i32
    %dma_wait3A_195 = arith.constant 2 : i32
    %dma_wait3A_196 = arith.constant 2 : i32
    %dma_wait3A_197 = arith.constant 1 : i32
    %dma_wait3A_198 = arith.constant 0 : i32
    %dma_wait3A_199 = tpu.memref_slice %arg6[%dma_wait3A_194, %dma_wait3A_195, %dma_wait3A_198] : memref<2x4x8192xf32, #tpu.memory_space<vmem>> -> memref<1x1x8192xf32, #tpu.memory_space<vmem>>
    %dma_wait3A_200 = tpu.memref_squeeze %dma_wait3A_199 : memref<1x1x8192xf32, #tpu.memory_space<vmem>> -> memref<8192xf32, #tpu.memory_space<vmem>>
    %dma_wait3A_201 = arith.constant 0 : i32
    %dma_wait3A_202 = tpu.memref_slice %arg4[%dma_wait3A_196, %dma_wait3A_201] : memref<4x4194304xf32, #tpu.memory_space<hbm>> -> memref<1x8192xf32, #tpu.memory_space<hbm>>
    %dma_wait3A_203 = tpu.memref_squeeze %dma_wait3A_202 : memref<1x8192xf32, #tpu.memory_space<hbm>> -> memref<8192xf32, #tpu.memory_space<hbm>>
    %dma_wait3A_204 = tpu.memref_slice %arg8[%dma_wait3A_197] : memref<2x!tpu.dma_semaphore, #tpu.memory_space<semaphore_mem>> -> memref<1x!tpu.dma_semaphore, #tpu.memory_space<semaphore_mem>>
    %dma_wait3A_205 = tpu.memref_squeeze %dma_wait3A_204 : memref<1x!tpu.dma_semaphore, #tpu.memory_space<semaphore_mem>> -> memref<!tpu.dma_semaphore, #tpu.memory_space<semaphore_mem>>
    %dma_wait3A_206 = arith.constant 0 : i32
    %dma_wait3A_207 = tpu.memref_slice %arg4[%dma_wait3A_196, %dma_wait3A_206] : memref<4x4194304xf32, #tpu.memory_space<hbm>> -> memref<1x8192xf32, #tpu.memory_space<hbm>>
    %dma_wait3A_208 = tpu.memref_squeeze %dma_wait3A_207 : memref<1x8192xf32, #tpu.memory_space<hbm>> -> memref<8192xf32, #tpu.memory_space<hbm>>
    %dma_wait3A_209 = arith.constant 0 : i32
    %dma_wait3A_210 = tpu.memref_slice %arg6[%dma_wait3A_194, %dma_wait3A_195, %dma_wait3A_209] : memref<2x4x8192xf32, #tpu.memory_space<vmem>> -> memref<1x1x8192xf32, #tpu.memory_space<vmem>>
    %dma_wait3A_211 = tpu.memref_squeeze %dma_wait3A_210 : memref<1x1x8192xf32, #tpu.memory_space<vmem>> -> memref<8192xf32, #tpu.memory_space<vmem>>
    tpu.wait_dma2 semaphore(%dma_wait3A_205 : memref<!tpu.dma_semaphore, #tpu.memory_space<semaphore_mem>>) src(%dma_wait3A_211 : memref<8192xf32, #tpu.memory_space<vmem>>) dst(%dma_wait3A_208 : memref<8192xf32, #tpu.memory_space<hbm>>)
    %dma_wait3A_212 = arith.constant 1 : i32
    %dma_wait3A_213 = arith.constant 3 : i32
    %dma_wait3A_214 = arith.constant 3 : i32
    %dma_wait3A_215 = arith.constant 1 : i32
    %dma_wait3A_216 = arith.constant 0 : i32
    %dma_wait3A_217 = tpu.memref_slice %arg6[%dma_wait3A_212, %dma_wait3A_213, %dma_wait3A_216] : memref<2x4x8192xf32, #tpu.memory_space<vmem>> -> memref<1x1x8192xf32, #tpu.memory_space<vmem>>
    %dma_wait3A_218 = tpu.memref_squeeze %dma_wait3A_217 : memref<1x1x8192xf32, #tpu.memory_space<vmem>> -> memref<8192xf32, #tpu.memory_space<vmem>>
    %dma_wait3A_219 = arith.constant 0 : i32
    %dma_wait3A_220 = tpu.memref_slice %arg4[%dma_wait3A_214, %dma_wait3A_219] : memref<4x4194304xf32, #tpu.memory_space<hbm>> -> memref<1x8192xf32, #tpu.memory_space<hbm>>
    %dma_wait3A_221 = tpu.memref_squeeze %dma_wait3A_220 : memref<1x8192xf32, #tpu.memory_space<hbm>> -> memref<8192xf32, #tpu.memory_space<hbm>>
    %dma_wait3A_222 = tpu.memref_slice %arg8[%dma_wait3A_215] : memref<2x!tpu.dma_semaphore, #tpu.memory_space<semaphore_mem>> -> memref<1x!tpu.dma_semaphore, #tpu.memory_space<semaphore_mem>>
    %dma_wait3A_223 = tpu.memref_squeeze %dma_wait3A_222 : memref<1x!tpu.dma_semaphore, #tpu.memory_space<semaphore_mem>> -> memref<!tpu.dma_semaphore, #tpu.memory_space<semaphore_mem>>
    %dma_wait3A_224 = arith.constant 0 : i32
    %dma_wait3A_225 = tpu.memref_slice %arg4[%dma_wait3A_214, %dma_wait3A_224] : memref<4x4194304xf32, #tpu.memory_space<hbm>> -> memref<1x8192xf32, #tpu.memory_space<hbm>>
    %dma_wait3A_226 = tpu.memref_squeeze %dma_wait3A_225 : memref<1x8192xf32, #tpu.memory_space<hbm>> -> memref<8192xf32, #tpu.memory_space<hbm>>
    %dma_wait3A_227 = arith.constant 0 : i32
    %dma_wait3A_228 = tpu.memref_slice %arg6[%dma_wait3A_212, %dma_wait3A_213, %dma_wait3A_227] : memref<2x4x8192xf32, #tpu.memory_space<vmem>> -> memref<1x1x8192xf32, #tpu.memory_space<vmem>>
    %dma_wait3A_229 = tpu.memref_squeeze %dma_wait3A_228 : memref<1x1x8192xf32, #tpu.memory_space<vmem>> -> memref<8192xf32, #tpu.memory_space<vmem>>
    tpu.wait_dma2 semaphore(%dma_wait3A_223 : memref<!tpu.dma_semaphore, #tpu.memory_space<semaphore_mem>>) src(%dma_wait3A_229 : memref<8192xf32, #tpu.memory_space<vmem>>) dst(%dma_wait3A_226 : memref<8192xf32, #tpu.memory_space<hbm>>)
    return
  }
}

</mosaic_0001>

<sc_bundles>
// kernel: kernel.3.cloned.1.call-start
scs
__scs_entry_jumppad:
0x0: {  	(pc) =	sbr.rel $0x88, $3  }
0x1: {  	(tag) =	ssettag $0x0;
	lr =	simm.s32 $0x1  }
0x2: {  	[smem:$0x3F9F] =	sst lr;
	_ =	strace $0xD0000000  }
0x3: {  	_ = 	snop  }
0x4: {  	_ = 	snop  }
0x5: {  	_ = 	snop  }
0x6: {  	_ = 	snop  }
0x7: {  	_ = 	snop  }
__scs_overlays_trampoline_lowered:
0x8: {  	[smem:$0x3FAE] =	sst s0  }
0x9: {  	[smem:$0x3FAF] =	sst s1  }
0xa: {  	[smem:$0x3FB0] =	sst s2  }
0xb: {  	[smem:$0x3FB1] =	sst s3  }
0xc: {  	[smem:$0x3FB2] =	sst s4  }
0xd: {  	[smem:$0x3FB3] =	sst s5  }
0xe: {  	[smem:$0x3FB4] =	sst s6  }
0xf: {  	[smem:$0x3FB5] =	sst s7  }
0x10: {  	[smem:$0x3FB6] =	sst s8  }
0x11: {  	[smem:$0x3FB7] =	sst s9;
	s0 =	simm.s32 @!p0 $0x0  }
0x12: {  	s1 =	sld [smem:$0x3F9D];
	s0 =	simm.s32 @p0 $0x1  }
0x13: {  	[smem:$0x3FB8] =	sst s0;
	s0 =	simm.s32 @!p1 $0x0  }
0x14: {  	s2 =	sld [smem:$0x3F9C];
	s0 =	simm.s32 @p1 $0x1  }
0x15: {  	[smem:$0x3FB9] =	sst s0;
	s0 =	simm.s32 @!p2 $0x0  }
0x16: {  	s3 =	sld [smem:$0x3FDB];
	s0 =	simm.s32 @p2 $0x1  }
0x17: {  	s4 =	simm.s32 $0x1BF5;
	[smem:$0x3FBB] =	sst s0  }
0x18: {  	s0 =	sld [smem:$0x3F9E];
	_ =	swait.ge [sflag:s4], $0x0  }
0x19: {  	s7 =	sld [smem:$0x3F9F]  }
0x1a: {  	s8 =	sadd.s32 $0xFFFFE003, lr  }
0x1b: {  	s9 =	sadd.s32 $0xFFFFFEF7, lr;
	s5 =	simm.s32 $0xFFFFFFFF;
	p2 =	slt.u32 s8, $0xFFFFF086  }
0x1c: {  	p1 =	slt.u32 s9, $0xF7A;
	s5 =	simm.s32 @!p2 $0x0  }
0x1d: {  	s5 =	simm.s32 @p1 $0x1;
	p0 =	seq.s32 s7, s2  }
0x1e: {  	s7 =	smul.u32 @!p0 $0xF7A, s2;
	p2 =	seq.s32 @!p0 s5, $0x0  }
0x1f: {  	s9 =	smul.u32 $0xF7A, s1;
	s8 =	simm.s32 @!p0 $0x1BF5;
	p2 =	por !p2, p0  }
0x20: {  	[sflag:s8] =	ssyncset.s32 @!p0 $0xFFFFF086;
	s6 =	sadd.s32 @!p0 s3, s7;
	s7 =	simm.s32 @!p0 $0x108  }
0x21: {  	s3 =	sadd.s32 s3, s9;
	s6 =	sadd.s32 @!p0 $0x88, s6;
	s7 =	simm.s32 @p2 $0x1082  }
0x22: {  	[simem:s7], [sflag:s8] =	dma.local @!p0 [hbm:s6], $0xF7A  }
0x23: {  	s9 =	sor.u32 $0xD0000000, s2;
	s6 =	simm.s32 $0x108;
	_ =	swait.ge @!p0 [sflag:s8], $0x0  }
0x24: {  	s3 =	sadd.s32 $0x88, s3;
	s6 =	simm.s32 @!p1 $0x1082;
	[sflag:s4] =	ssyncset.s32 $0xFFFFF086  }
0x25: {  	[simem:s6], [sflag:s4] =	dma.local [hbm:s3], $0xF7A  }
0x26: {  	[smem:$0x3F9F] =	sst s1;
	(tag) =	ssettag s2;
	_ =	strace s9  }
0x27: {  	s1 =	sld [smem:$0x3FAF]  }
0x28: {  	s2 =	sld [smem:$0x3FB0]  }
0x29: {  	s4 =	sld [smem:$0x3FB2]  }
0x2a: {  	p0 =	seq.s32 s5, $0x0;
	s5 =	sld [smem:$0x3FB3]  }
0x2b: {  	s6 =	sld [smem:$0x3FB4]  }
0x2c: {  	s7 =	sld [smem:$0x3FB5]  }
0x2d: {  	s3 =	simm.s32 $0x108;
	s8 =	sld [smem:$0x3FB6]  }
0x2e: {  	s3 =	simm.s32 @!p0 $0x1082;
	s9 =	sld [smem:$0x3FB7]  }
0x2f: {  	lr =	sadd.s32 s0, s3;
	s0 =	sld [smem:$0x3FAE]  }
0x30: {  	s3 =	sld [smem:$0x3FB1]  }
0x31: {  	[smem:$0x3FBA] =	sst s10  }
0x32: {  	s10 =	sld [smem:$0x3FB8];
	_ =	sdelay $0x3  }
0x33: {  	p0 =	seq.s32 s10, $0x1;
	s10 =	sld [smem:$0x3FBA];
	_ =	sdelay $0x3  }
0x34: {  	[smem:$0x3FBA] =	sst s10  }
0x35: {  	s10 =	sld [smem:$0x3FB9];
	_ =	sdelay $0x3  }
0x36: {  	p1 =	seq.s32 s10, $0x1;
	s10 =	sld [smem:$0x3FBA];
	_ =	sdelay $0x3  }
0x37: {  	[smem:$0x3FBA] =	sst s10  }
0x38: {  	s10 =	sld [smem:$0x3FBB]  }
0x39: {  	_ = 	snop;
	(pc) =	sbr.ind lr, $3  }
0x3a: {  	_ = 	snop  }
0x3b: {  	_ = 	snop  }
0x3c: {  	p2 =	seq.s32 s10, $0x1;
	s10 =	sld [smem:$0x3FBA]  }
0x3d: {  	_ =	shalt  }
0x3e: {  	_ =	shalt  }
0x3f: {  	_ =	shalt  }
0x40: {  	_ =	shalt  }
0x41: {  	_ =	shalt  }
0x42: {  	_ =	shalt  }
0x43: {  	_ =	shalt  }
0x44: {  	_ =	shalt  }
0x45: {  	_ =	shalt  }
0x46: {  	_ =	shalt  }
0x47: {  	_ =	shalt  }
0x48: {  	_ =	shalt  }
0x49: {  	_ =	shalt  }
0x4a: {  	_ =	shalt  }
0x4b: {  	_ =	shalt  }
0x4c: {  	_ =	shalt  }
0x4d: {  	_ =	shalt  }
0x4e: {  	_ =	shalt  }
0x4f: {  	_ =	shalt  }
0x50: {  	_ =	shalt  }
0x51: {  	_ =	shalt  }
0x52: {  	_ =	shalt  }
0x53: {  	_ =	shalt  }
0x54: {  	_ =	shalt  }
0x55: {  	_ =	shalt  }
0x56: {  	_ =	shalt  }
0x57: {  	_ =	shalt  }
0x58: {  	_ =	shalt  }
0x59: {  	_ =	shalt  }
0x5a: {  	_ =	shalt  }
0x5b: {  	_ =	shalt  }
0x5c: {  	_ =	shalt  }
0x5d: {  	_ =	shalt  }
0x5e: {  	_ =	shalt  }
0x5f: {  	_ =	shalt  }
0x60: {  	_ =	shalt  }
0x61: {  	_ =	shalt  }
0x62: {  	_ =	shalt  }
0x63: {  	_ =	shalt  }
0x64: {  	_ =	shalt  }
0x65: {  	_ =	shalt  }
0x66: {  	_ =	shalt  }
0x67: {  	_ =	shalt  }
0x68: {  	_ =	shalt  }
0x69: {  	_ =	shalt  }
0x6a: {  	_ =	shalt  }
0x6b: {  	_ =	shalt  }
0x6c: {  	_ =	shalt  }
0x6d: {  	_ =	shalt  }
0x6e: {  	_ =	shalt  }
0x6f: {  	_ =	shalt  }
0x70: {  	_ =	shalt  }
0x71: {  	_ =	shalt  }
0x72: {  	_ =	shalt  }
0x73: {  	_ =	shalt  }
0x74: {  	_ =	shalt  }
0x75: {  	_ =	shalt  }
0x76: {  	_ =	shalt  }
0x77: {  	_ =	shalt  }
0x78: {  	_ =	shalt  }
0x79: {  	_ =	shalt  }
0x7a: {  	_ =	shalt  }
0x7b: {  	_ =	shalt  }
0x7c: {  	_ =	shalt  }
0x7d: {  	_ =	shalt  }
0x7e: {  	_ =	shalt  }
0x7f: {  	_ =	shalt  }
0x80: {  	_ =	shalt  }
0x81: {  	_ =	shalt  }
0x82: {  	_ =	shalt  }
0x83: {  	_ =	shalt  }
0x84: {  	_ =	shalt  }
0x85: {  	_ =	shalt  }
0x86: {  	_ =	shalt  }
0x87: {  	_ =	shalt  }
.Lfunc_end0:
.L_simem_size_0:
called_computation.3_lowered:
.L_overlay_start_0:
0x88: {  	s2 =	sld [smem:$0x3FD9]  }
0x89: {  	s3 =	sld [smem:$0x3FFE];
	_ =	sdelay $0x1  }
0x8a: {  	s1 =	srdreg.scid  }
0x8b: {  	s0 =	sand.u32 $0x1, s1  }
0x8c: {  	s17 =	sshll.u32 s0, $0xA;
	s2 =	sadd.s32 s3, s2  }
0x8d: {  	s2 =	sadd.s32 s2, s17  }
0x8e: {  	[smem:$0x3FC6] =	sst s2  }
0x8f: {  	_ = 	snop  }
0x90: {  	s2 =	sld [smem:$0x3FD0];
	(tm) =	ssettm $0x1  }
0x91: {  	s18 =	sld [smem:$0x3FFB];
	_ =	sdelay $0x3  }
0x92: {  	_ =	strace s18  }
0x93: {  	s3 =	sld [smem:$0x3FFC];
	_ =	sdelay $0x3  }
0x94: {  	_ =	strace s3  }
0x95: {  	s3 =	sld [smem:$0x3FFD];
	_ =	sdelay $0x3  }
0x96: {  	_ =	strace s3  }
0x97: {  	_ =	strace $0x8FFFFFFF  }
0x98: {  	s19 =	sld [smem:$0x3FDB];
	_ =	sdelay $0x1  }
0x99: {  	s4 =	simm.s32 $_scs_section_size  }
0x9a: {  	s5 =	simm.s32 $_size__tile_overlayer_lowered;
	s6 =	simm.s32 $_tile_overlayer_lowered  }
0x9b: {  	s22 =	simm.s32 $0x1BFF;
	s21 =	sshll.u32 s6, $0x1;
	s3 =	sadd.s32 s4, s19  }
0x9c: {  	s7 =	simm.s32 $0x0;
	s20 =	sshll.u32 s5, $0x1;
	s5 =	sadd.s32 s21, s3  }
0x9d: {  	[timem:s7], [sflag:s22] =	dma.local [hbm:s5], s20  }
0x9e: {  	_ =	swait.ge [sflag:s22], s20  }
0x9f: {  	s4 =	ssub.s32 $0x0, s20;
	[sflag:s22] =	ssyncset.done $0x0  }
0xa0: {  	[sflag:s22] =	ssyncadd.s32 s4;
	_ =	sdelay $0x1  }
0xa1: {  	s23 =	simm.s32 $0x1B8B  }
0xa2: {  	_ =	swait.ge [sflag:s23], $0x1  }
0xa3: {  	[sflag:s23] =	ssyncset.done $0x0  }
0xa4: {  	s25 =	simm.s32 $0x1B8E;
	s24 =	sld [smem:$0x3FFE];
	[sflag:s23] =	ssyncadd.s32 $0xFFFFFFFF  }
0xa5: {  	s26 =	simm.s32 $execute0_lowered;
	[smem:$0x3FD2] =	sst s25  }
0xa6: {  	s5 =	sshll.u32 s26, $0x1;
	_ =	strace $0x8000004C;
	[dreg:$0x1] =	wrdreg $0xFFFFFFFF  }
0xa7: {  	s28 =	simm.s32 $_size_execute0_lowered;
	s3 =	sadd.s32 s3, s5;
	[dreg:$0x0] =	wrdreg $0x0  }
0xa8: {  	s5 =	sshll.u32 s28, $0x1;
	[dreg:$0x2] =	wrdreg s3  }
0xa9: {  	[dreg:$0x3] =	wrdreg s5  }
0xaa: {  	[dreg:$0x4] =	wrdreg $0xC0  }
0xab: {  	_ =	task [dreg:s7], $0x5FFFF  }
0xac: {  	[dreg:$0x1] =	wrdreg $0xFFFFFFFF  }
0xad: {  	[dreg:$0x0] =	wrdreg $0x60  }
0xae: {  	[dreg:$0x2] =	wrdreg s2  }
0xaf: {  	[dreg:$0x3] =	wrdreg s24  }
0xb0: {  	[dreg:$0x4] =	wrdreg $0x9  }
0xb1: {  	_ =	task.clear_ibuf [dreg:s7], $0x5FFFF;
	_ =	strace $0x9000004C  }
0xb2: {  	s29 =	simm.s32 $0x9;
	_ =	strace $0x8000004E  }
0xb3: {  	_ =	swait.ge [sflag:s29], $0x1  }
0xb4: {  	[sflag:s29] =	ssyncadd.s32 $0xFFFFFFFF  }
0xb5: {  	_ =	strace $0x9000004E  }
0xb6: {  	_ =	sfence  }
0xb7: {  	s30 =	sld [smem:$0x0];
	_ =	sdelay $0x2  }
0xb8: {  	s31 =	sshll.u32 s1, $0xD;
	s1 =	sshrl.u32 s1, $0x2  }
0xb9: {  	s3 =	sand.u32 $0x4000, s31;
	s1 =	sadd.s32 s1, s30  }
0xba: {  	s0 =	sor.u32 s3, s0;
	s1 =	sshll.u32 s1, $0x11  }
0xbb: {  	s0 =	sor.u32 s1, s0  }
0xbc: {  	s0 =	sadd.s32 $0x8F2B, s0  }
0xbd: {  	[sflag:s0] =	ssyncadd.remote.s32 $0x1  }
0xbe: {  	_ =	sfence.sel $0xFFFF  }
0xbf: {  	[dreg:$0x0] =	wrdreg $0xFFFFFFFF;
	(pc) =	sbr.abs _section_cstart, $3  }
0xc0: {  	[dreg:$0x1] =	wrdreg $0xFFFFFFFF  }
0xc1: {  	_ =	task.clear_ibuf [dreg:s7], $0x2FFFF;
	_ =	strace $0x9FFFFFFF  }
0xc2: {  	(tm) =	ssettm $0x7FFFFFFF  }
0xc3: {  	_ =	shalt  }
tec
execute0_lowered:
.L_overlay_start_1:
0x0: {  	(tag) =	ssettag $0x1  }
0x1: {  	s1 =	rddreg [dreg:$0x0]  }
0x2: {  	s0 =	rddreg [dreg:$0x1];
	s3 =	simm.s32 $0x0  }
0x3: {  	s2 =	srdreg.scid;
	s4 =	stileid.u32;
	s19 =	simm.s32 $0x0  }
0x4: {  	[smem:$0x7FF] =	sst s3;
	s2 =	sand.u32 $0x1, s2;
	s5 =	sshll.u32 s4, $0x12  }
0x5: {  	s4 =	sadd.s32 $0x1000, s0;
	s9 =	sadd.s32 $0x10, s1;
	s10 =	sadd.s32 $0x20, s1  }
0x6: {  	s13 =	sadd.s32 $0x30, s1;
	s16 =	sadd.s32 $0x101010, s0;
	s17 =	sadd.s32 $0x101020, s0  }
0x7: {  	s18 =	sadd.s32 $0x101030, s0;
	s6 =	sshll.u32 s2, $0x11;
	s2 =	ssub.s32 $0x2, s2  }
0x8: {  	_ =	strace $0x8000004D;
	s5 =	sor.u32 s6, s5;
	s7 =	sshrl.u32 s2, $0x1  }
0x9: {  	s6 =	sadd.s32 $0x101000, s0;
	s8 =	sshrl.u32 s5, $0x3;
	s2 =	ssub.s32 s2, s7  }
0xa: {  	s14 =	sshrl.u32 s5, $0x1;
	s15 =	sshll.u32 s5, $0x2;
	s7 =	sadd.s32 s4, s8  }
0xb: {  	s8 =	sadd.s32 s1, s14;
	s11 =	sadd.s32 s14, s9;
	s31 =	smax.u32 s2, $0x1  }
0xc: {  	s12 =	sadd.s32 s14, s10;
	s14 =	sadd.s32 s14, s13;
	[dreg:$0x3] =	wrdreg s31  }
.LBB2_1:
0xd: {  	[dreg:$0x4] =	wrdreg s19;
	s0 =	simm.s32 $0x10  }
0xe: {  	s20 =	sadd.s32 $0x0, s7;
	s2 =	simm.s32 $0x100;
	s19 =	simm.s32 $0x0  }
.LBB2_2:
0xf: {  	[tilespmem:s19], [sflag:$0x1] =	stream.linear.gather [hbm4b:s20+s3], $0x80, $0x38;
	[tilespmem:$0x14000] =	vst v63  }
0x10: {  	s20 =	smov.u32 s0;
	s19 =	smov.u32 s2;
	p0 =	sne.s32 s0, $0x3F0  }
.Ltmp0:
0x11: {  	s0 =	sadd.s32 $0x10, s0;
	(pc) =	sbr.rel @p0 .LBB2_2-.Ltmp0, $2  }
0x12: {  	_ =	sdelay $0x2  }
0x13: {  	s2 =	sadd.s32 $0x100, s2;
	s20 =	sadd.s32 s20, s7  }
0x14: {  	[tilespmem:s19], [sflag:$0x1] =	stream.linear.gather [hbm4b:s20+s3], $0x80, $0x38;
	[tilespmem:$0x14000] =	vst v63  }
0x15: {  	s0 =	simm.s32 $0x4000  }
0x16: {  	s2 =	simm.s32 $0x40;
	s20 =	sadd.s32 $0x0, s8;
	s19 =	simm.s32 $0x4200  }
.LBB2_4:
0x17: {  	[tilespmem:s0], [sflag:$0x1] =	stream.linear.gather [hbm4b:s20+s3], $0x80, $0x38;
	[tilespmem:$0x14000] =	vst v63  }
0x18: {  	s20 =	smov.u32 s2;
	s0 =	smov.u32 s19;
	p0 =	sne.s32 s2, $0xFC0  }
.Ltmp1:
0x19: {  	s2 =	sadd.s32 $0x40, s2;
	(pc) =	sbr.rel @p0 .LBB2_4-.Ltmp1, $2  }
0x1a: {  	_ =	sdelay $0x2  }
0x1b: {  	s19 =	sadd.s32 $0x200, s19;
	s20 =	sadd.s32 s20, s8  }
0x1c: {  	[tilespmem:s0], [sflag:$0x1] =	stream.linear.gather [hbm4b:s20+s3], $0x80, $0x38;
	[tilespmem:$0x14000] =	vst v63  }
0x1d: {  	s0 =	simm.s32 $0x4080  }
0x1e: {  	s2 =	simm.s32 $0x40;
	s20 =	sadd.s32 $0x0, s11;
	s19 =	simm.s32 $0x4280  }
.LBB2_6:
0x1f: {  	[tilespmem:s0], [sflag:$0x1] =	stream.linear.gather [hbm4b:s20+s3], $0x80, $0x38;
	[tilespmem:$0x14000] =	vst v63  }
0x20: {  	s20 =	smov.u32 s2;
	s0 =	smov.u32 s19;
	p0 =	sne.s32 s2, $0xFC0  }
.Ltmp2:
0x21: {  	s2 =	sadd.s32 $0x40, s2;
	(pc) =	sbr.rel @p0 .LBB2_6-.Ltmp2, $2  }
0x22: {  	_ =	sdelay $0x2  }
0x23: {  	s19 =	sadd.s32 $0x200, s19;
	s20 =	sadd.s32 s20, s11  }
0x24: {  	[tilespmem:s0], [sflag:$0x1] =	stream.linear.gather [hbm4b:s20+s3], $0x80, $0x38;
	[tilespmem:$0x14000] =	vst v63  }
0x25: {  	s0 =	simm.s32 $0x4100  }
0x26: {  	s2 =	simm.s32 $0x40;
	s20 =	sadd.s32 $0x0, s12;
	s19 =	simm.s32 $0x4300  }
.LBB2_8:
0x27: {  	[tilespmem:s0], [sflag:$0x1] =	stream.linear.gather [hbm4b:s20+s3], $0x80, $0x38;
	[tilespmem:$0x14000] =	vst v63  }
0x28: {  	s20 =	smov.u32 s2;
	s0 =	smov.u32 s19;
	p0 =	sne.s32 s2, $0xFC0  }
.Ltmp3:
0x29: {  	s2 =	sadd.s32 $0x40, s2;
	(pc) =	sbr.rel @p0 .LBB2_8-.Ltmp3, $2  }
0x2a: {  	_ =	sdelay $0x2  }
0x2b: {  	s19 =	sadd.s32 $0x200, s19;
	s20 =	sadd.s32 s20, s12  }
0x2c: {  	[tilespmem:s0], [sflag:$0x1] =	stream.linear.gather [hbm4b:s20+s3], $0x80, $0x38;
	[tilespmem:$0x14000] =	vst v63  }
0x2d: {  	s24 =	simm.s32 $0x0;
	s0 =	simm.s32 $0x4180;
	s2 =	simm.s32 $0x0  }
.LBB2_10:
0x2e: {  	p0 =	seq.s32 s2, $0xFC0  }
.Ltmp4:
0x2f: {  	_ = 	snop;
	(pc) =	sbr.rel @!p0 .LBB2_10-.Ltmp4, $4  }
0x30: {  	_ = 	snop  }
0x31: {  	s19 =	sadd.s32 s2, s14  }
0x32: {  	[tilespmem:s0], [sflag:$0x1] =	stream.linear.gather [hbm4b:s19+s24], $0x80, $0x38;
	[tilespmem:$0x14000] =	vst v63  }
0x33: {  	s2 =	sadd.s32 $0x40, s2;
	s0 =	sadd.s32 $0x200, s0  }
0x34: {  	p0 =	por $0x1, $0x1;
	p1 =	por $0x0, $0x0  }
.LBB2_13:
0x35: {  	p2 =	seq.s32 s24, $0x0  }
.Ltmp5:
0x36: {  	_ = 	snop;
	(pc) =	sbr.rel @p2 .LBB2_16-.Ltmp5, $3  }
0x37: {  	_ =	sdelay $0x1  }
0x38: {  	s25 =	sand.u32 $0x1, s24  }
0x39: {  	s23 =	sadd.s32 $0x1, s24;
	s2 =	sxor.u32 $0x1, s25  }
0x3a: {  	p2 =	seq.s32 s24, $0xF  }
.Ltmp6:
0x3b: {  	_ = 	snop;
	(pc) =	sbr.rel @p2 .LBB2_27-.Ltmp6, $1  }
0x3c: {  	_ =	sdelay $0x3  }
0x3d: {  	s0 =	sadd.s32 $0x3, s2  }
0x3e: {  	_ =	swait.ge [sflag:s0], $0x2000  }
0x3f: {  	[sflag:s0] =	ssyncset.done $0x0  }
0x40: {  	[sflag:s0] =	ssyncadd.s32 $0xFFFFE000  }
0x41: {  	_ =	swait.ge [sflag:s0], $0x2000  }
0x42: {  	[sflag:s0] =	ssyncset.done $0x0  }
0x43: {  	[sflag:s0] =	ssyncadd.s32 $0xFFFFE000  }
0x44: {  	_ =	swait.ge [sflag:s0], $0x2000  }
0x45: {  	[sflag:s0] =	ssyncset.done $0x0  }
0x46: {  	[sflag:s0] =	ssyncadd.s32 $0xFFFFE000  }
0x47: {  	_ =	swait.ge [sflag:s0], $0x2000  }
0x48: {  	[sflag:s0] =	ssyncset.done $0x0  }
0x49: {  	[sflag:s0] =	ssyncadd.s32 $0xFFFFE000  }
.LBB2_16:
0x4a: {  	s20 =	simm.s32 $0x1;
	s22 =	sshll.u32 s23, $0xD  }
0x4b: {  	s20 =	simm.s32 @!p0 $0x0;
	s28 =	sadd.s32 s5, s22  }
0x4c: {  	s2 =	sadd.s32 $0x1, s2;
	s21 =	sshll.u32 s20, $0xF;
	s22 =	sshrl.u32 s28, $0x3  }
0x4d: {  	s30 =	sshll.u32 s20, $0x7;
	s20 =	simm.s32 $0x10;
	s0 =	sor.u32 $0x4180, s21  }
0x4e: {  	s19 =	sor.u32 $0x4100, s21;
	s26 =	sor.u32 $0x4080, s21;
	s31 =	sadd.s32 s4, s22  }
0x4f: {  	s29 =	sor.u32 $0x4000, s21;
	s21 =	sadd.s32 $0x100, s30;
	s22 =	sadd.s32 $0x0, s31  }
.LBB2_17:
0x50: {  	[tilespmem:s30], [sflag:s2] =	stream.linear.gather [hbm4b:s22+s3], $0x80, $0x38;
	[tilespmem:$0x14000] =	vst v63  }
0x51: {  	s22 =	smov.u32 s20;
	s30 =	smov.u32 s21;
	p2 =	sne.s32 s20, $0x3F0  }
.Ltmp7:
0x52: {  	s20 =	sadd.s32 $0x10, s20;
	(pc) =	sbr.rel @p2 .LBB2_17-.Ltmp7, $2  }
0x53: {  	_ =	sdelay $0x2  }
0x54: {  	s21 =	sadd.s32 $0x100, s21;
	s22 =	sadd.s32 s22, s31  }
0x55: {  	[tilespmem:s30], [sflag:s2] =	stream.linear.gather [hbm4b:s22+s3], $0x80, $0x38;
	[tilespmem:$0x14000] =	vst v63  }
0x56: {  	s28 =	sshrl.u32 s28, $0x1  }
0x57: {  	s30 =	sadd.s32 s1, s28  }
0x58: {  	s20 =	simm.s32 $0x40;
	s21 =	sadd.s32 $0x200, s29;
	s22 =	sadd.s32 $0x0, s30  }
.LBB2_19:
0x59: {  	[tilespmem:s29], [sflag:s2] =	stream.linear.gather [hbm4b:s22+s3], $0x80, $0x38;
	[tilespmem:$0x14000] =	vst v63  }
0x5a: {  	s22 =	smov.u32 s20;
	s29 =	smov.u32 s21;
	p2 =	sne.s32 s20, $0xFC0  }
.Ltmp8:
0x5b: {  	s20 =	sadd.s32 $0x40, s20;
	(pc) =	sbr.rel @p2 .LBB2_19-.Ltmp8, $2  }
0x5c: {  	_ =	sdelay $0x2  }
0x5d: {  	s21 =	sadd.s32 $0x200, s21;
	s22 =	sadd.s32 s22, s30  }
0x5e: {  	[tilespmem:s29], [sflag:s2] =	stream.linear.gather [hbm4b:s22+s3], $0x80, $0x38;
	[tilespmem:$0x14000] =	vst v63  }
0x5f: {  	s29 =	sadd.s32 s28, s9  }
0x60: {  	s20 =	simm.s32 $0x40;
	s21 =	sadd.s32 $0x200, s26;
	s22 =	sadd.s32 $0x0, s29  }
.LBB2_21:
0x61: {  	[tilespmem:s26], [sflag:s2] =	stream.linear.gather [hbm4b:s22+s3], $0x80, $0x38;
	[tilespmem:$0x14000] =	vst v63  }
0x62: {  	s22 =	smov.u32 s20;
	s26 =	smov.u32 s21;
	p2 =	sne.s32 s20, $0xFC0  }
.Ltmp9:
0x63: {  	s20 =	sadd.s32 $0x40, s20;
	(pc) =	sbr.rel @p2 .LBB2_21-.Ltmp9, $2  }
0x64: {  	_ =	sdelay $0x2  }
0x65: {  	s21 =	sadd.s32 $0x200, s21;
	s22 =	sadd.s32 s22, s29  }
0x66: {  	[tilespmem:s26], [sflag:s2] =	stream.linear.gather [hbm4b:s22+s3], $0x80, $0x38;
	[tilespmem:$0x14000] =	vst v63  }
0x67: {  	s26 =	sadd.s32 s28, s10  }
0x68: {  	s20 =	simm.s32 $0x40;
	s21 =	sadd.s32 $0x200, s19;
	s22 =	sadd.s32 $0x0, s26  }
.LBB2_23:
0x69: {  	[tilespmem:s19], [sflag:s2] =	stream.linear.gather [hbm4b:s22+s3], $0x80, $0x38;
	[tilespmem:$0x14000] =	vst v63  }
0x6a: {  	s22 =	smov.u32 s20;
	s19 =	smov.u32 s21;
	p2 =	sne.s32 s20, $0xFC0  }
.Ltmp10:
0x6b: {  	s20 =	sadd.s32 $0x40, s20;
	(pc) =	sbr.rel @p2 .LBB2_23-.Ltmp10, $2  }
0x6c: {  	_ =	sdelay $0x2  }
0x6d: {  	s21 =	sadd.s32 $0x200, s21;
	s22 =	sadd.s32 s22, s26  }
0x6e: {  	[tilespmem:s19], [sflag:s2] =	stream.linear.gather [hbm4b:s22+s3], $0x80, $0x38;
	[tilespmem:$0x14000] =	vst v63  }
0x6f: {  	s19 =	sadd.s32 s28, s13  }
0x70: {  	s20 =	simm.s32 $0x40;
	s21 =	sadd.s32 $0x200, s0;
	s22 =	sadd.s32 $0x0, s19  }
.LBB2_25:
0x71: {  	[tilespmem:s0], [sflag:s2] =	stream.linear.gather [hbm4b:s22+s3], $0x80, $0x38;
	[tilespmem:$0x14000] =	vst v63  }
0x72: {  	s22 =	smov.u32 s20;
	s0 =	smov.u32 s21;
	p2 =	sne.s32 s20, $0xFC0  }
.Ltmp11:
0x73: {  	s20 =	sadd.s32 $0x40, s20;
	(pc) =	sbr.rel @p2 .LBB2_25-.Ltmp11, $2  }
0x74: {  	_ =	sdelay $0x2  }
0x75: {  	s21 =	sadd.s32 $0x200, s21;
	s22 =	sadd.s32 s22, s19  }
0x76: {  	[tilespmem:s0], [sflag:s2] =	stream.linear.gather [hbm4b:s22+s3], $0x80, $0x38;
	[tilespmem:$0x14000] =	vst v63  }
.LBB2_27:
0x77: {  	s2 =	sadd.s32 $0x1, s25  }
0x78: {  	_ =	swait.ge [sflag:s2], $0x2000  }
0x79: {  	[sflag:s2] =	ssyncset.done $0x0  }
0x7a: {  	[sflag:s2] =	ssyncadd.s32 $0xFFFFE000  }
0x7b: {  	_ =	swait.ge [sflag:s2], $0x2000  }
0x7c: {  	[sflag:s2] =	ssyncset.done $0x0  }
0x7d: {  	[sflag:s2] =	ssyncadd.s32 $0xFFFFE000  }
0x7e: {  	_ =	swait.ge [sflag:s2], $0x2000  }
0x7f: {  	s0 =	simm.s32 $0x1;
	[sflag:s2] =	ssyncset.done $0x0  }
0x80: {  	s0 =	simm.s32 @!p1 $0x0;
	[sflag:s2] =	ssyncadd.s32 $0xFFFFE000  }
0x81: {  	s19 =	sshll.u32 s0, $0x7;
	_ =	swait.ge [sflag:s2], $0x2000  }
0x82: {  	s19 =	sor.u32 $0x40, s19;
	[sflag:s2] =	ssyncset.done $0x0  }
0x83: {  	v0 =	vmov s19;
	[sflag:s2] =	ssyncadd.s32 $0xFFFFE000  }
0x84: {  	_ =	swait.ge [sflag:s2], $0x2000  }
0x85: {  	s0 =	sshll.u32 s0, $0xF;
	[sflag:s2] =	ssyncset.done $0x0  }
0x86: {  	s19 =	sor.u32 $0x4100, s0;
	[sflag:s2] =	ssyncadd.s32 $0xFFFFE000  }
0x87: {  	s30 =	simm.s32 $0x0;
	v1 =	vld [tilespmem:s19+$0x80]  }
0x88: {  	v2 =	vld.idx.msk [tilespmem:v0+s30+$0xFFFFFFC0 ss:$0x1], $0xffff  }
0x89: {  	v3 =	vld [tilespmem:s19+$0xFFFFFF00]  }
0x8a: {  	v4 =	vld [tilespmem:s19+$0xFFFFFF80]  }
0x8b: {  	v5 =	vld [tilespmem:s19+$0x0];
	_ =	sdelay $0x1  }
0x8c: {  	v1 =	vadd.f32 v1, v2  }
0x8d: {  	v3 =	vadd.f32 v3, v2  }
0x8e: {  	v4 =	vadd.f32 v4, v2;
	[tilespmem:s19+$0x80] =	vst v1  }
0x8f: {  	v1 =	vadd.f32 v5, v2;
	[tilespmem:s19+$0xFFFFFF00] =	vst v3  }
0x90: {  	[tilespmem:s19+$0xFFFFFF80] =	vst v4  }
0x91: {  	v2 =	vld [tilespmem:s19+$0xFFFFFF10];
	[tilespmem:s19+$0x0] =	vst v1  }
0x92: {  	v1 =	vld.idx.msk [tilespmem:v0+s30+$0xFFFFFFD0 ss:$0x1], $0xffff  }
0x93: {  	v3 =	vld [tilespmem:s19+$0xFFFFFF90]  }
0x94: {  	v54 =	vld [tilespmem:s19+$0x90]  }
0x95: {  	v55 =	vld [tilespmem:s19+$0x10];
	_ =	sdelay $0x1  }
0x96: {  	v2 =	vadd.f32 v2, v1  }
0x97: {  	v3 =	vadd.f32 v3, v1  }
0x98: {  	v4 =	vadd.f32 v54, v1;
	[tilespmem:s19+$0xFFFFFF10] =	vst v2  }
0x99: {  	v1 =	vadd.f32 v55, v1;
	[tilespmem:s19+$0xFFFFFF90] =	vst v3  }
0x9a: {  	[tilespmem:s19+$0x90] =	vst v4  }
0x9b: {  	[tilespmem:s19+$0x10] =	vst v1;
	v2 =	vld [tilespmem:s19+$0xFFFFFF20]  }
0x9c: {  	v1 =	vld.idx.msk [tilespmem:v0+s30+$0xFFFFFFE0 ss:$0x1], $0xffff  }
0x9d: {  	v3 =	vld [tilespmem:s19+$0xA0]  }
0x9e: {  	v56 =	vld [tilespmem:s19+$0xFFFFFFA0]  }
0x9f: {  	v57 =	vld [tilespmem:s19+$0x20];
	_ =	sdelay $0x1  }
0xa0: {  	v2 =	vadd.f32 v2, v1  }
0xa1: {  	v3 =	vadd.f32 v3, v1  }
0xa2: {  	v4 =	vadd.f32 v56, v1;
	[tilespmem:s19+$0xFFFFFF20] =	vst v2  }
0xa3: {  	v1 =	vadd.f32 v57, v1;
	[tilespmem:s19+$0xA0] =	vst v3  }
0xa4: {  	[tilespmem:s19+$0xFFFFFFA0] =	vst v4  }
0xa5: {  	[tilespmem:s19+$0x20] =	vst v1;
	v2 =	vld [tilespmem:s19+$0xFFFFFF30]  }
0xa6: {  	v1 =	vld.idx.msk [tilespmem:v0+s30+$0xFFFFFFF0 ss:$0x1], $0xffff  }
0xa7: {  	v3 =	vld [tilespmem:s19+$0xFFFFFFB0]  }
0xa8: {  	v58 =	vld [tilespmem:s19+$0xB0]  }
0xa9: {  	v59 =	vld [tilespmem:s19+$0x30];
	_ =	sdelay $0x1  }
0xaa: {  	v2 =	vadd.f32 v2, v1  }
0xab: {  	v3 =	vadd.f32 v3, v1  }
0xac: {  	v4 =	vadd.f32 v58, v1;
	[tilespmem:s19+$0xFFFFFF30] =	vst v2  }
0xad: {  	v1 =	vadd.f32 v59, v1;
	[tilespmem:s19+$0xFFFFFFB0] =	vst v3  }
0xae: {  	[tilespmem:s19+$0xB0] =	vst v4  }
0xaf: {  	[tilespmem:s19+$0x30] =	vst v1;
	v2 =	vld [tilespmem:s19+$0xFFFFFF40]  }
0xb0: {  	v1 =	vld.idx.msk [tilespmem:v0+s30+$0x0 ss:$0x1], $0xffff  }
0xb1: {  	v3 =	vld [tilespmem:s19+$0xC0]  }
0xb2: {  	v60 =	vld [tilespmem:s19+$0xFFFFFFC0]  }
0xb3: {  	v61 =	vld [tilespmem:s19+$0x40];
	_ =	sdelay $0x1  }
0xb4: {  	v2 =	vadd.f32 v2, v1  }
0xb5: {  	v3 =	vadd.f32 v3, v1  }
0xb6: {  	v4 =	vadd.f32 v60, v1;
	[tilespmem:s19+$0xFFFFFF40] =	vst v2  }
0xb7: {  	v1 =	vadd.f32 v61, v1;
	[tilespmem:s19+$0xC0] =	vst v3  }
0xb8: {  	[tilespmem:s19+$0xFFFFFFC0] =	vst v4  }
0xb9: {  	[tilespmem:s19+$0x40] =	vst v1;
	v2 =	vld [tilespmem:s19+$0xFFFFFF50]  }
0xba: {  	v1 =	vld.idx.msk [tilespmem:v0+s30+$0x10 ss:$0x1], $0xffff  }
0xbb: {  	v3 =	vld [tilespmem:s19+$0xFFFFFFD0]  }
0xbc: {  	v62 =	vld [tilespmem:s19+$0xD0];
	_ =	sdelay $0x1  }
0xbd: {  	v63 =	vld [tilespmem:s19+$0x50]  }
0xbe: {  	v2 =	vadd.f32 v2, v1  }
0xbf: {  	v3 =	vadd.f32 v3, v1  }
0xc0: {  	v4 =	vadd.f32 v62, v1;
	[tilespmem:s19+$0xFFFFFF50] =	vst v2  }
0xc1: {  	s28 =	sor.u32 $0x4180, s0;
	s29 =	sor.u32 $0x4080, s0;
	s31 =	sor.u32 $0x4000, s0;
	[tilespmem:s19+$0xFFFFFFD0] =	vst v3  }
0xc2: {  	s26 =	smov.u32 s19;
	s0 =	smov.u32 s19;
	s2 =	simm.s32 $0x400;
	v2 =	vadd.f32 v63, v1;
	[tilespmem:s19+$0xD0] =	vst v4;
	v1 =	vld [tilespmem:s19+$0xFFFFFF60]  }
.LBB2_28:
0xc3: {  	p2 =	sne.s32 s2, $0xFC00  }
0xc4: {  	[tilespmem:s26+$0x50] =	vst v2;
	v2 =	vld [tilespmem:s26+$0xE0];
	s0 =	sadd.s32 $0x200, s0;
	s20 =	smov.u32 s2;
	s2 =	sadd.s32 $0x400, s2  }
0xc5: {  	v3 =	vld.idx.msk [tilespmem:v0+s30+$0x20 ss:$0x1], $0xffff  }
0xc6: {  	v4 =	vld [tilespmem:s26+$0xFFFFFFE0]  }
0xc7: {  	v5 =	vld [tilespmem:s26+$0x60];
	_ =	sdelay $0x3  }
0xc8: {  	v1 =	vadd.f32 v1, v3;
	v4 =	vadd.f32 v4, v3  }
0xc9: {  	v2 =	vadd.f32 v2, v3;
	v5 =	vadd.f32 v5, v3  }
0xca: {  	[tilespmem:s26+$0xFFFFFF60] =	vst v1  }
0xcb: {  	[tilespmem:s26+$0xE0] =	vst v2  }
0xcc: {  	[tilespmem:s26+$0xFFFFFFE0] =	vst v4;
	v1 =	vld [tilespmem:s26+$0xFFFFFFF0]  }
0xcd: {  	[tilespmem:s26+$0x60] =	vst v5;
	v2 =	vld [tilespmem:s26+$0xFFFFFF70]  }
0xce: {  	v3 =	vld.idx.msk [tilespmem:v0+s30+$0x30 ss:$0x1], $0xffff  }
0xcf: {  	v4 =	vld [tilespmem:s26+$0xF0]  }
0xd0: {  	v5 =	vld [tilespmem:s26+$0x70];
	_ =	sdelay $0x3  }
0xd1: {  	v2 =	vadd.f32 v2, v3;
	v1 =	vadd.f32 v1, v3  }
0xd2: {  	v5 =	vadd.f32 v5, v3;
	v3 =	vadd.f32 v4, v3  }
0xd3: {  	[tilespmem:s26+$0xFFFFFF70] =	vst v2  }
0xd4: {  	[tilespmem:s26+$0xFFFFFFF0] =	vst v1  }
0xd5: {  	v1 =	vld [tilespmem:s0+$0x0];
	[tilespmem:s26+$0xF0] =	vst v3  }
0xd6: {  	s30 =	sshra.s32 s20, $0x2;
	v2 =	vld [tilespmem:s0+$0x80];
	[tilespmem:s26+$0x70] =	vst v5;
	s26 =	smov.u32 s0  }
0xd7: {  	v3 =	vld.idx.msk [tilespmem:v0+s30+$0xFFFFFFC0 ss:$0x1], $0xffff  }
0xd8: {  	v4 =	vld [tilespmem:s0+$0xFFFFFF00]  }
0xd9: {  	v5 =	vld [tilespmem:s0+$0xFFFFFF80];
	_ =	sdelay $0x3  }
0xda: {  	v2 =	vadd.f32 v2, v3;
	v4 =	vadd.f32 v4, v3  }
0xdb: {  	v1 =	vadd.f32 v1, v3;
	v5 =	vadd.f32 v5, v3  }
0xdc: {  	[tilespmem:s0+$0x80] =	vst v2  }
0xdd: {  	[tilespmem:s0+$0xFFFFFF00] =	vst v4  }
0xde: {  	[tilespmem:s0+$0xFFFFFF80] =	vst v5;
	v2 =	vld [tilespmem:s0+$0x90]  }
0xdf: {  	[tilespmem:s0+$0x0] =	vst v1;
	v1 =	vld [tilespmem:s0+$0xFFFFFF90]  }
0xe0: {  	v3 =	vld.idx.msk [tilespmem:v0+s30+$0xFFFFFFD0 ss:$0x1], $0xffff  }
0xe1: {  	v4 =	vld [tilespmem:s0+$0xFFFFFF10]  }
0xe2: {  	v5 =	vld [tilespmem:s0+$0x10];
	_ =	sdelay $0x3  }
0xe3: {  	v1 =	vadd.f32 v1, v3;
	v4 =	vadd.f32 v4, v3  }
0xe4: {  	v2 =	vadd.f32 v2, v3;
	v5 =	vadd.f32 v5, v3  }
0xe5: {  	[tilespmem:s0+$0xFFFFFF10] =	vst v4  }
0xe6: {  	[tilespmem:s0+$0xFFFFFF90] =	vst v1  }
0xe7: {  	[tilespmem:s0+$0x90] =	vst v2;
	v1 =	vld [tilespmem:s0+$0xA0]  }
0xe8: {  	[tilespmem:s0+$0x10] =	vst v5;
	v2 =	vld [tilespmem:s0+$0xFFFFFFA0]  }
0xe9: {  	v3 =	vld.idx.msk [tilespmem:v0+s30+$0xFFFFFFE0 ss:$0x1], $0xffff  }
0xea: {  	v4 =	vld [tilespmem:s0+$0xFFFFFF20]  }
0xeb: {  	v5 =	vld [tilespmem:s0+$0x20];
	_ =	sdelay $0x3  }
0xec: {  	v2 =	vadd.f32 v2, v3;
	v4 =	vadd.f32 v4, v3  }
0xed: {  	v1 =	vadd.f32 v1, v3;
	v5 =	vadd.f32 v5, v3  }
0xee: {  	[tilespmem:s0+$0xFFFFFF20] =	vst v4  }
0xef: {  	[tilespmem:s0+$0xA0] =	vst v1  }
0xf0: {  	[tilespmem:s0+$0xFFFFFFA0] =	vst v2;
	v1 =	vld [tilespmem:s0+$0xB0]  }
0xf1: {  	[tilespmem:s0+$0x20] =	vst v5;
	v2 =	vld [tilespmem:s0+$0xFFFFFFB0]  }
0xf2: {  	v3 =	vld.idx.msk [tilespmem:v0+s30+$0xFFFFFFF0 ss:$0x1], $0xffff  }
0xf3: {  	v4 =	vld [tilespmem:s0+$0xFFFFFF30]  }
0xf4: {  	v5 =	vld [tilespmem:s0+$0x30];
	_ =	sdelay $0x3  }
0xf5: {  	v2 =	vadd.f32 v2, v3;
	v4 =	vadd.f32 v4, v3  }
0xf6: {  	v1 =	vadd.f32 v1, v3;
	v5 =	vadd.f32 v5, v3  }
0xf7: {  	[tilespmem:s0+$0xFFFFFF30] =	vst v4  }
0xf8: {  	[tilespmem:s0+$0xFFFFFFB0] =	vst v2  }
0xf9: {  	[tilespmem:s0+$0xB0] =	vst v1;
	v1 =	vld [tilespmem:s0+$0xC0]  }
0xfa: {  	[tilespmem:s0+$0x30] =	vst v5;
	v2 =	vld [tilespmem:s0+$0xFFFFFFC0]  }
0xfb: {  	v3 =	vld.idx.msk [tilespmem:v0+s30+$0x0 ss:$0x1], $0xffff  }
0xfc: {  	v4 =	vld [tilespmem:s0+$0xFFFFFF40]  }
0xfd: {  	v5 =	vld [tilespmem:s0+$0x40];
	_ =	sdelay $0x3  }
0xfe: {  	v2 =	vadd.f32 v2, v3;
	v4 =	vadd.f32 v4, v3  }
0xff: {  	v1 =	vadd.f32 v1, v3;
	v5 =	vadd.f32 v5, v3  }
0x100: {  	[tilespmem:s0+$0xFFFFFF40] =	vst v4  }
0x101: {  	[tilespmem:s0+$0xC0] =	vst v1  }
0x102: {  	[tilespmem:s0+$0xFFFFFFC0] =	vst v2;
	v1 =	vld [tilespmem:s0+$0xD0]  }
0x103: {  	[tilespmem:s0+$0x40] =	vst v5;
	v2 =	vld [tilespmem:s0+$0xFFFFFFD0]  }
0x104: {  	v3 =	vld.idx.msk [tilespmem:v0+s30+$0x10 ss:$0x1], $0xffff  }
0x105: {  	v4 =	vld [tilespmem:s0+$0xFFFFFF50]  }
0x106: {  	v5 =	vld [tilespmem:s0+$0x50];
	_ =	sdelay $0x3  }
.Ltmp12:
0x107: {  	v6 =	vadd.f32 v2, v3;
	v4 =	vadd.f32 v4, v3;
	(pc) =	sbr.rel @p2 .LBB2_28-.Ltmp12, $4  }
0x108: {  	v1 =	vadd.f32 v1, v3;
	v2 =	vadd.f32 v5, v3  }
0x109: {  	[tilespmem:s0+$0xFFFFFF50] =	vst v4  }
0x10a: {  	[tilespmem:s0+$0xFFFFFFD0] =	vst v6  }
0x10b: {  	[tilespmem:s0+$0xD0] =	vst v1;
	v1 =	vld [tilespmem:s0+$0xFFFFFF60]  }
0x10c: {  	_ =	sdelay $0x2  }
0x10d: {  	[tilespmem:s26+$0x50] =	vst v2  }
0x10e: {  	v2 =	vld.idx.msk [tilespmem:v0+s30+$0x20 ss:$0x1], $0xffff  }
0x10f: {  	v3 =	vld [tilespmem:s26+$0xE0]  }
0x110: {  	v4 =	vld [tilespmem:s26+$0xFFFFFFE0]  }
0x111: {  	v5 =	vld [tilespmem:s26+$0x60];
	_ =	sdelay $0x1  }
0x112: {  	v1 =	vadd.f32 v1, v2  }
0x113: {  	v3 =	vadd.f32 v3, v2  }
0x114: {  	v4 =	vadd.f32 v4, v2;
	[tilespmem:s26+$0xFFFFFF60] =	vst v1  }
0x115: {  	v58 =	vadd.f32 v5, v2;
	[tilespmem:s26+$0xE0] =	vst v3  }
0x116: {  	[tilespmem:s26+$0xFFFFFFE0] =	vst v4  }
0x117: {  	v59 =	vld [tilespmem:s26+$0xFFFFFF70];
	[tilespmem:s26+$0x60] =	vst v58  }
0x118: {  	v60 =	vld.idx.msk [tilespmem:v0+s30+$0x30 ss:$0x1], $0xffff  }
0x119: {  	v61 =	vld [tilespmem:s26+$0xFFFFFFF0]  }
0x11a: {  	v62 =	vld [tilespmem:s26+$0xF0]  }
0x11b: {  	v63 =	vld [tilespmem:s26+$0x70];
	_ =	sdelay $0x1  }
0x11c: {  	v1 =	vadd.f32 v59, v60  }
0x11d: {  	s0 =	sshll.u32 s24, $0xF;
	v2 =	vadd.f32 v61, v60  }
0x11e: {  	s0 =	sadd.s32 s15, s0;
	v3 =	vadd.f32 v62, v60;
	[tilespmem:s26+$0xFFFFFF70] =	vst v1  }
0x11f: {  	s2 =	sshrl.u32 s0, $0x3;
	v0 =	vadd.f32 v63, v60;
	[tilespmem:s26+$0xFFFFFFF0] =	vst v2  }
0x120: {  	s20 =	simm.s32 $0x40;
	s24 =	sadd.s32 s6, s2;
	[tilespmem:s26+$0xF0] =	vst v3  }
0x121: {  	s21 =	sadd.s32 $0x200, s31;
	s0 =	sadd.s32 $0x3, s25;
	s22 =	sadd.s32 $0x0, s24;
	[tilespmem:s26+$0x70] =	vst v0  }
.LBB2_30:
0x122: {  	[hbm4b:s22+s3] =	stream.linear.scatter [tilespmem:s31], [sflag:s0], $0x80, $0x38;
	[tilespmem:$0x14000] =	vst v63  }
0x123: {  	s22 =	smov.u32 s20;
	s31 =	smov.u32 s21;
	p2 =	sne.s32 s20, $0xFC0  }
.Ltmp13:
0x124: {  	s20 =	sadd.s32 $0x40, s20;
	(pc) =	sbr.rel @p2 .LBB2_30-.Ltmp13, $2  }
0x125: {  	_ =	sdelay $0x2  }
0x126: {  	s21 =	sadd.s32 $0x200, s21;
	s22 =	sadd.s32 s22, s24  }
0x127: {  	[hbm4b:s22+s3] =	stream.linear.scatter [tilespmem:s31], [sflag:s0], $0x80, $0x38;
	[tilespmem:$0x14000] =	vst v63  }
0x128: {  	s24 =	sadd.s32 s2, s16  }
0x129: {  	s20 =	simm.s32 $0x40;
	s21 =	sadd.s32 $0x200, s29;
	s22 =	sadd.s32 $0x0, s24  }
.LBB2_32:
0x12a: {  	[hbm4b:s22+s3] =	stream.linear.scatter [tilespmem:s29], [sflag:s0], $0x80, $0x38;
	[tilespmem:$0x14000] =	vst v63  }
0x12b: {  	s22 =	smov.u32 s20;
	s29 =	smov.u32 s21;
	p2 =	sne.s32 s20, $0xFC0  }
.Ltmp14:
0x12c: {  	s20 =	sadd.s32 $0x40, s20;
	(pc) =	sbr.rel @p2 .LBB2_32-.Ltmp14, $2  }
0x12d: {  	_ =	sdelay $0x2  }
0x12e: {  	s21 =	sadd.s32 $0x200, s21;
	s22 =	sadd.s32 s22, s24  }
0x12f: {  	[hbm4b:s22+s3] =	stream.linear.scatter [tilespmem:s29], [sflag:s0], $0x80, $0x38;
	[tilespmem:$0x14000] =	vst v63  }
0x130: {  	s24 =	sadd.s32 s2, s17  }
0x131: {  	s20 =	simm.s32 $0x40;
	s21 =	sadd.s32 $0x200, s19;
	s22 =	sadd.s32 $0x0, s24  }
.LBB2_34:
0x132: {  	[hbm4b:s22+s3] =	stream.linear.scatter [tilespmem:s19], [sflag:s0], $0x80, $0x38;
	[tilespmem:$0x14000] =	vst v63  }
0x133: {  	s22 =	smov.u32 s20;
	s19 =	smov.u32 s21;
	p2 =	sne.s32 s20, $0xFC0  }
.Ltmp15:
0x134: {  	s20 =	sadd.s32 $0x40, s20;
	(pc) =	sbr.rel @p2 .LBB2_34-.Ltmp15, $2  }
0x135: {  	_ =	sdelay $0x2  }
0x136: {  	s21 =	sadd.s32 $0x200, s21;
	s22 =	sadd.s32 s22, s24  }
0x137: {  	[hbm4b:s22+s3] =	stream.linear.scatter [tilespmem:s19], [sflag:s0], $0x80, $0x38;
	[tilespmem:$0x14000] =	vst v63  }
0x138: {  	s2 =	sadd.s32 s2, s18  }
0x139: {  	s19 =	simm.s32 $0x40;
	s20 =	sadd.s32 $0x200, s28;
	s21 =	sadd.s32 $0x0, s2  }
.LBB2_36:
0x13a: {  	[hbm4b:s21+s3] =	stream.linear.scatter [tilespmem:s28], [sflag:s0], $0x80, $0x38;
	[tilespmem:$0x14000] =	vst v63  }
0x13b: {  	s21 =	smov.u32 s19;
	s28 =	smov.u32 s20;
	p2 =	seq.s32 s19, $0xFC0  }
.Ltmp16:
0x13c: {  	s19 =	sadd.s32 $0x40, s19;
	(pc) =	sbr.rel @!p2 .LBB2_36-.Ltmp16, $2  }
0x13d: {  	_ =	sdelay $0x2  }
0x13e: {  	s20 =	sadd.s32 $0x200, s20;
	s21 =	sadd.s32 s21, s2  }
0x13f: {  	[hbm4b:s21+s3] =	stream.linear.scatter [tilespmem:s28], [sflag:s0], $0x80, $0x38;
	[tilespmem:$0x14000] =	vst v63  }
0x140: {  	p2 =	seq.s32 s23, $0x10  }
.Ltmp17:
0x141: {  	_ = 	snop;
	(pc) =	sbr.rel @!p2 .LBB2_13-.Ltmp17, $2  }
0x142: {  	_ =	sdelay $0x2  }
0x143: {  	p0 =	por !p0, !p0;
	p1 =	por !p1, !p1;
	s24 =	smov.u32 s23  }
0x144: {  	s0 =	simm.s32 $0x3  }
0x145: {  	_ =	swait.ge [sflag:s0], $0x2000  }
0x146: {  	[sflag:s0] =	ssyncset.done $0x0  }
0x147: {  	[sflag:s0] =	ssyncadd.s32 $0xFFFFE000  }
0x148: {  	_ =	swait.ge [sflag:s0], $0x2000  }
0x149: {  	[sflag:s0] =	ssyncset.done $0x0  }
0x14a: {  	[sflag:s0] =	ssyncadd.s32 $0xFFFFE000  }
0x14b: {  	_ =	swait.ge [sflag:s0], $0x2000  }
0x14c: {  	[sflag:s0] =	ssyncset.done $0x0  }
0x14d: {  	[sflag:s0] =	ssyncadd.s32 $0xFFFFE000  }
0x14e: {  	_ =	swait.ge [sflag:s0], $0x2000  }
0x14f: {  	[sflag:s0] =	ssyncset.done $0x0  }
0x150: {  	s2 =	simm.s32 $0x4;
	[sflag:s0] =	ssyncadd.s32 $0xFFFFE000  }
0x151: {  	_ =	swait.ge [sflag:s2], $0x2000  }
0x152: {  	[sflag:s2] =	ssyncset.done $0x0  }
0x153: {  	[sflag:s2] =	ssyncadd.s32 $0xFFFFE000  }
0x154: {  	_ =	swait.ge [sflag:s2], $0x2000  }
0x155: {  	[sflag:s2] =	ssyncset.done $0x0  }
0x156: {  	[sflag:s2] =	ssyncadd.s32 $0xFFFFE000  }
0x157: {  	_ =	swait.ge [sflag:s2], $0x2000  }
0x158: {  	[sflag:s2] =	ssyncset.done $0x0  }
0x159: {  	[sflag:s2] =	ssyncadd.s32 $0xFFFFE000  }
0x15a: {  	_ =	swait.ge [sflag:s2], $0x2000  }
0x15b: {  	s19 =	rddreg [dreg:$0x4]  }
0x15c: {  	s31 =	rddreg [dreg:$0x3];
	s19 =	sadd.s32 $0x1, s19  }
0x15d: {  	p0 =	sne.s32 s19, s31  }
.Ltmp18:
0x15e: {  	_ = 	snop;
	(pc) =	sbr.rel @p0 .LBB2_1-.Ltmp18, $3  }
0x15f: {  	_ =	sdelay $0x1  }
0x160: {  	[sflag:s2] =	ssyncset.done $0x0  }
0x161: {  	[sflag:s2] =	ssyncadd.s32 $0xFFFFE000  }
0x162: {  	_ =	sfence.sel $0x180000  }
0x163: {  	[bflag:$0x0] =	sbarrier.arrive $0xFFFF  }
0x164: {  	_ =	strace $0x9000004D  }
0x165: {  	s0 =	stileid.u32;
	[bflag:$0x2] =	sbarrier.arrive $0xFFFF  }
0x166: {  	p0 =	sne.s32 s0, $0x0;
	s0 =	rddreg [dreg:$0x2]  }
0x167: {  	s0 =	sadd.s32 @!p0 $0x100000, s0  }
0x168: {  	[sflag:s0] =	ssyncadd.tile.s32 @!p0 $0x1;
	_ =	shalt  }
.Lfunc_end2:
_tile_overlayer_lowered:
.L_overlay_start_2:
0x169: {  	(tag) =	ssettag $0x2  }
0x16a: {  	s0 =	rddreg [dreg:$0x0];
	s2 =	stileid.u32  }
0x16b: {  	s1 =	rddreg [dreg:$0x1];
	p0 =	sne.s32 s2, $0x0  }
0x16c: {  	s3 =	rddreg [dreg:$0x2];
	[bflag:$0x3] =	sbarrier.arrive $0xFFFF;
	s2 =	simm.s32 @!p0 $0x1C05  }
0x16d: {  	[timem:s3], [sflag:s2] =	dma.local @!p0 [hbm:s0], s1  }
0x16e: {  	s0 =	simm.s32 @!p0 $0x5  }
0x16f: {  	_ =	swait.ge @!p0 [sflag:s0], s1  }
0x170: {  	s1 =	ssub.s32 @!p0 $0x0, s1;
	[sflag:s0] =	ssyncset.done @!p0 $0x0  }
0x171: {  	[sflag:s0] =	ssyncadd.s32 @!p0 s1  }
0x172: {  	[bflag:$0x3] =	sbarrier.arrive $0xFFFF  }
0x173: {  	_ =	shalt  }

// kernel: sparse-core-data-format-call.1.cloned.1.call-start
scs
called_computation.1_lowered:
.L_overlay_start_0:
0x0: {  	s2 =	sld [smem:$0x3FD9]  }
0x1: {  	s3 =	sld [smem:$0x3FFE];
	_ =	sdelay $0x1  }
0x2: {  	s1 =	srdreg.scid  }
0x3: {  	s0 =	sand.u32 $0x1, s1  }
0x4: {  	s18 =	sshll.u32 s0, $0xA;
	s2 =	sadd.s32 s3, s2  }
0x5: {  	s2 =	sadd.s32 s2, s18  }
0x6: {  	[smem:$0x3FC6] =	sst s2  }
0x7: {  	_ = 	snop  }
0x8: {  	s2 =	sld [smem:$0x3FC8];
	(tm) =	ssettm $0x1  }
0x9: {  	s19 =	sld [smem:$0x3FFB];
	_ =	sdelay $0x3  }
0xa: {  	_ =	strace s19  }
0xb: {  	s3 =	sld [smem:$0x3FFC];
	_ =	sdelay $0x3  }
0xc: {  	_ =	strace s3  }
0xd: {  	s3 =	sld [smem:$0x3FFD];
	_ =	sdelay $0x3  }
0xe: {  	_ =	strace s3  }
0xf: {  	_ =	strace $0x8FFFFFFF  }
0x10: {  	s20 =	sld [smem:$0x3FDB];
	_ =	sdelay $0x1  }
0x11: {  	s4 =	simm.s32 $_scs_section_size  }
0x12: {  	s5 =	simm.s32 $_size__tile_overlayer_lowered;
	s6 =	simm.s32 $_tile_overlayer_lowered  }
0x13: {  	s23 =	simm.s32 $0x1BFF;
	s22 =	sshll.u32 s6, $0x1;
	s3 =	sadd.s32 s4, s20  }
0x14: {  	s7 =	simm.s32 $0x0;
	s21 =	sshll.u32 s5, $0x1;
	s5 =	sadd.s32 s22, s3  }
0x15: {  	[timem:s7], [sflag:s23] =	dma.local [hbm:s5], s21  }
0x16: {  	_ =	swait.ge [sflag:s23], s21  }
0x17: {  	s4 =	ssub.s32 $0x0, s21;
	[sflag:s23] =	ssyncset.done $0x0  }
0x18: {  	[sflag:s23] =	ssyncadd.s32 s4;
	_ =	sdelay $0x1  }
0x19: {  	s24 =	simm.s32 $0x1B8B  }
0x1a: {  	_ =	swait.ge [sflag:s24], $0x1  }
0x1b: {  	[sflag:s24] =	ssyncset.done $0x0  }
0x1c: {  	s26 =	simm.s32 $0x1B8E;
	s25 =	sld [smem:$0x3FFE];
	[sflag:s24] =	ssyncadd.s32 $0xFFFFFFFF  }
0x1d: {  	s27 =	simm.s32 $execute0_lowered;
	[smem:$0x3FD2] =	sst s26  }
0x1e: {  	s5 =	sshll.u32 s27, $0x1;
	_ =	strace $0x80000046;
	[dreg:$0x1] =	wrdreg $0xFFFFFFFF  }
0x1f: {  	s28 =	simm.s32 $_size_execute0_lowered;
	s3 =	sadd.s32 s3, s5;
	[dreg:$0x0] =	wrdreg $0x0  }
0x20: {  	s5 =	sshll.u32 s28, $0x1;
	[dreg:$0x2] =	wrdreg s3  }
0x21: {  	[dreg:$0x3] =	wrdreg s5  }
0x22: {  	[dreg:$0x4] =	wrdreg $0xC0  }
0x23: {  	_ =	task [dreg:s7], $0x5FFFF  }
0x24: {  	[dreg:$0x1] =	wrdreg $0xFFFFFFFF  }
0x25: {  	[dreg:$0x0] =	wrdreg $0x60  }
0x26: {  	[dreg:$0x2] =	wrdreg s2  }
0x27: {  	[dreg:$0x3] =	wrdreg s25  }
0x28: {  	[dreg:$0x4] =	wrdreg $0x9  }
0x29: {  	_ =	task.clear_ibuf [dreg:s7], $0x5FFFF;
	_ =	strace $0x90000046  }
0x2a: {  	s29 =	simm.s32 $0x9;
	_ =	strace $0x80000048  }
0x2b: {  	_ =	swait.ge [sflag:s29], $0x1  }
0x2c: {  	[sflag:s29] =	ssyncadd.s32 $0xFFFFFFFF  }
0x2d: {  	_ =	strace $0x90000048  }
0x2e: {  	_ =	sfence  }
0x2f: {  	s30 =	sld [smem:$0x0];
	_ =	sdelay $0x2  }
0x30: {  	s31 =	sshll.u32 s1, $0xD;
	s1 =	sshrl.u32 s1, $0x2  }
0x31: {  	s3 =	sand.u32 $0x4000, s31;
	s1 =	sadd.s32 s1, s30  }
0x32: {  	s0 =	sor.u32 s3, s0;
	s1 =	sshll.u32 s1, $0x11  }
0x33: {  	s0 =	sor.u32 s1, s0  }
0x34: {  	s0 =	sadd.s32 $0x8F2B, s0  }
0x35: {  	[sflag:s0] =	ssyncadd.remote.s32 $0x1  }
0x36: {  	_ =	sfence.sel $0xFFFF  }
0x37: {  	[dreg:$0x0] =	wrdreg $0xFFFFFFFF;
	(pc) =	sbr.abs _section_cstart, $3  }
0x38: {  	[dreg:$0x1] =	wrdreg $0xFFFFFFFF  }
0x39: {  	_ =	task.clear_ibuf [dreg:s7], $0x2FFFF;
	_ =	strace $0x9FFFFFFF  }
0x3a: {  	(tm) =	ssettm $0x7FFFFFFF  }
0x3b: {  	_ =	shalt  }
tec
execute0_lowered:
.L_overlay_start_1:
0x0: {  	(tag) =	ssettag $0x1  }
0x1: {  	s0 =	srdreg.scid  }
0x2: {  	s1 =	sshll.u32 s0, $0x4  }
0x3: {  	s2 =	rddreg [dreg:$0x0];
	s0 =	stileid.u32;
	s1 =	sand.u32 $0x10, s1  }
0x4: {  	s4 =	rddreg [dreg:$0x1];
	s7 =	simm.s32 $0x1;
	s1 =	sor.u32 s0, s1  }
0x5: {  	s8 =	simm.s32 $0x2;
	s9 =	simm.s32 $0x0;
	s3 =	sshll.u32 s1, $0x1  }
0x6: {  	s12 =	simm.s32 $0x0;
	s11 =	simm.s32 $0x0;
	s6 =	ssub.s32 $0x400, s3  }
.Ltmp0:
0x7: {  	s4 =	sadd.s32 $0x1000, s4;
	s5 =	sand.u32 $0x3E, s6;
	(pc) =	sbr.rel .LBB1_1-.Ltmp0, $4  }
0x8: {  	s1 =	rddreg [dreg:$0x2];
	_ =	strace $0x80000047;
	p0 =	sne.s32 s5, $0x0  }
0x9: {  	s6 =	sshrl.u32 s6, $0x6;
	s5 =	simm.s32 $0x1;
	s7 =	simm.s32 @!p0 $0x0  }
0xa: {  	s10 =	smov.u32 s3;
	[sflag:s5] =	ssyncpa.u1 $0x0;
	s6 =	sadd.s32 s7, s6  }
0xb: {  	[sflag:s8] =	ssyncpa.u1 $0x0;
	s8 =	simm.s32 $0x0;
	s7 =	sadd.s32 $0x1, s6  }
.LBB1_9:
0xc: {  	s14 =	sadd.s32 $0x40, s10  }
0xd: {  	p1 =	sgt.s32 s14, $0x3FF  }
0xe: {  	s14 =	smov.u32 @p1 s3;
	p1 =	sne.s32 s11, s7  }
.Ltmp1:
0xf: {  	p0 =	slt.u32 s11, $0x2;
	(pc) =	sbr.rel @!p1 .LBB1_10-.Ltmp1, $4  }
0x10: {  	s13 =	simm.s32 @!p0 $0x2  }
0x11: {  	s15 =	sadd.s32 $0x1, s11;
	_ =	swait.ge @!p0 [sflag:s13], $0x4000  }
0x12: {  	s12 =	smov.u32 s10;
	s9 =	sadd.s32 $0x4000, s9;
	[sflag:s13] =	ssyncset.done @!p0 $0x0  }
0x13: {  	s11 =	smov.u32 s15;
	s10 =	smov.u32 s14;
	[sflag:s13] =	ssyncadd.s32 @!p0 $0xFFFFC000  }
.LBB1_1:
0x14: {  	p0 =	sge.u32 s11, s6  }
0x15: {  	s13 =	sxor.u32 @!p0 $0xFFFFFFFF, s11  }
0x16: {  	s31 =	sadd.s32 $0xFFFFFFFF, s11;
	s14 =	sshll.u32 @!p0 s10, $0xA;
	s13 =	sshll.u32 @!p0 s13, $0xE  }
0x17: {  	s15 =	simm.s32 @!p0 $0x0;
	s14 =	sadd.s32 @!p0 s2, s14;
	s13 =	sand.u32 @!p0 $0x4000, s13  }
0x18: {  	[tilespmem:s13], [sflag:$0x1] =	stream.linear.gather @!p0 [hbm4b:s14+s15], $0x4000, $0x38;
	[tilespmem:$0x10000] =	vst v63  }
0x19: {  	p0 =	sge.u32 s31, s6  }
.Ltmp2:
0x1a: {  	_ = 	snop;
	(pc) =	sbr.rel @p0 .LBB1_9-.Ltmp2, $1  }
0x1b: {  	_ =	sdelay $0x3  }
0x1c: {  	s13 =	sshll.u32 s9, $0x2  }
0x1d: {  	_ =	swait.ge [sflag:s5], $0x4000;
	s14 =	sshll.u32 s11, $0xE;
	s16 =	simm.s32 $0x0  }
0x1e: {  	p1 =	por $0x1, $0x1;
	s13 =	sand.u32 $0x10000, s13;
	[sflag:s5] =	ssyncset.done $0x0  }
0x1f: {  	s14 =	sand.u32 $0x4000, s14;
	s15 =	sshrl.u32 s13, $0x2;
	[sflag:s5] =	ssyncadd.s32 $0xFFFFC000  }
0x20: {  	s13 =	sor.u32 $0x8000, s14;
	s14 =	sadd.s32 $0x8040, s15;
	s15 =	sadd.s32 $0x40, s15  }
.LBB1_3:
0x21: {  	s16 =	sshll.u32 s16, $0x2  }
0x22: {  	p0 =	por p1, p1;
	s17 =	sshra.s32 s16, $0x2  }
0x23: {  	s18 =	simm.s32 $0x0;
	s16 =	sadd.s32 s17, s14;
	s17 =	sadd.s32 s17, s15  }
.LBB1_4:
0x24: {  	v0 =	vmov s17;
	_ =	sdelay $0x3  }
0x25: {  	s20 =	simm.s32 $0x0  }
0x26: {  	v6 =	vld.idx.msk [tilespmem:v0+s20+$0x30 ss:$0x1], $0xffff  }
0x27: {  	v7 =	vld.idx.msk [tilespmem:v0+s20+$0xFFFFFFC0 ss:$0x1], $0xffff  }
0x28: {  	v5 =	vld.idx.msk [tilespmem:v0+s20+$0xFFFFFFD0 ss:$0x1], $0xffff  }
0x29: {  	v4 =	vld.idx.msk [tilespmem:v0+s20+$0xFFFFFFE0 ss:$0x1], $0xffff  }
0x2a: {  	v3 =	vld.idx.msk [tilespmem:v0+s20+$0xFFFFFFF0 ss:$0x1], $0xffff  }
0x2b: {  	v1 =	vld.idx.msk [tilespmem:v0+s20+$0x0 ss:$0x1], $0xffff  }
0x2c: {  	v2 =	vld.idx.msk [tilespmem:v0+s20+$0x10 ss:$0x1], $0xffff;
	[tilespmem:s16+$0x30] =	vst v6  }
0x2d: {  	s19 =	simm.s32 $0x80;
	s21 =	simm.s32 $0x400;
	[tilespmem:s16+$0xFFFFFFC0] =	vst v7;
	v6 =	vld.idx.msk [tilespmem:v0+s20+$0x20 ss:$0x1], $0xffff;
	s20 =	smov.u32 s16  }
.LBB1_5:
0x2e: {  	p1 =	sne.s32 s21, $0xE00;
	v7 =	vld.idx.msk [tilespmem:v0+s19+$0x30 ss:$0x1], $0xffff;
	[tilespmem:s20+$0xFFFFFFD0] =	vst v5  }
0x2f: {  	v8 =	vld.idx.msk [tilespmem:v0+s19+$0xFFFFFFC0 ss:$0x1], $0xffff;
	[tilespmem:s20+$0xFFFFFFE0] =	vst v4  }
0x30: {  	v5 =	vld.idx.msk [tilespmem:v0+s19+$0xFFFFFFD0 ss:$0x1], $0xffff;
	[tilespmem:s20+$0xFFFFFFF0] =	vst v3  }
.Ltmp3:
0x31: {  	v4 =	vld.idx.msk [tilespmem:v0+s19+$0xFFFFFFE0 ss:$0x1], $0xffff;
	[tilespmem:s20+$0x0] =	vst v1;
	(pc) =	sbr.rel @p1 .LBB1_5-.Ltmp3, $4  }
0x32: {  	v3 =	vld.idx.msk [tilespmem:v0+s19+$0xFFFFFFF0 ss:$0x1], $0xffff;
	[tilespmem:s20+$0x10] =	vst v2  }
0x33: {  	v1 =	vld.idx.msk [tilespmem:v0+s19+$0x0 ss:$0x1], $0xffff;
	[tilespmem:s20+$0x20] =	vst v6;
	s20 =	sadd.s32 $0x400, s20  }
0x34: {  	v2 =	vld.idx.msk [tilespmem:v0+s19+$0x10 ss:$0x1], $0xffff;
	[tilespmem:s20+$0x30] =	vst v7  }
0x35: {  	[tilespmem:s20+$0xFFFFFFC0] =	vst v8;
	v6 =	vld.idx.msk [tilespmem:v0+s19+$0x20 ss:$0x1], $0xffff;
	s19 =	sshra.s32 s21, $0x2;
	s21 =	sadd.s32 $0x200, s21  }
0x36: {  	_ =	sdelay $0x2  }
0x37: {  	[tilespmem:s20+$0xFFFFFFD0] =	vst v5  }
0x38: {  	v56 =	vld.idx.msk [tilespmem:v0+s19+$0x30 ss:$0x1], $0xffff;
	[tilespmem:s20+$0xFFFFFFE0] =	vst v4  }
0x39: {  	v57 =	vld.idx.msk [tilespmem:v0+s19+$0xFFFFFFC0 ss:$0x1], $0xffff;
	[tilespmem:s20+$0xFFFFFFF0] =	vst v3  }
0x3a: {  	v58 =	vld.idx.msk [tilespmem:v0+s19+$0xFFFFFFD0 ss:$0x1], $0xffff;
	[tilespmem:s20+$0x0] =	vst v1  }
0x3b: {  	v59 =	vld.idx.msk [tilespmem:v0+s19+$0xFFFFFFE0 ss:$0x1], $0xffff;
	[tilespmem:s20+$0x10] =	vst v2  }
0x3c: {  	v60 =	vld.idx.msk [tilespmem:v0+s19+$0xFFFFFFF0 ss:$0x1], $0xffff;
	s31 =	sadd.s32 $0x400, s20;
	[tilespmem:s20+$0x20] =	vst v6  }
0x3d: {  	v61 =	vld.idx.msk [tilespmem:v0+s19+$0x0 ss:$0x1], $0xffff;
	[tilespmem:s31+$0x30] =	vst v56  }
0x3e: {  	v62 =	vld.idx.msk [tilespmem:v0+s19+$0x10 ss:$0x1], $0xffff;
	s18 =	sadd.s32 $0x1, s18;
	[tilespmem:s31+$0xFFFFFFC0] =	vst v57  }
0x3f: {  	v63 =	vld.idx.msk [tilespmem:v0+s19+$0x20 ss:$0x1], $0xffff;
	p1 =	sne.s32 s18, $0x8;
	[tilespmem:s31+$0xFFFFFFD0] =	vst v58  }
.Ltmp4:
0x40: {  	[tilespmem:s31+$0xFFFFFFE0] =	vst v59;
	(pc) =	sbr.rel @p1 .LBB1_4-.Ltmp4, $4  }
0x41: {  	[tilespmem:s31+$0xFFFFFFF0] =	vst v60  }
0x42: {  	[tilespmem:s31+$0x0] =	vst v61  }
0x43: {  	[tilespmem:s31+$0x10] =	vst v62  }
0x44: {  	s16 =	sadd.s32 $0x80, s16;
	s17 =	sadd.s32 $0x400, s17;
	[tilespmem:s31+$0x20] =	vst v63  }
.Ltmp5:
0x45: {  	(pc) =	sbr.rel @p0 .LBB1_3-.Ltmp5, $2  }
0x46: {  	_ =	sdelay $0x2  }
0x47: {  	s16 =	simm.s32 $0x2000;
	p1 =	por $0x0, $0x0  }
.Ltmp6:
0x48: {  	(pc) =	sbr.rel .LBB1_9-.Ltmp6, $4  }
0x49: {  	_ = 	snop  }
0x4a: {  	s12 =	sshll.u32 s12, $0xA  }
0x4b: {  	s12 =	sadd.s32 s4, s12  }
0x4c: {  	[hbm4b:s12+s8] =	stream.linear.scatter [tilespmem:s13], [sflag:$0x2], $0x4000, $0x38;
	[tilespmem:$0x10000] =	vst v63  }
.LBB1_10:
0x4d: {  	_ =	sfence.sel $0x180000  }
0x4e: {  	s2 =	simm.s32 $0x1;
	[bflag:$0x0] =	sbarrier.arrive $0xFFFF  }
0x4f: {  	s31 =	simm.s32 $0x2;
	[sflag:s2] =	ssyncpa.u1 $0x1  }
0x50: {  	[sflag:s31] =	ssyncpa.u1 $0x1  }
0x51: {  	p0 =	sne.s32 s0, $0x0;
	_ =	strace $0x90000047  }
0x52: {  	s0 =	sadd.s32 @!p0 $0x100000, s1;
	[bflag:$0x2] =	sbarrier.arrive $0xFFFF  }
0x53: {  	[sflag:s0] =	ssyncadd.tile.s32 @!p0 $0x1;
	_ =	shalt  }
.Lfunc_end1:
_tile_overlayer_lowered:
.L_overlay_start_2:
0x54: {  	(tag) =	ssettag $0x2  }
0x55: {  	s0 =	rddreg [dreg:$0x0];
	s2 =	stileid.u32  }
0x56: {  	s1 =	rddreg [dreg:$0x1];
	p0 =	sne.s32 s2, $0x0  }
0x57: {  	s3 =	rddreg [dreg:$0x2];
	[bflag:$0x3] =	sbarrier.arrive $0xFFFF;
	s2 =	simm.s32 @!p0 $0x1C01  }
0x58: {  	[timem:s3], [sflag:s2] =	dma.local @!p0 [hbm:s0], s1  }
0x59: {  	s0 =	simm.s32 @!p0 $0x1  }
0x5a: {  	_ =	swait.ge @!p0 [sflag:s0], s1  }
0x5b: {  	s1 =	ssub.s32 @!p0 $0x0, s1;
	[sflag:s0] =	ssyncset.done @!p0 $0x0  }
0x5c: {  	[sflag:s0] =	ssyncadd.s32 @!p0 s1  }
0x5d: {  	[bflag:$0x3] =	sbarrier.arrive $0xFFFF  }
0x5e: {  	_ =	shalt  }

// kernel: sparse-core-data-format-call.2.cloned.1.call-start
scs
called_computation.2_lowered:
.L_overlay_start_0:
0x0: {  	s2 =	sld [smem:$0x3FD9]  }
0x1: {  	s3 =	sld [smem:$0x3FFE];
	_ =	sdelay $0x1  }
0x2: {  	s1 =	srdreg.scid  }
0x3: {  	s0 =	sand.u32 $0x1, s1  }
0x4: {  	s19 =	sshll.u32 s0, $0xA;
	s2 =	sadd.s32 s3, s2  }
0x5: {  	s2 =	sadd.s32 s2, s19  }
0x6: {  	[smem:$0x3FC6] =	sst s2  }
0x7: {  	_ = 	snop  }
0x8: {  	s20 =	sld [smem:$0x3FC9]  }
0x9: {  	s4 =	sld [smem:$0x3FD0];
	(tm) =	ssettm $0x1  }
0xa: {  	s21 =	sld [smem:$0x3FFB];
	_ =	sdelay $0x3  }
0xb: {  	_ =	strace s21  }
0xc: {  	s2 =	sld [smem:$0x3FFC];
	_ =	sdelay $0x3  }
0xd: {  	_ =	strace s2  }
0xe: {  	s2 =	sld [smem:$0x3FFD];
	_ =	sdelay $0x3  }
0xf: {  	_ =	strace s2  }
0x10: {  	_ =	strace $0x8FFFFFFF  }
0x11: {  	s22 =	sld [smem:$0x3FDB];
	_ =	sdelay $0x1  }
0x12: {  	s5 =	simm.s32 $_scs_section_size  }
0x13: {  	s6 =	simm.s32 $_size__tile_overlayer_lowered;
	s7 =	simm.s32 $_tile_overlayer_lowered  }
0x14: {  	s8 =	simm.s32 $0x1BFF;
	s23 =	sshll.u32 s7, $0x1;
	s5 =	sadd.s32 s5, s22  }
0x15: {  	s24 =	simm.s32 $0x0;
	s6 =	sshll.u32 s6, $0x1;
	s7 =	sadd.s32 s23, s5  }
0x16: {  	[timem:s24], [sflag:s8] =	dma.local [hbm:s7], s6  }
0x17: {  	_ =	swait.ge [sflag:s8], s6  }
0x18: {  	s6 =	ssub.s32 $0x0, s6;
	[sflag:s8] =	ssyncset.done $0x0  }
0x19: {  	[sflag:s8] =	ssyncadd.s32 s6;
	_ =	sdelay $0x1  }
0x1a: {  	s25 =	simm.s32 $0x1B8B  }
0x1b: {  	_ =	swait.ge [sflag:s25], $0x1  }
0x1c: {  	[sflag:s25] =	ssyncset.done $0x0  }
0x1d: {  	[sflag:s25] =	ssyncadd.s32 $0xFFFFFFFF  }
0x1e: {  	s6 =	sld [smem:$0x0]  }
0x1f: {  	s7 =	sand.u32 $0xFFFFFFFE, s1  }
0x20: {  	p0 =	sne.s32 s1, s7  }
0x21: {  	s7 =	sshll.u32 @p0 s7, $0xE  }
0x22: {  	s7 =	sadd.s32 @p0 $0x11B8D, s7;
	s8 =	sshll.u32 @p0 s6, $0x11  }
0x23: {  	s7 =	sor.u32 @p0 s8, s7  }
0x24: {  	[sflag:s7] =	ssyncadd.remote.s32 @p0 $0x1;
	_ =	sdelay $0x1  }
0x25: {  	s7 =	simm.s32 @p0 $0x1B8D  }
0x26: {  	_ =	swait.eq @p0 [sflag:s7], $0x1  }
0x27: {  	[sflag:s7] =	ssyncadd.s32 @p0 $0xFFFFFFFF  }
0x28: {  	s8 =	sshll.u32 @!p0 s1, $0xE  }
0x29: {  	s8 =	sor.u32 @!p0 $0x4000, s8;
	s7 =	simm.s32 @!p0 $0x1B8D  }
0x2a: {  	s6 =	sshll.u32 @!p0 s6, $0x11;
	s8 =	sadd.s32 @!p0 $0x11B8D, s8;
	_ =	swait.eq @!p0 [sflag:s7], $0x1  }
0x2b: {  	s6 =	sor.u32 @!p0 s6, s8;
	[sflag:s7] =	ssyncadd.s32 @!p0 $0xFFFFFFFF  }
0x2c: {  	s26 =	simm.s32 $0x1B8E;
	[sflag:s6] =	ssyncadd.remote.s32 @!p0 $0x1  }
0x2d: {  	s27 =	simm.s32 $execute0_lowered;
	[smem:$0x3FD2] =	sst s26  }
0x2e: {  	s6 =	sshll.u32 s27, $0x1;
	_ =	strace $0x80000049;
	[dreg:$0x1] =	wrdreg $0xFFFFFFFF  }
0x2f: {  	s28 =	simm.s32 $_size_execute0_lowered;
	s5 =	sadd.s32 s5, s6;
	[dreg:$0x0] =	wrdreg $0x0  }
0x30: {  	s6 =	sshll.u32 s28, $0x1;
	[dreg:$0x2] =	wrdreg s5  }
0x31: {  	[dreg:$0x3] =	wrdreg s6  }
0x32: {  	[dreg:$0x4] =	wrdreg $0xC0  }
0x33: {  	_ =	task [dreg:s24], $0x5FFFF  }
0x34: {  	[dreg:$0x1] =	wrdreg $0xFFFFFFFF  }
0x35: {  	[dreg:$0x0] =	wrdreg $0x60  }
0x36: {  	[dreg:$0x2] =	wrdreg s20  }
0x37: {  	[dreg:$0x3] =	wrdreg s4  }
0x38: {  	[dreg:$0x4] =	wrdreg $0xA  }
0x39: {  	_ =	task.clear_ibuf [dreg:s24], $0x5FFFF;
	_ =	strace $0x90000049  }
0x3a: {  	s29 =	simm.s32 $0xA;
	_ =	strace $0x8000004B  }
0x3b: {  	_ =	swait.ge [sflag:s29], $0x1  }
0x3c: {  	[sflag:s29] =	ssyncadd.s32 $0xFFFFFFFF  }
0x3d: {  	_ =	strace $0x9000004B  }
0x3e: {  	_ =	sfence  }
0x3f: {  	s30 =	sld [smem:$0x0];
	_ =	sdelay $0x2  }
0x40: {  	s31 =	sshll.u32 s1, $0xD;
	s1 =	sshrl.u32 s1, $0x2  }
0x41: {  	s4 =	sand.u32 $0x4000, s31;
	s1 =	sadd.s32 s1, s30  }
0x42: {  	s0 =	sor.u32 s4, s0;
	s1 =	sshll.u32 s1, $0x11  }
0x43: {  	s0 =	sor.u32 s1, s0  }
0x44: {  	s0 =	sadd.s32 $0x8F2B, s0  }
0x45: {  	[sflag:s0] =	ssyncadd.remote.s32 $0x1  }
0x46: {  	_ =	sfence.sel $0xFFFF  }
0x47: {  	[dreg:$0x0] =	wrdreg $0xFFFFFFFF;
	(pc) =	sbr.abs _section_cstart, $3  }
0x48: {  	[dreg:$0x1] =	wrdreg $0xFFFFFFFF  }
0x49: {  	_ =	task.clear_ibuf [dreg:s24], $0x2FFFF;
	_ =	strace $0x9FFFFFFF  }
0x4a: {  	(tm) =	ssettm $0x7FFFFFFF  }
0x4b: {  	_ =	shalt  }
tec
execute0_lowered:
.L_overlay_start_1:
0x0: {  	(tag) =	ssettag $0x1  }
0x1: {  	s0 =	stileid.u32;
	s3 =	rddreg [dreg:$0x0]  }
0x2: {  	s1 =	srdreg.scid;
	s4 =	rddreg [dreg:$0x1]  }
0x3: {  	s7 =	simm.s32 $0x1;
	s2 =	sshll.u32 s0, $0x5;
	s1 =	sshll.u32 s1, $0x9  }
0x4: {  	s31 =	simm.s32 $0x2;
	s15 =	simm.s32 $0x0;
	s1 =	sor.u32 s2, s1  }
0x5: {  	s9 =	simm.s32 $0x1000;
	s10 =	simm.s32 $0x0;
	s2 =	sand.u32 $0x380, s1  }
0x6: {  	s16 =	simm.s32 $0x0;
	s17 =	simm.s32 $0x0;
	s5 =	ssub.s32 $0x1000, s2  }
0x7: {  	s11 =	simm.s32 $0x0;
	s14 =	simm.s32 $0x0;
	s6 =	sand.u32 $0x380, s5  }
.Ltmp0:
0x8: {  	s1 =	rddreg [dreg:$0x2];
	p0 =	sne.s32 s6, $0x0;
	(pc) =	sbr.rel .LBB1_1-.Ltmp0, $4  }
0x9: {  	_ =	strace $0x8000004A;
	s8 =	sshrl.u32 s5, $0xA;
	s7 =	simm.s32 @!p0 $0x0  }
0xa: {  	s12 =	smov.u32 s2;
	s6 =	simm.s32 $0x1;
	s7 =	sadd.s32 s7, s8  }
0xb: {  	s5 =	sand.u32 $0x3, s0;
	[sflag:s6] =	ssyncpa.u1 $0x0;
	s7 =	sshll.u32 s7, $0x3  }
0xc: {  	s13 =	smov.u32 s5;
	[sflag:s31] =	ssyncpa.u1 $0x0;
	s8 =	sor.u32 $0x1, s7  }
.LBB1_4:
0xd: {  	_ =	sdelay $0x3  }
0xe: {  	[tilespmem:v0+s20+$0xFFFFFFA0 ss:$0x1] =	vst.idx.msk $0xffff, v6  }
0xf: {  	v56 =	vld.idx.msk [tilespmem:v1+s19+$0x30 ss:$0x1], $0xffff;
	[tilespmem:v0+s20+$0xFFFFFFB0 ss:$0x1] =	vst.idx.msk $0xffff, v4  }
0x10: {  	v57 =	vld.idx.msk [tilespmem:v1+s19+$0xFFFFFFC0 ss:$0x1], $0xffff;
	[tilespmem:v0+s20+$0xFFFFFFC0 ss:$0x1] =	vst.idx.msk $0xffff, v2  }
0x11: {  	v58 =	vld.idx.msk [tilespmem:v1+s19+$0xFFFFFFD0 ss:$0x1], $0xffff;
	[tilespmem:v0+s20+$0xFFFFFFD0 ss:$0x1] =	vst.idx.msk $0xffff, v3  }
0x12: {  	v59 =	vld.idx.msk [tilespmem:v1+s19+$0xFFFFFFE0 ss:$0x1], $0xffff;
	[tilespmem:v0+s20+$0xFFFFFFE0 ss:$0x1] =	vst.idx.msk $0xffff, v5  }
0x13: {  	v60 =	vld.idx.msk [tilespmem:v1+s19+$0xFFFFFFF0 ss:$0x1], $0xffff;
	[tilespmem:v0+s20+$0xFFFFFFF0 ss:$0x1] =	vst.idx.msk $0xffff, v7  }
0x14: {  	v61 =	vld.idx.msk [tilespmem:v1+s19+$0x0 ss:$0x1], $0xffff;
	[tilespmem:v0+s19+$0x0 ss:$0x1] =	vst.idx.msk $0xffff, v56  }
0x15: {  	v62 =	vld.idx.msk [tilespmem:v1+s19+$0x10 ss:$0x1], $0xffff;
	[tilespmem:v0+s19+$0xFFFFFF90 ss:$0x1] =	vst.idx.msk $0xffff, v57  }
0x16: {  	s17 =	sshll.u32 s17, $0x7;
	v63 =	vld.idx.msk [tilespmem:v1+s19+$0x20 ss:$0x1], $0xffff;
	s28 =	sand.u32 $0x78, s15;
	s21 =	sshll.u32 s15, $0x2;
	[tilespmem:v0+s19+$0xFFFFFFA0 ss:$0x1] =	vst.idx.msk $0xffff, v58  }
0x17: {  	s16 =	sshll.u32 s16, $0x9;
	s30 =	sshrl.u32 s15, $0x1;
	s17 =	sand.u32 $0x180, s17;
	[tilespmem:v0+s19+$0xFFFFFFB0 ss:$0x1] =	vst.idx.msk $0xffff, v59  }
0x18: {  	s31 =	sand.u32 $0x7, s15;
	s29 =	sand.u32 $0x200, s21;
	s17 =	sor.u32 s17, s28;
	[tilespmem:v0+s19+$0xFFFFFFC0 ss:$0x1] =	vst.idx.msk $0xffff, v60  }
0x19: {  	s20 =	sand.u32 $0x180, s30;
	s16 =	sadd.s32 s4, s16;
	s17 =	sor.u32 s29, s17;
	[tilespmem:v0+s19+$0xFFFFFFD0 ss:$0x1] =	vst.idx.msk $0xffff, v61  }
0x1a: {  	s15 =	sshll.u32 s31, $0x12;
	s16 =	sadd.s32 s20, s16;
	s17 =	sshrl.u32 s17, $0x3;
	[tilespmem:v0+s19+$0xFFFFFFE0 ss:$0x1] =	vst.idx.msk $0xffff, v62  }
0x1b: {  	s15 =	sor.u32 $0x80, s15;
	[tilespmem:v0+s19+$0xFFFFFFF0 ss:$0x1] =	vst.idx.msk $0xffff, v63;
	s16 =	sadd.s32 s17, s16  }
0x1c: {  	[hbm4b:s16+s15] =	stream.strided.scatter [tilespmem:s18], [sflag:$0x2], $0x4000, s9, s15, $0x38;
	[tilespmem:$0x10000] =	vst v63  }
.LBB1_5:
0x1d: {  	s18 =	sadd.s32 $0x80, s11  }
0x1e: {  	s15 =	sadd.s32 $0x400, s12;
	s19 =	smov.u32 s12;
	p1 =	sgt.s32 s18, $0x3FF  }
0x1f: {  	s19 =	smov.u32 @p1 s15  }
0x20: {  	s21 =	smov.u32 s13;
	s15 =	sadd.s32 $0x4, s13;
	p2 =	sgt.s32 s19, $0xFFF  }
0x21: {  	s21 =	smov.u32 @p2 s15  }
0x22: {  	s18 =	simm.s32 @p1 $0x0;
	p1 =	sgt.s32 s21, $0x3  }
0x23: {  	p0 =	slt.u32 s14, $0x2;
	s21 =	smov.u32 @p1 s5;
	p1 =	sne.s32 s14, s8  }
.Ltmp1:
0x24: {  	s20 =	simm.s32 @!p0 $0x2;
	(pc) =	sbr.rel @!p1 .LBB1_6-.Ltmp1, $4  }
0x25: {  	s16 =	smov.u32 s12;
	s17 =	smov.u32 s13;
	_ =	swait.ge @!p0 [sflag:s20], $0x4000  }
0x26: {  	s10 =	sadd.s32 $0x4000, s10;
	[sflag:s20] =	ssyncset.done @!p0 $0x0;
	s19 =	smov.u32 @p2 s2  }
0x27: {  	s15 =	smov.u32 s11;
	[sflag:s20] =	ssyncadd.s32 @!p0 $0xFFFFC000;
	s11 =	smov.u32 s18  }
0x28: {  	s12 =	smov.u32 s19;
	s14 =	sadd.s32 $0x1, s14;
	s13 =	smov.u32 s21  }
.LBB1_1:
0x29: {  	p0 =	sge.u32 s14, s7  }
0x2a: {  	s31 =	sadd.s32 $0xFFFFFFFF, s14;
	s18 =	sshll.u32 @!p0 s12, $0x7  }
0x2b: {  	s19 =	sxor.u32 @!p0 $0xFFFFFFFF, s14;
	s20 =	sand.u32 @!p0 $0x78, s11;
	s21 =	sand.u32 @!p0 $0x380, s18  }
0x2c: {  	s19 =	sshll.u32 @!p0 s19, $0xE;
	s20 =	sor.u32 @!p0 s20, s21;
	s21 =	sshll.u32 @!p0 s13, $0x13  }
0x2d: {  	s18 =	sand.u32 @!p0 $0x7FC00, s18;
	s20 =	sshrl.u32 @!p0 s20, $0x3;
	s21 =	sadd.s32 @!p0 s3, s21  }
0x2e: {  	s18 =	sadd.s32 @!p0 s11, s18;
	s20 =	sadd.s32 @!p0 s20, s21;
	s21 =	sand.u32 @!p0 $0x7, s11  }
0x2f: {  	s19 =	sand.u32 @!p0 $0x4000, s19;
	s18 =	sand.u32 @!p0 $0x7FF80, s18;
	s21 =	sshll.u32 @!p0 s21, $0x12  }
0x30: {  	s18 =	sadd.s32 @!p0 s18, s20;
	s20 =	sor.u32 @!p0 $0x400, s21;
	s21 =	simm.s32 @!p0 $0x2000  }
0x31: {  	[tilespmem:s19], [sflag:$0x1] =	stream.strided.gather @!p0 [hbm4b:s18+s20], $0x4000, s21, s20, $0x38;
	[tilespmem:$0x10000] =	vst v63  }
0x32: {  	p0 =	sge.u32 s31, s7  }
.Ltmp2:
0x33: {  	_ = 	snop;
	(pc) =	sbr.rel @p0 .LBB1_5-.Ltmp2, $1  }
0x34: {  	_ =	sdelay $0x3  }
0x35: {  	s18 =	sand.u32 $0x4000, s10  }
0x36: {  	s19 =	sor.u32 $0x40, s18  }
0x37: {  	v1 =	vmov s19;
	_ =	sdelay $0x1  }
0x38: {  	_ =	swait.ge [sflag:s6], $0x4000  }
0x39: {  	[sflag:s6] =	ssyncset.done $0x0  }
0x3a: {  	s20 =	simm.s32 $0x0;
	[sflag:s6] =	ssyncadd.s32 $0xFFFFC000  }
0x3b: {  	s18 =	sor.u32 $0x8070, s18;
	v7 =	vld.idx.msk [tilespmem:v1+s20+$0x30 ss:$0x1], $0xffff  }
0x3c: {  	v0 =	vmov s18;
	v8 =	vld.idx.msk [tilespmem:v1+s20+$0xFFFFFFC0 ss:$0x1], $0xffff  }
0x3d: {  	v6 =	vld.idx.msk [tilespmem:v1+s20+$0xFFFFFFD0 ss:$0x1], $0xffff  }
0x3e: {  	v4 =	vld.idx.msk [tilespmem:v1+s20+$0xFFFFFFE0 ss:$0x1], $0xffff  }
0x3f: {  	v2 =	vld.idx.msk [tilespmem:v1+s20+$0xFFFFFFF0 ss:$0x1], $0xffff  }
0x40: {  	s31 =	sshll.u32 s14, $0xE;
	v3 =	vld.idx.msk [tilespmem:v1+s20+$0x0 ss:$0x1], $0xffff  }
0x41: {  	s18 =	sand.u32 $0x4000, s31;
	v5 =	vld.idx.msk [tilespmem:v1+s20+$0x10 ss:$0x1], $0xffff;
	[tilespmem:v0+s20+$0x0 ss:$0x1] =	vst.idx.msk $0xffff, v7  }
0x42: {  	s21 =	simm.s32 $0x400;
	s19 =	simm.s32 $0x80;
	s18 =	sor.u32 $0x8000, s18;
	[tilespmem:v0+s20+$0xFFFFFF90 ss:$0x1] =	vst.idx.msk $0xffff, v8;
	v7 =	vld.idx.msk [tilespmem:v1+s20+$0x20 ss:$0x1], $0xffff  }
.LBB1_3:
0x43: {  	p0 =	sne.s32 s21, $0xFE00;
	v8 =	vld.idx.msk [tilespmem:v1+s19+$0x30 ss:$0x1], $0xffff;
	[tilespmem:v0+s20+$0xFFFFFFA0 ss:$0x1] =	vst.idx.msk $0xffff, v6  }
0x44: {  	v9 =	vld.idx.msk [tilespmem:v1+s19+$0xFFFFFFC0 ss:$0x1], $0xffff;
	[tilespmem:v0+s20+$0xFFFFFFB0 ss:$0x1] =	vst.idx.msk $0xffff, v4  }
0x45: {  	v6 =	vld.idx.msk [tilespmem:v1+s19+$0xFFFFFFD0 ss:$0x1], $0xffff;
	[tilespmem:v0+s20+$0xFFFFFFC0 ss:$0x1] =	vst.idx.msk $0xffff, v2  }
.Ltmp3:
0x46: {  	v4 =	vld.idx.msk [tilespmem:v1+s19+$0xFFFFFFE0 ss:$0x1], $0xffff;
	[tilespmem:v0+s20+$0xFFFFFFD0 ss:$0x1] =	vst.idx.msk $0xffff, v3;
	(pc) =	sbr.rel @p0 .LBB1_3-.Ltmp3, $4  }
0x47: {  	v2 =	vld.idx.msk [tilespmem:v1+s19+$0xFFFFFFF0 ss:$0x1], $0xffff;
	[tilespmem:v0+s20+$0xFFFFFFE0 ss:$0x1] =	vst.idx.msk $0xffff, v5  }
0x48: {  	v3 =	vld.idx.msk [tilespmem:v1+s19+$0x0 ss:$0x1], $0xffff;
	[tilespmem:v0+s20+$0xFFFFFFF0 ss:$0x1] =	vst.idx.msk $0xffff, v7;
	s20 =	smov.u32 s19  }
0x49: {  	v5 =	vld.idx.msk [tilespmem:v1+s20+$0x10 ss:$0x1], $0xffff;
	[tilespmem:v0+s20+$0x0 ss:$0x1] =	vst.idx.msk $0xffff, v8  }
0x4a: {  	s19 =	sshra.s32 s21, $0x2;
	s21 =	sadd.s32 $0x200, s21;
	[tilespmem:v0+s20+$0xFFFFFF90 ss:$0x1] =	vst.idx.msk $0xffff, v9;
	v7 =	vld.idx.msk [tilespmem:v1+s20+$0x20 ss:$0x1], $0xffff  }
.Ltmp4:
0x4b: {  	_ = 	snop;
	(pc) =	sbr.rel .LBB1_4-.Ltmp4, $1  }
0x4c: {  	_ =	sdelay $0x3  }
.LBB1_6:
0x4d: {  	_ =	sfence.sel $0x180000  }
0x4e: {  	s2 =	simm.s32 $0x1;
	[bflag:$0x0] =	sbarrier.arrive $0xFFFF  }
0x4f: {  	s31 =	simm.s32 $0x2;
	[sflag:s2] =	ssyncpa.u1 $0x1  }
0x50: {  	[sflag:s31] =	ssyncpa.u1 $0x1  }
0x51: {  	p0 =	sne.s32 s0, $0x0;
	_ =	strace $0x9000004A  }
0x52: {  	s0 =	sadd.s32 @!p0 $0x100000, s1;
	[bflag:$0x2] =	sbarrier.arrive $0xFFFF  }
0x53: {  	[sflag:s0] =	ssyncadd.tile.s32 @!p0 $0x1;
	_ =	shalt  }
.Lfunc_end1:
_tile_overlayer_lowered:
.L_overlay_start_2:
0x54: {  	(tag) =	ssettag $0x2  }
0x55: {  	s0 =	rddreg [dreg:$0x0];
	s2 =	stileid.u32  }
0x56: {  	s1 =	rddreg [dreg:$0x1];
	p0 =	sne.s32 s2, $0x0  }
0x57: {  	s3 =	rddreg [dreg:$0x2];
	[bflag:$0x3] =	sbarrier.arrive $0xFFFF;
	s2 =	simm.s32 @!p0 $0x1C01  }
0x58: {  	[timem:s3], [sflag:s2] =	dma.local @!p0 [hbm:s0], s1  }
0x59: {  	s0 =	simm.s32 @!p0 $0x1  }
0x5a: {  	_ =	swait.ge @!p0 [sflag:s0], s1  }
0x5b: {  	s1 =	ssub.s32 @!p0 $0x0, s1;
	[sflag:s0] =	ssyncset.done @!p0 $0x0  }
0x5c: {  	[sflag:s0] =	ssyncadd.s32 @!p0 s1  }
0x5d: {  	[bflag:$0x3] =	sbarrier.arrive $0xFFFF  }
0x5e: {  	_ =	shalt  }

// kernel: sparse-core-data-format-call.cloned.1.call-start
scs
called_computation_lowered:
.L_overlay_start_0:
0x0: {  	s2 =	sld [smem:$0x3FD9]  }
0x1: {  	s3 =	sld [smem:$0x3FFE];
	_ =	sdelay $0x1  }
0x2: {  	s1 =	srdreg.scid  }
0x3: {  	s0 =	sand.u32 $0x1, s1  }
0x4: {  	s18 =	sshll.u32 s0, $0xA;
	s2 =	sadd.s32 s3, s2  }
0x5: {  	s2 =	sadd.s32 s2, s18  }
0x6: {  	[smem:$0x3FC6] =	sst s2  }
0x7: {  	_ = 	snop  }
0x8: {  	s2 =	sld [smem:$0x3FD0];
	(tm) =	ssettm $0x1  }
0x9: {  	s19 =	sld [smem:$0x3FFB];
	_ =	sdelay $0x3  }
0xa: {  	_ =	strace s19  }
0xb: {  	s3 =	sld [smem:$0x3FFC];
	_ =	sdelay $0x3  }
0xc: {  	_ =	strace s3  }
0xd: {  	s3 =	sld [smem:$0x3FFD];
	_ =	sdelay $0x3  }
0xe: {  	_ =	strace s3  }
0xf: {  	_ =	strace $0x8FFFFFFF  }
0x10: {  	s20 =	sld [smem:$0x3FDB];
	_ =	sdelay $0x1  }
0x11: {  	s4 =	simm.s32 $_scs_section_size  }
0x12: {  	s5 =	simm.s32 $_size__tile_overlayer_lowered;
	s6 =	simm.s32 $_tile_overlayer_lowered  }
0x13: {  	s23 =	simm.s32 $0x1BFF;
	s22 =	sshll.u32 s6, $0x1;
	s3 =	sadd.s32 s4, s20  }
0x14: {  	s7 =	simm.s32 $0x0;
	s21 =	sshll.u32 s5, $0x1;
	s5 =	sadd.s32 s22, s3  }
0x15: {  	[timem:s7], [sflag:s23] =	dma.local [hbm:s5], s21  }
0x16: {  	_ =	swait.ge [sflag:s23], s21  }
0x17: {  	s4 =	ssub.s32 $0x0, s21;
	[sflag:s23] =	ssyncset.done $0x0  }
0x18: {  	[sflag:s23] =	ssyncadd.s32 s4;
	_ =	sdelay $0x1  }
0x19: {  	s24 =	simm.s32 $0x1B8B  }
0x1a: {  	_ =	swait.ge [sflag:s24], $0x1  }
0x1b: {  	[sflag:s24] =	ssyncset.done $0x0  }
0x1c: {  	s26 =	simm.s32 $0x1B8E;
	s25 =	sld [smem:$0x3FFE];
	[sflag:s24] =	ssyncadd.s32 $0xFFFFFFFF  }
0x1d: {  	s27 =	simm.s32 $execute0_lowered;
	[smem:$0x3FD2] =	sst s26  }
0x1e: {  	s5 =	sshll.u32 s27, $0x1;
	_ =	strace $0x8000004F;
	[dreg:$0x1] =	wrdreg $0xFFFFFFFF  }
0x1f: {  	s28 =	simm.s32 $_size_execute0_lowered;
	s3 =	sadd.s32 s3, s5;
	[dreg:$0x0] =	wrdreg $0x0  }
0x20: {  	s5 =	sshll.u32 s28, $0x1;
	[dreg:$0x2] =	wrdreg s3  }
0x21: {  	[dreg:$0x3] =	wrdreg s5  }
0x22: {  	[dreg:$0x4] =	wrdreg $0xC0  }
0x23: {  	_ =	task [dreg:s7], $0x5FFFF  }
0x24: {  	[dreg:$0x1] =	wrdreg $0xFFFFFFFF  }
0x25: {  	[dreg:$0x0] =	wrdreg $0x60  }
0x26: {  	[dreg:$0x2] =	wrdreg s25  }
0x27: {  	[dreg:$0x3] =	wrdreg s2  }
0x28: {  	[dreg:$0x4] =	wrdreg $0x9  }
0x29: {  	_ =	task.clear_ibuf [dreg:s7], $0x5FFFF;
	_ =	strace $0x9000004F  }
0x2a: {  	s29 =	simm.s32 $0x9;
	_ =	strace $0x80000051  }
0x2b: {  	_ =	swait.ge [sflag:s29], $0x1  }
0x2c: {  	[sflag:s29] =	ssyncadd.s32 $0xFFFFFFFF  }
0x2d: {  	_ =	strace $0x90000051  }
0x2e: {  	_ =	sfence  }
0x2f: {  	s30 =	sld [smem:$0x0];
	_ =	sdelay $0x2  }
0x30: {  	s31 =	sshll.u32 s1, $0xD;
	s1 =	sshrl.u32 s1, $0x2  }
0x31: {  	s3 =	sand.u32 $0x4000, s31;
	s1 =	sadd.s32 s1, s30  }
0x32: {  	s0 =	sor.u32 s3, s0;
	s1 =	sshll.u32 s1, $0x11  }
0x33: {  	s0 =	sor.u32 s1, s0  }
0x34: {  	s0 =	sadd.s32 $0x8F2B, s0  }
0x35: {  	[sflag:s0] =	ssyncadd.remote.s32 $0x1  }
0x36: {  	_ =	sfence.sel $0xFFFF  }
0x37: {  	[dreg:$0x0] =	wrdreg $0xFFFFFFFF;
	(pc) =	sbr.abs _section_cstart, $3  }
0x38: {  	[dreg:$0x1] =	wrdreg $0xFFFFFFFF  }
0x39: {  	_ =	task.clear_ibuf [dreg:s7], $0x2FFFF;
	_ =	strace $0x9FFFFFFF  }
0x3a: {  	(tm) =	ssettm $0x7FFFFFFF  }
0x3b: {  	_ =	shalt  }
tec
execute0_lowered:
.L_overlay_start_1:
0x0: {  	(tag) =	ssettag $0x1  }
0x1: {  	s5 =	rddreg [dreg:$0x0]  }
0x2: {  	s0 =	srdreg.scid;
	s3 =	rddreg [dreg:$0x1];
	s7 =	simm.s32 $0x1  }
0x3: {  	s8 =	simm.s32 $0x2;
	s14 =	simm.s32 $0x0;
	s1 =	sshll.u32 s0, $0x4  }
0x4: {  	s9 =	simm.s32 $0x0;
	s0 =	stileid.u32;
	s1 =	sand.u32 $0x10, s1  }
0x5: {  	s15 =	simm.s32 $0x0;
	s16 =	simm.s32 $0x0;
	s1 =	sor.u32 s0, s1  }
0x6: {  	s10 =	simm.s32 $0x0;
	s11 =	simm.s32 $0x0;
	s2 =	sshll.u32 s1, $0x3  }
0x7: {  	s13 =	simm.s32 $0x0;
	s5 =	sadd.s32 $0x101000, s5;
	s6 =	ssub.s32 $0x1000, s2  }
.Ltmp0:
0x8: {  	s1 =	rddreg [dreg:$0x2];
	s4 =	sand.u32 $0xF8, s6;
	(pc) =	sbr.rel .LBB1_1-.Ltmp0, $4  }
0x9: {  	_ =	strace $0x80000050;
	p0 =	sne.s32 s4, $0x0;
	s4 =	simm.s32 $0x1  }
0xa: {  	s6 =	sshrl.u32 s6, $0x8;
	s7 =	simm.s32 @!p0 $0x0;
	[sflag:s4] =	ssyncpa.u1 $0x0  }
0xb: {  	s12 =	smov.u32 s2;
	s7 =	sadd.s32 s7, s6;
	[sflag:s8] =	ssyncpa.u1 $0x0  }
0xc: {  	s8 =	simm.s32 $0x400000;
	s6 =	sshll.u32 s7, $0x1;
	s7 =	sshllo.u32 s7, $0x1  }
.LBB1_7:
0xd: {  	s17 =	sadd.s32 $0x200, s10  }
0xe: {  	s14 =	sadd.s32 $0x4, s11;
	s18 =	smov.u32 s11;
	p1 =	sgt.s32 s17, $0x3FF  }
0xf: {  	s18 =	smov.u32 @p1 s14  }
0x10: {  	s20 =	smov.u32 s12;
	s14 =	sadd.s32 $0x100, s12;
	p2 =	sgt.s32 s18, $0x3  }
0x11: {  	s20 =	smov.u32 @p2 s14  }
0x12: {  	s17 =	simm.s32 @p1 $0x0;
	p1 =	sgt.s32 s20, $0xFFF  }
0x13: {  	p0 =	slt.u32 s13, $0x2;
	s20 =	smov.u32 @p1 s2;
	p1 =	sne.s32 s13, s7  }
.Ltmp1:
0x14: {  	s19 =	simm.s32 @!p0 $0x2;
	(pc) =	sbr.rel @!p1 .LBB1_8-.Ltmp1, $4  }
0x15: {  	s15 =	smov.u32 s11;
	s16 =	smov.u32 s12;
	_ =	swait.ge @!p0 [sflag:s19], $0x4000  }
0x16: {  	s9 =	sadd.s32 $0x4000, s9;
	[sflag:s19] =	ssyncset.done @!p0 $0x0;
	s18 =	simm.s32 @p2 $0x0  }
0x17: {  	s14 =	smov.u32 s10;
	[sflag:s19] =	ssyncadd.s32 @!p0 $0xFFFFC000;
	s10 =	smov.u32 s17  }
0x18: {  	s11 =	smov.u32 s18;
	s13 =	sadd.s32 $0x1, s13;
	s12 =	smov.u32 s20  }
.LBB1_1:
0x19: {  	p0 =	sge.u32 s13, s6  }
0x1a: {  	s17 =	sshll.u32 @!p0 s11, $0x7  }
0x1b: {  	s18 =	sand.u32 @!p0 $0x78, s10;
	s19 =	sshll.u32 @!p0 s10, $0x2;
	s17 =	sand.u32 @!p0 $0x180, s17  }
0x1c: {  	s31 =	sadd.s32 $0xFFFFFFFF, s13;
	s19 =	sand.u32 @!p0 $0x200, s19;
	s17 =	sor.u32 @!p0 s17, s18  }
0x1d: {  	s18 =	sshll.u32 @!p0 s12, $0x9;
	s17 =	sor.u32 @!p0 s19, s17;
	s19 =	sshrl.u32 @!p0 s10, $0x1  }
0x1e: {  	s20 =	sxor.u32 @!p0 $0xFFFFFFFF, s13;
	s18 =	sadd.s32 @!p0 s5, s18;
	s19 =	sand.u32 @!p0 $0x180, s19  }
0x1f: {  	s20 =	sshll.u32 @!p0 s20, $0xE;
	s18 =	sadd.s32 @!p0 s19, s18;
	s19 =	sand.u32 @!p0 $0x7, s10  }
0x20: {  	s20 =	sand.u32 @!p0 $0x4000, s20;
	s17 =	sshrl.u32 @!p0 s17, $0x3;
	s19 =	sshll.u32 @!p0 s19, $0x12  }
0x21: {  	s17 =	sadd.s32 @!p0 s17, s18;
	s18 =	sor.u32 @!p0 $0x800, s19;
	s19 =	simm.s32 @!p0 $0x1000  }
0x22: {  	[tilespmem:s20], [sflag:$0x1] =	stream.strided.gather @!p0 [hbm4b:s17+s18], $0x4000, s19, s18, $0x38;
	[tilespmem:$0x10000] =	vst v63  }
0x23: {  	p0 =	sge.u32 s31, s6  }
.Ltmp2:
0x24: {  	_ = 	snop;
	(pc) =	sbr.rel @p0 .LBB1_7-.Ltmp2, $1  }
0x25: {  	_ =	sdelay $0x3  }
0x26: {  	s17 =	sshll.u32 s9, $0x2;
	_ =	swait.ge [sflag:s4], $0x4000;
	s31 =	sshll.u32 s13, $0xE  }
0x27: {  	s21 =	simm.s32 $0x0;
	s22 =	simm.s32 $0x0;
	s17 =	sand.u32 $0x10000, s17  }
0x28: {  	s23 =	simm.s32 $0x0;
	[sflag:s4] =	ssyncset.done $0x0;
	s20 =	sshrl.u32 s17, $0x2  }
0x29: {  	s17 =	sand.u32 $0x4000, s31;
	[sflag:s4] =	ssyncadd.s32 $0xFFFFC000;
	s18 =	sor.u32 $0x400, s20  }
0x2a: {  	s19 =	sor.u32 $0x8000, s20;
	s17 =	sor.u32 $0x8000, s17;
	s20 =	sadd.s32 $0x8C00, s20  }
.LBB1_3:
0x2b: {  	v0 =	vmov s19;
	v1 =	vld [tilespmem:s18+$0x270]  }
0x2c: {  	v2 =	vld [tilespmem:s18+$0xFFFFFC10]  }
0x2d: {  	v3 =	vld [tilespmem:s18+$0xFFFFFC20]  }
0x2e: {  	s24 =	sshll.u32 s22, $0x2;
	s25 =	sand.u32 $0x3, s21;
	v4 =	vld [tilespmem:s18+$0xFFFFFC30]  }
0x2f: {  	v5 =	vld [tilespmem:s18+$0xFFFFFC40];
	s26 =	sand.u32 $0xFFFFF800, s24;
	s25 =	sshll.u32 s25, $0x9;
	s24 =	simm.s32 $0x0  }
0x30: {  	v6 =	vld [tilespmem:s18+$0xFFFFFC50];
	s25 =	sor.u32 s25, s26;
	[tilespmem:v0+s24+$0xC70 ss:$0x1] =	vst.idx.msk $0xffff, v1  }
0x31: {  	v7 =	vld [tilespmem:s18+$0x220];
	s25 =	sshrl.u32 s25, $0x2;
	[tilespmem:v0+s24+$0x10 ss:$0x1] =	vst.idx.msk $0xffff, v2  }
0x32: {  	v8 =	vld [tilespmem:s18+$0x230];
	s25 =	sadd.s32 s25, s20;
	[tilespmem:v0+s24+$0x20 ss:$0x1] =	vst.idx.msk $0xffff, v3  }
0x33: {  	v1 =	vmov s25;
	[tilespmem:v0+s24+$0x30 ss:$0x1] =	vst.idx.msk $0xffff, v4;
	v4 =	vld [tilespmem:s18+$0xFFFFFE00]  }
0x34: {  	[tilespmem:v0+s24+$0x40 ss:$0x1] =	vst.idx.msk $0xffff, v5;
	v5 =	vld [tilespmem:s18+$0xFFFFFE10]  }
0x35: {  	[tilespmem:v0+s24+$0x50 ss:$0x1] =	vst.idx.msk $0xffff, v6;
	v6 =	vld [tilespmem:s18+$0xFFFFFE20]  }
0x36: {  	v2 =	vld [tilespmem:s18+$0xFFFFFC60];
	[tilespmem:v0+s24+$0xC20 ss:$0x1] =	vst.idx.msk $0xffff, v7  }
0x37: {  	v3 =	vld [tilespmem:s18+$0xFFFFFC70];
	[tilespmem:v0+s24+$0xC30 ss:$0x1] =	vst.idx.msk $0xffff, v8  }
0x38: {  	[tilespmem:v1+s24+$0xFFFFF800 ss:$0x1] =	vst.idx.msk $0xffff, v4;
	v4 =	vld [tilespmem:s18+$0xFFFFFE50]  }
0x39: {  	[tilespmem:v0+s24+$0x410 ss:$0x1] =	vst.idx.msk $0xffff, v5;
	v5 =	vld [tilespmem:s18+$0xFFFFFE60]  }
0x3a: {  	[tilespmem:v0+s24+$0x420 ss:$0x1] =	vst.idx.msk $0xffff, v6;
	v6 =	vld [tilespmem:s18+$0xFFFFFE70]  }
0x3b: {  	[tilespmem:v0+s24+$0x60 ss:$0x1] =	vst.idx.msk $0xffff, v2;
	v2 =	vld [tilespmem:s18+$0xFFFFFE30]  }
0x3c: {  	[tilespmem:v0+s24+$0x70 ss:$0x1] =	vst.idx.msk $0xffff, v3;
	v3 =	vld [tilespmem:s18+$0xFFFFFE40]  }
0x3d: {  	[tilespmem:v0+s24+$0x450 ss:$0x1] =	vst.idx.msk $0xffff, v4;
	v4 =	vld [tilespmem:s18+$0x20]  }
0x3e: {  	[tilespmem:v0+s24+$0x460 ss:$0x1] =	vst.idx.msk $0xffff, v5;
	v5 =	vld [tilespmem:s18+$0x30]  }
0x3f: {  	[tilespmem:v0+s24+$0x470 ss:$0x1] =	vst.idx.msk $0xffff, v6;
	v6 =	vld [tilespmem:s18+$0x40]  }
0x40: {  	[tilespmem:v0+s24+$0x430 ss:$0x1] =	vst.idx.msk $0xffff, v2;
	v2 =	vld [tilespmem:s18+$0x0]  }
0x41: {  	[tilespmem:v0+s24+$0x440 ss:$0x1] =	vst.idx.msk $0xffff, v3;
	v3 =	vld [tilespmem:s18+$0x10]  }
0x42: {  	[tilespmem:v0+s24+$0x820 ss:$0x1] =	vst.idx.msk $0xffff, v4;
	v4 =	vld [tilespmem:s18+$0x70]  }
0x43: {  	[tilespmem:v0+s24+$0x830 ss:$0x1] =	vst.idx.msk $0xffff, v5;
	v5 =	vld [tilespmem:s18+$0x200]  }
0x44: {  	[tilespmem:v0+s24+$0x840 ss:$0x1] =	vst.idx.msk $0xffff, v6;
	v6 =	vld [tilespmem:s18+$0x210]  }
0x45: {  	[tilespmem:v1+s24+$0xFFFFFC00 ss:$0x1] =	vst.idx.msk $0xffff, v2;
	v2 =	vld [tilespmem:s18+$0x50]  }
0x46: {  	[tilespmem:v0+s24+$0x810 ss:$0x1] =	vst.idx.msk $0xffff, v3;
	v3 =	vld [tilespmem:s18+$0x60]  }
0x47: {  	[tilespmem:v0+s24+$0x870 ss:$0x1] =	vst.idx.msk $0xffff, v4;
	v4 =	vld [tilespmem:s18+$0x240]  }
0x48: {  	[tilespmem:v1+s24+$0x0 ss:$0x1] =	vst.idx.msk $0xffff, v5;
	v5 =	vld [tilespmem:s18+$0x250]  }
0x49: {  	[tilespmem:v0+s24+$0xC10 ss:$0x1] =	vst.idx.msk $0xffff, v6;
	v6 =	vld [tilespmem:s18+$0x260]  }
0x4a: {  	s25 =	sadd.s32 $0x80, s18;
	[tilespmem:v0+s24+$0x850 ss:$0x1] =	vst.idx.msk $0xffff, v2;
	v2 =	vld [tilespmem:s18+$0xFFFFFC00]  }
0x4b: {  	s27 =	simm.s32 $0x8000;
	s26 =	simm.s32 $0x4000;
	[tilespmem:v0+s24+$0x860 ss:$0x1] =	vst.idx.msk $0xffff, v3;
	v3 =	vld [tilespmem:s25+$0x270]  }
.LBB1_4:
0x4c: {  	p0 =	sne.s32 s27, $0xC000;
	v7 =	vld [tilespmem:s25+$0xFFFFFC10];
	[tilespmem:v0+s24+$0xC40 ss:$0x1] =	vst.idx.msk $0xffff, v4  }
0x4d: {  	v4 =	vld [tilespmem:s25+$0xFFFFFC20];
	[tilespmem:v0+s24+$0xC50 ss:$0x1] =	vst.idx.msk $0xffff, v5  }
0x4e: {  	v5 =	vld [tilespmem:s25+$0xFFFFFC30];
	[tilespmem:v0+s24+$0xC60 ss:$0x1] =	vst.idx.msk $0xffff, v6  }
0x4f: {  	v6 =	vld [tilespmem:s25+$0xFFFFFC40];
	[tilespmem:v0+s24+$0x0 ss:$0x1] =	vst.idx.msk $0xffff, v2;
	s24 =	sshra.s32 s26, $0x2;
	s26 =	smov.u32 s27  }
0x50: {  	v2 =	vld [tilespmem:s25+$0xFFFFFC50];
	[tilespmem:v0+s24+$0xC70 ss:$0x1] =	vst.idx.msk $0xffff, v3  }
0x51: {  	[tilespmem:v0+s24+$0x10 ss:$0x1] =	vst.idx.msk $0xffff, v7;
	v3 =	vld [tilespmem:s25+$0xFFFFFC60]  }
0x52: {  	[tilespmem:v0+s24+$0x20 ss:$0x1] =	vst.idx.msk $0xffff, v4;
	v4 =	vld [tilespmem:s25+$0xFFFFFC70]  }
0x53: {  	[tilespmem:v0+s24+$0x30 ss:$0x1] =	vst.idx.msk $0xffff, v5;
	v5 =	vld [tilespmem:s25+$0xFFFFFE00]  }
0x54: {  	[tilespmem:v0+s24+$0x40 ss:$0x1] =	vst.idx.msk $0xffff, v6;
	v6 =	vld [tilespmem:s25+$0xFFFFFE10]  }
0x55: {  	[tilespmem:v0+s24+$0x50 ss:$0x1] =	vst.idx.msk $0xffff, v2;
	v2 =	vld [tilespmem:s25+$0xFFFFFE20]  }
0x56: {  	[tilespmem:v0+s24+$0x60 ss:$0x1] =	vst.idx.msk $0xffff, v3;
	v3 =	vld [tilespmem:s25+$0xFFFFFE30]  }
0x57: {  	[tilespmem:v0+s24+$0x70 ss:$0x1] =	vst.idx.msk $0xffff, v4;
	v4 =	vld [tilespmem:s25+$0xFFFFFE40]  }
0x58: {  	[tilespmem:v1+s24+$0xFFFFF800 ss:$0x1] =	vst.idx.msk $0xffff, v5;
	v5 =	vld [tilespmem:s25+$0xFFFFFE50]  }
0x59: {  	[tilespmem:v0+s24+$0x410 ss:$0x1] =	vst.idx.msk $0xffff, v6;
	v6 =	vld [tilespmem:s25+$0xFFFFFE60]  }
0x5a: {  	[tilespmem:v0+s24+$0x420 ss:$0x1] =	vst.idx.msk $0xffff, v2;
	v2 =	vld [tilespmem:s25+$0xFFFFFE70]  }
0x5b: {  	[tilespmem:v0+s24+$0x430 ss:$0x1] =	vst.idx.msk $0xffff, v3;
	v3 =	vld [tilespmem:s25+$0x0]  }
0x5c: {  	[tilespmem:v0+s24+$0x440 ss:$0x1] =	vst.idx.msk $0xffff, v4;
	v4 =	vld [tilespmem:s25+$0x10]  }
0x5d: {  	[tilespmem:v0+s24+$0x450 ss:$0x1] =	vst.idx.msk $0xffff, v5;
	v5 =	vld [tilespmem:s25+$0x20]  }
0x5e: {  	[tilespmem:v0+s24+$0x460 ss:$0x1] =	vst.idx.msk $0xffff, v6;
	v6 =	vld [tilespmem:s25+$0x30]  }
0x5f: {  	[tilespmem:v0+s24+$0x470 ss:$0x1] =	vst.idx.msk $0xffff, v2;
	v2 =	vld [tilespmem:s25+$0x40]  }
0x60: {  	[tilespmem:v1+s24+$0xFFFFFC00 ss:$0x1] =	vst.idx.msk $0xffff, v3;
	v3 =	vld [tilespmem:s25+$0x50]  }
0x61: {  	[tilespmem:v0+s24+$0x810 ss:$0x1] =	vst.idx.msk $0xffff, v4;
	v4 =	vld [tilespmem:s25+$0x60]  }
0x62: {  	[tilespmem:v0+s24+$0x820 ss:$0x1] =	vst.idx.msk $0xffff, v5;
	v5 =	vld [tilespmem:s25+$0x70]  }
0x63: {  	[tilespmem:v0+s24+$0x830 ss:$0x1] =	vst.idx.msk $0xffff, v6;
	v6 =	vld [tilespmem:s25+$0x200]  }
0x64: {  	[tilespmem:v0+s24+$0x840 ss:$0x1] =	vst.idx.msk $0xffff, v2;
	v2 =	vld [tilespmem:s25+$0x210]  }
0x65: {  	[tilespmem:v0+s24+$0x850 ss:$0x1] =	vst.idx.msk $0xffff, v3;
	v3 =	vld [tilespmem:s25+$0x220]  }
0x66: {  	[tilespmem:v0+s24+$0x860 ss:$0x1] =	vst.idx.msk $0xffff, v4;
	v7 =	vld [tilespmem:s25+$0x230]  }
.Ltmp3:
0x67: {  	[tilespmem:v0+s24+$0x870 ss:$0x1] =	vst.idx.msk $0xffff, v5;
	v4 =	vld [tilespmem:s25+$0x240];
	(pc) =	sbr.rel @p0 .LBB1_4-.Ltmp3, $4  }
0x68: {  	[tilespmem:v1+s24+$0x0 ss:$0x1] =	vst.idx.msk $0xffff, v6;
	v5 =	vld [tilespmem:s25+$0x250]  }
0x69: {  	[tilespmem:v0+s24+$0xC10 ss:$0x1] =	vst.idx.msk $0xffff, v2;
	v6 =	vld [tilespmem:s25+$0x260]  }
0x6a: {  	v2 =	vld [tilespmem:s25+$0xFFFFFC00];
	[tilespmem:v0+s24+$0xC20 ss:$0x1] =	vst.idx.msk $0xffff, v3;
	s25 =	sadd.s32 $0x80, s25  }
0x6b: {  	s27 =	sadd.s32 $0x4000, s27;
	v3 =	vld [tilespmem:s25+$0x270];
	[tilespmem:v0+s24+$0xC30 ss:$0x1] =	vst.idx.msk $0xffff, v7  }
0x6c: {  	_ =	sdelay $0x3  }
0x6d: {  	v7 =	vld [tilespmem:s25+$0xFFFFFC10];
	[tilespmem:v0+s24+$0xC40 ss:$0x1] =	vst.idx.msk $0xffff, v4  }
0x6e: {  	v34 =	vld [tilespmem:s25+$0xFFFFFC20];
	[tilespmem:v0+s24+$0xC50 ss:$0x1] =	vst.idx.msk $0xffff, v5  }
0x6f: {  	v35 =	vld [tilespmem:s25+$0xFFFFFC30];
	[tilespmem:v0+s24+$0xC60 ss:$0x1] =	vst.idx.msk $0xffff, v6  }
0x70: {  	s26 =	sshra.s32 s26, $0x2;
	v36 =	vld [tilespmem:s25+$0xFFFFFC40];
	[tilespmem:v0+s24+$0x0 ss:$0x1] =	vst.idx.msk $0xffff, v2  }
0x71: {  	v37 =	vld [tilespmem:s25+$0xFFFFFC50];
	[tilespmem:v0+s26+$0xC70 ss:$0x1] =	vst.idx.msk $0xffff, v3  }
0x72: {  	v38 =	vld [tilespmem:s25+$0xFFFFFC60];
	[tilespmem:v0+s26+$0x10 ss:$0x1] =	vst.idx.msk $0xffff, v7  }
0x73: {  	v39 =	vld [tilespmem:s25+$0xFFFFFC70];
	[tilespmem:v0+s26+$0x20 ss:$0x1] =	vst.idx.msk $0xffff, v34  }
0x74: {  	v40 =	vld [tilespmem:s25+$0xFFFFFE00];
	[tilespmem:v0+s26+$0x30 ss:$0x1] =	vst.idx.msk $0xffff, v35  }
0x75: {  	v41 =	vld [tilespmem:s25+$0xFFFFFE10];
	[tilespmem:v0+s26+$0x40 ss:$0x1] =	vst.idx.msk $0xffff, v36  }
0x76: {  	v42 =	vld [tilespmem:s25+$0xFFFFFE20];
	[tilespmem:v0+s26+$0x50 ss:$0x1] =	vst.idx.msk $0xffff, v37  }
0x77: {  	v43 =	vld [tilespmem:s25+$0xFFFFFE30];
	[tilespmem:v0+s26+$0x60 ss:$0x1] =	vst.idx.msk $0xffff, v38  }
0x78: {  	v44 =	vld [tilespmem:s25+$0xFFFFFE40];
	[tilespmem:v0+s26+$0x70 ss:$0x1] =	vst.idx.msk $0xffff, v39  }
0x79: {  	v45 =	vld [tilespmem:s25+$0xFFFFFE50];
	[tilespmem:v1+s26+$0xFFFFF800 ss:$0x1] =	vst.idx.msk $0xffff, v40  }
0x7a: {  	v46 =	vld [tilespmem:s25+$0xFFFFFE60];
	[tilespmem:v0+s26+$0x410 ss:$0x1] =	vst.idx.msk $0xffff, v41  }
0x7b: {  	v47 =	vld [tilespmem:s25+$0xFFFFFE70];
	[tilespmem:v0+s26+$0x420 ss:$0x1] =	vst.idx.msk $0xffff, v42  }
0x7c: {  	v48 =	vld [tilespmem:s25+$0x0];
	[tilespmem:v0+s26+$0x430 ss:$0x1] =	vst.idx.msk $0xffff, v43  }
0x7d: {  	v49 =	vld [tilespmem:s25+$0x10];
	[tilespmem:v0+s26+$0x440 ss:$0x1] =	vst.idx.msk $0xffff, v44  }
0x7e: {  	v50 =	vld [tilespmem:s25+$0x20];
	[tilespmem:v0+s26+$0x450 ss:$0x1] =	vst.idx.msk $0xffff, v45  }
0x7f: {  	v51 =	vld [tilespmem:s25+$0x30];
	[tilespmem:v0+s26+$0x460 ss:$0x1] =	vst.idx.msk $0xffff, v46  }
0x80: {  	v52 =	vld [tilespmem:s25+$0x40];
	[tilespmem:v0+s26+$0x470 ss:$0x1] =	vst.idx.msk $0xffff, v47  }
0x81: {  	v53 =	vld [tilespmem:s25+$0x50];
	[tilespmem:v1+s26+$0xFFFFFC00 ss:$0x1] =	vst.idx.msk $0xffff, v48  }
0x82: {  	v54 =	vld [tilespmem:s25+$0x60];
	[tilespmem:v0+s26+$0x810 ss:$0x1] =	vst.idx.msk $0xffff, v49  }
0x83: {  	v55 =	vld [tilespmem:s25+$0x70];
	[tilespmem:v0+s26+$0x820 ss:$0x1] =	vst.idx.msk $0xffff, v50  }
0x84: {  	v56 =	vld [tilespmem:s25+$0x200];
	[tilespmem:v0+s26+$0x830 ss:$0x1] =	vst.idx.msk $0xffff, v51  }
0x85: {  	v57 =	vld [tilespmem:s25+$0x210];
	[tilespmem:v0+s26+$0x840 ss:$0x1] =	vst.idx.msk $0xffff, v52  }
0x86: {  	v58 =	vld [tilespmem:s25+$0x220];
	[tilespmem:v0+s26+$0x850 ss:$0x1] =	vst.idx.msk $0xffff, v53  }
0x87: {  	v59 =	vld [tilespmem:s25+$0x230];
	[tilespmem:v0+s26+$0x860 ss:$0x1] =	vst.idx.msk $0xffff, v54  }
0x88: {  	v60 =	vld [tilespmem:s25+$0x240];
	[tilespmem:v0+s26+$0x870 ss:$0x1] =	vst.idx.msk $0xffff, v55  }
0x89: {  	v61 =	vld [tilespmem:s25+$0x250];
	[tilespmem:v1+s26+$0x0 ss:$0x1] =	vst.idx.msk $0xffff, v56  }
0x8a: {  	v62 =	vld [tilespmem:s25+$0x260];
	s23 =	sadd.s32 $0x1, s23;
	[tilespmem:v0+s26+$0xC10 ss:$0x1] =	vst.idx.msk $0xffff, v57  }
0x8b: {  	v63 =	vld [tilespmem:s25+$0xFFFFFC00];
	p0 =	sne.s32 s23, $0x8;
	[tilespmem:v0+s26+$0xC20 ss:$0x1] =	vst.idx.msk $0xffff, v58  }
.Ltmp4:
0x8c: {  	[tilespmem:v0+s26+$0xC30 ss:$0x1] =	vst.idx.msk $0xffff, v59;
	(pc) =	sbr.rel @p0 .LBB1_3-.Ltmp4, $4  }
0x8d: {  	[tilespmem:v0+s26+$0xC40 ss:$0x1] =	vst.idx.msk $0xffff, v60  }
0x8e: {  	[tilespmem:v0+s26+$0xC50 ss:$0x1] =	vst.idx.msk $0xffff, v61  }
0x8f: {  	s18 =	sadd.s32 $0x800, s18;
	[tilespmem:v0+s26+$0xC60 ss:$0x1] =	vst.idx.msk $0xffff, v62  }
0x90: {  	s22 =	sadd.s32 $0x80, s22;
	s21 =	sadd.s32 $0x1, s21;
	s19 =	sadd.s32 $0x80, s19;
	[tilespmem:v0+s26+$0x0 ss:$0x1] =	vst.idx.msk $0xffff, v63  }
0x91: {  	s16 =	sshll.u32 s16, $0x7;
	s18 =	sand.u32 $0x78, s14  }
0x92: {  	s15 =	sshll.u32 s15, $0x13;
	s31 =	sand.u32 $0x7, s14;
	s19 =	sand.u32 $0x380, s16  }
.Ltmp5:
0x93: {  	s16 =	sand.u32 $0x7FC00, s16;
	s18 =	sor.u32 s19, s18;
	(pc) =	sbr.rel .LBB1_7-.Ltmp5, $4  }
0x94: {  	s15 =	sadd.s32 s3, s15;
	s16 =	sadd.s32 s14, s16;
	s18 =	sshrl.u32 s18, $0x3  }
0x95: {  	s14 =	sshll.u32 s31, $0x12;
	s16 =	sand.u32 $0x7FF80, s16;
	s15 =	sadd.s32 s18, s15  }
0x96: {  	s14 =	sor.u32 $0x1000, s14;
	s15 =	sadd.s32 s16, s15  }
0x97: {  	[hbm4b:s15+s14] =	stream.strided.scatter [tilespmem:s17], [sflag:$0x2], $0x4000, s8, s14, $0x38;
	[tilespmem:$0x10000] =	vst v63  }
.LBB1_8:
0x98: {  	_ =	sfence.sel $0x180000  }
0x99: {  	s2 =	simm.s32 $0x1;
	[bflag:$0x0] =	sbarrier.arrive $0xFFFF  }
0x9a: {  	s31 =	simm.s32 $0x2;
	[sflag:s2] =	ssyncpa.u1 $0x1  }
0x9b: {  	[sflag:s31] =	ssyncpa.u1 $0x1  }
0x9c: {  	p0 =	sne.s32 s0, $0x0;
	_ =	strace $0x90000050  }
0x9d: {  	s0 =	sadd.s32 @!p0 $0x100000, s1;
	[bflag:$0x2] =	sbarrier.arrive $0xFFFF  }
0x9e: {  	[sflag:s0] =	ssyncadd.tile.s32 @!p0 $0x1;
	_ =	shalt  }
.Lfunc_end1:
_tile_overlayer_lowered:
.L_overlay_start_2:
0x9f: {  	(tag) =	ssettag $0x2  }
0xa0: {  	s0 =	rddreg [dreg:$0x0];
	s2 =	stileid.u32  }
0xa1: {  	s1 =	rddreg [dreg:$0x1];
	p0 =	sne.s32 s2, $0x0  }
0xa2: {  	s3 =	rddreg [dreg:$0x2];
	[bflag:$0x3] =	sbarrier.arrive $0xFFFF;
	s2 =	simm.s32 @!p0 $0x1C01  }
0xa3: {  	[timem:s3], [sflag:s2] =	dma.local @!p0 [hbm:s0], s1  }
0xa4: {  	s0 =	simm.s32 @!p0 $0x1  }
0xa5: {  	_ =	swait.ge @!p0 [sflag:s0], s1  }
0xa6: {  	s1 =	ssub.s32 @!p0 $0x0, s1;
	[sflag:s0] =	ssyncset.done @!p0 $0x0  }
0xa7: {  	[sflag:s0] =	ssyncadd.s32 @!p0 s1  }
0xa8: {  	[bflag:$0x3] =	sbarrier.arrive $0xFFFF  }
0xa9: {  	_ =	shalt  }

</sc_bundles>
